<compile_context>
chip_gen: v7x
topology: tpu7x:2x2x1
jax: 0.10.2.dev20260603
libtpu: 0.0.44.dev20260713+nightly
codegen_flags: <defaults>
</compile_context>

<pallas_src>
import functools

import jax
import jax.numpy as jnp
from jax import lax
from jax.experimental import pallas as pl
from jax.experimental.pallas import tpu as pltpu
from jax.experimental.pallas import tpu_sc as plsc

N = 10000
E = 320000
NW = 32
EW = E // NW
CH = 128
NFULL = EW // CH
TAIL = EW - NFULL * CH
ACC_ROWS = 10240
HB = 160
RB = 2000
F32 = jnp.float32

def _z():
    return jnp.int32(0)


_mesh = plsc.VectorSubcoreMesh(core_axis_name="c", subcore_axis_name="s")


NBINS = HB * 64


@functools.partial(
    pl.kernel,
    mesh=_mesh,
    out_type=[
        jax.ShapeDtypeStruct((NW, NBINS), F32),
        jax.ShapeDtypeStruct((NW, NBINS), F32),
    ],
    scratch_types=[
        pltpu.VMEM((EW,), jnp.int32),
        pltpu.VMEM((EW,), jnp.int32),
        pltpu.VMEM((NBINS,), F32),
        pltpu.VMEM((NBINS,), F32),
    ],
    compiler_params=pltpu.CompilerParams(needs_layout_passes=False),
)
def _deg_kernel(src_hbm, dst_hbm, zeros_hbm, odeg_hbm, ideg_hbm,
                src_v, dst_v, ho_v, hi_v):
    c = lax.axis_index("c")
    s = lax.axis_index("s")
    wid = s * 2 + c
    pltpu.sync_copy(zeros_hbm, ho_v)
    pltpu.sync_copy(zeros_hbm, hi_v)
    pltpu.sync_copy(src_hbm.at[pl.ds(wid * EW, EW)], src_v)
    pltpu.sync_copy(dst_hbm.at[pl.ds(wid * EW, EW)], dst_v)
    ones = jnp.ones((16,), F32)

    def body(i, carry):
        sv = src_v[pl.ds(i * 16, 16)]
        dv = dst_v[pl.ds(i * 16, 16)]
        plsc.addupdate_scatter(ho_v, [sv], ones)
        plsc.addupdate_scatter(hi_v, [dv], ones)
        return carry

    lax.fori_loop(jnp.int32(0), jnp.int32(EW // 16), body, jnp.int32(0))
    pltpu.sync_copy(ho_v, odeg_hbm.at[wid])
    pltpu.sync_copy(hi_v, ideg_hbm.at[wid])


@functools.partial(
    pl.kernel,
    mesh=_mesh,
    out_type=jax.ShapeDtypeStruct((2, ACC_ROWS, 64), F32),
    scratch_types=[
        pltpu.VMEM((EW,), jnp.int32),
        pltpu.VMEM((EW,), jnp.int32),
        pltpu.VMEM((CH, 64), F32),
        pltpu.VMEM((CH, 64), F32),
        pltpu.VMEM_SHARED((ACC_ROWS, 64), F32),
        pltpu.VMEM_SHARED((N, 64), F32),
        pltpu.SemaphoreType.DMA,
        pltpu.SemaphoreType.DMA,
    ],
    compiler_params=pltpu.CompilerParams(
        needs_layout_passes=False, use_tc_tiling_on_sc=False),
)
def _agg_kernel(hw_hbm, srcp_hbm, dstp_hbm, parts_hbm,
                src_v, dst_v, rows_a, rows_b, acc, hw_s, sem_a, sem_b):
    c = lax.axis_index("c")
    s = lax.axis_index("s")
    wid = s * 2 + c
    rows_per_tile = ACC_ROWS // 16
    sl = pl.ds(s * rows_per_tile, rows_per_tile)
    hw_rows = N // 16
    hsl = pl.ds(s * hw_rows, hw_rows)
    pltpu.async_copy(hw_hbm.at[hsl], hw_s.at[hsl], sem_b)
    pltpu.async_copy(srcp_hbm.at[wid], src_v, sem_a)
    pltpu.async_copy(dstp_hbm.at[wid], dst_v, sem_a)
    z16 = jnp.zeros((16,), F32)

    def zbody(i, carry):
        rows_a[i, pl.ds(0, 16)] = z16
        rows_a[i, pl.ds(16, 16)] = z16
        rows_a[i, pl.ds(32, 16)] = z16
        rows_a[i, pl.ds(48, 16)] = z16
        return carry

    lax.fori_loop(jnp.int32(0), jnp.int32(CH), zbody, jnp.int32(0))
    for k in range(rows_per_tile // CH):
        pltpu.async_copy(
            rows_a, acc.at[pl.ds(s * rows_per_tile + k * CH, CH)], sem_b)
    pltpu.make_async_copy(srcp_hbm.at[wid], src_v, sem_a).wait()
    pltpu.make_async_copy(dstp_hbm.at[wid], dst_v, sem_a).wait()
    pltpu.make_async_copy(hw_hbm.at[hsl], hw_s.at[hsl], sem_b).wait()
    for k in range(rows_per_tile // CH):
        pltpu.make_async_copy(
            rows_a, acc.at[pl.ds(s * rows_per_tile + k * CH, CH)],
            sem_b).wait()
    plsc.subcore_barrier()

    def _idx(j):
        return src_v.at[pl.ds(j * CH, CH)]

    def _dsti(j):
        return dst_v.at[pl.ds(j * CH, CH)]

    pltpu.async_copy(hw_s.at[_idx(_z())], rows_a, sem_a)

    def body(j, carry):
        ja = j * 2
        pltpu.async_copy(hw_s.at[_idx(ja + 1)], rows_b, sem_b)
        pltpu.make_async_copy(hw_s.at[_idx(ja)], rows_a, sem_a).wait()
        pltpu.sync_copy(rows_a, acc.at[_dsti(ja)], add=True)

        @pl.when(j < NFULL // 2 - 1)
        def _():
            pltpu.async_copy(hw_s.at[_idx(ja + 2)], rows_a, sem_a)

        pltpu.make_async_copy(hw_s.at[_idx(ja + 1)], rows_b, sem_b).wait()
        pltpu.sync_copy(rows_b, acc.at[_dsti(ja + 1)], add=True)
        return carry

    lax.fori_loop(jnp.int32(0), jnp.int32(NFULL // 2), body, jnp.int32(0))
    tsl = pl.ds(NFULL * CH, TAIL)
    rsl = pl.ds(0, TAIL)
    pltpu.sync_copy(hw_s.at[src_v.at[tsl]], rows_a.at[rsl])
    pltpu.sync_copy(rows_a.at[rsl], acc.at[dst_v.at[tsl]], add=True)
    plsc.subcore_barrier()
    pltpu.sync_copy(acc.at[sl], parts_hbm.at[c, sl])


def _norms_body(od_ref, id_ref, onorm_ref, inorm_ref):
    od = jnp.sum(od_ref[...], axis=0, keepdims=True)
    idg = jnp.sum(id_ref[...], axis=0, keepdims=True)
    onorm_ref[...] = jnp.where(od > 0, lax.rsqrt(jnp.maximum(od, 1.0)), 0.0)
    inorm_ref[...] = jnp.where(idg > 0, lax.rsqrt(jnp.maximum(idg, 1.0)), 0.0)


def _norms(odeg_p, ideg_p):
    return pl.pallas_call(
        _norms_body,
        out_shape=[
            jax.ShapeDtypeStruct((1, NBINS), F32),
            jax.ShapeDtypeStruct((1, NBINS), F32),
        ],
    )(odeg_p, ideg_p)


def _xw_body(x_ref, w_ref, o_ref):
    o_ref[...] = lax.dot(x_ref[...], w_ref[...], preferred_element_type=F32)


def _xw(x, W1):
    grid = N // RB
    return pl.pallas_call(
        _xw_body,
        grid=(grid,),
        in_specs=[
            pl.BlockSpec((RB, 128), lambda i: (i, _z())),
            pl.BlockSpec((128, 64), lambda i: (_z(), _z())),
        ],
        out_specs=pl.BlockSpec((RB, 64), lambda i: (i, _z())),
        out_shape=jax.ShapeDtypeStruct((N, 64), F32),
    )(x, W1)


def _scale_body(t_ref, on_ref, o_ref):
    o_ref[...] = t_ref[...] * on_ref[...]


def _scale(t, onorm):
    grid = N // RB
    return pl.pallas_call(
        _scale_body,
        grid=(grid,),
        in_specs=[
            pl.BlockSpec((RB, 64), lambda i: (i, _z())),
            pl.BlockSpec((RB, 1), lambda i: (i, _z())),
        ],
        out_specs=pl.BlockSpec((RB, 64), lambda i: (i, _z())),
        out_shape=jax.ShapeDtypeStruct((N, 64), F32),
    )(t, onorm)


def _mid_body(p_ref, in_ref, b_ref, w_ref, on_ref, o_ref):
    h = jnp.tanh((p_ref[0] + p_ref[1]) * in_ref[...] + b_ref[...])
    o_ref[...] = lax.dot(
        h, w_ref[...], preferred_element_type=F32) * on_ref[...]


def _mid(parts, inorm, b, W, onorm):
    grid = N // RB
    return pl.pallas_call(
        _mid_body,
        grid=(grid,),
        in_specs=[
            pl.BlockSpec((2, RB, 64), lambda i: (_z(), i, _z())),
            pl.BlockSpec((RB, 1), lambda i: (i, _z())),
            pl.BlockSpec((1, 64), lambda i: (_z(), _z())),
            pl.BlockSpec((64, 64), lambda i: (_z(), _z())),
            pl.BlockSpec((RB, 1), lambda i: (i, _z())),
        ],
        out_specs=pl.BlockSpec((RB, 64), lambda i: (i, _z())),
        out_shape=jax.ShapeDtypeStruct((N, 64), F32),
    )(parts, inorm, b, W, onorm)


def _head_body(p_ref, in_ref, b_ref, w_ref, bf_ref, hi_ref, lo_ref):
    h = jnp.tanh((p_ref[0] + p_ref[1]) * in_ref[...] + b_ref[...])
    y = lax.dot(h, w_ref[...], preferred_element_type=F32) + bf_ref[...]
    bits = lax.bitcast_convert_type(y, jnp.uint32)
    sign = bits & jnp.uint32(0x80000000)
    e = (bits >> jnp.uint32(23)) & jnp.uint32(0xFF)
    m = bits & jnp.uint32(0x7FFFFF)
    hi = sign | ((e + jnp.uint32(896)) << jnp.uint32(20)) | (
        m >> jnp.uint32(3))
    nz = e != jnp.uint32(0)
    hi_ref[...] = jnp.where(nz, hi, sign)
    lo_ref[...] = jnp.where(nz, m << jnp.uint32(29), jnp.uint32(0))


def _head(parts, inorm, b, Wfc, bfc):
    grid = N // RB
    return pl.pallas_call(
        _head_body,
        grid=(grid,),
        in_specs=[
            pl.BlockSpec((2, RB, 64), lambda i: (_z(), i, _z())),
            pl.BlockSpec((RB, 1), lambda i: (i, _z())),
            pl.BlockSpec((1, 64), lambda i: (_z(), _z())),
            pl.BlockSpec((64, 10), lambda i: (_z(), _z())),
            pl.BlockSpec((1, 10), lambda i: (_z(), _z())),
        ],
        out_specs=[
            pl.BlockSpec((RB, 10), lambda i: (i, _z())),
            pl.BlockSpec((RB, 10), lambda i: (i, _z())),
        ],
        out_shape=[
            jax.ShapeDtypeStruct((N, 10), jnp.uint32),
            jax.ShapeDtypeStruct((N, 10), jnp.uint32),
        ],
    )(parts, inorm, b, Wfc, bfc)


def kernel(x, edge_index, W1, b1, W2, b2, W3, b3, Wfc, bfc):
    out_dtype = jnp.result_type(x.dtype, W1.dtype)
    x, W1, b1, W2, b2, W3, b3, Wfc, bfc = (
        a.astype(F32) for a in (x, W1, b1, W2, b2, W3, b3, Wfc, bfc))
    src = edge_index[0].astype(jnp.int32)
    dst = edge_index[1].astype(jnp.int32)
    srcp = src.reshape(NW, EW)
    dstp = dst.reshape(NW, EW)
    zhist = jnp.zeros((NBINS,), F32)

    t1 = _xw(x, W1)
    odeg_p, ideg_p = _deg_kernel(src, dst, zhist)
    onorm_hb, inorm_hb = _norms(odeg_p, ideg_p)
    onorm = onorm_hb.reshape(NBINS)[:N].reshape(N, 1)
    inorm = inorm_hb.reshape(NBINS)[:N].reshape(N, 1)

    hw = _scale(t1, onorm)
    parts = _agg_kernel(hw, srcp, dstp)
    hw = _mid(parts, inorm, b1.reshape(1, 64), W2, onorm)
    parts = _agg_kernel(hw, srcp, dstp)
    hw = _mid(parts, inorm, b2.reshape(1, 64), W3, onorm)
    parts = _agg_kernel(hw, srcp, dstp)
    hi, lo = _head(parts, inorm, b3.reshape(1, 64), Wfc, bfc.reshape(1, 10))
    return lax.bitcast_convert_type(
        jnp.stack([lo, hi], axis=-1), jnp.float64).astype(out_dtype)

# --- scband reference (transcript-rebuilt; emitter-appended) ---
"""Pipeline reference for scband-gcn-45595372815203 (READ-ONLY COPY).

The authoritative reference and input builder live on the scoring server;
editing this copy changes nothing except your own understanding.
"""

import jax
jax.config.update('jax_enable_x64', True)
import jax.numpy as jnp
import numpy as np

N_NODES = 10000
N_EDGES = 320000
IN_FEATS = 128
H1 = 64
H2 = 64
H3 = 64
N_CLASSES = 10


def setup_inputs(seed: int = 0) -> dict:
    key = jax.random.key(seed)
    ks = jax.random.split(key, 12)
    x = jax.random.normal(ks[0], (N_NODES, IN_FEATS), dtype=jnp.float32)
    edge_index = jax.random.randint(ks[1], (2, N_EDGES), 0, N_NODES, dtype=jnp.int64)
    W1 = jax.random.normal(ks[2], (IN_FEATS, H1), dtype=jnp.float32) * (1.0 / np.sqrt(IN_FEATS))
    b1 = jnp.zeros((H1,), dtype=jnp.float32)
    W2 = jax.random.normal(ks[3], (H1, H2), dtype=jnp.float32) * (1.0 / np.sqrt(H1))
    b2 = jnp.zeros((H2,), dtype=jnp.float32)
    W3 = jax.random.normal(ks[4], (H2, H3), dtype=jnp.float32) * (1.0 / np.sqrt(H2))
    b3 = jnp.zeros((H3,), dtype=jnp.float32)
    Wfc = jax.random.normal(ks[5], (H3, N_CLASSES), dtype=jnp.float32) * (1.0 / np.sqrt(H3))
    bfc = jnp.zeros((N_CLASSES,), dtype=jnp.float32)
    return {"x": x, "edge_index": edge_index, "W1": W1, "b1": b1, "W2": W2, "b2": b2, "W3": W3, "b3": b3, "Wfc": Wfc, "bfc": bfc}


def reference(x, edge_index, W1, b1, W2, b2, W3, b3, Wfc, bfc):
    # Faithful port of a 3-layer DGL GraphConv stack (norm='both', bias=True)
    # followed by a Linear head, with Tanh activations between conv layers.
    N = x.shape[0]
    src = edge_index[0]
    dst = edge_index[1]
    ones = jnp.ones((src.shape[0],), dtype=jnp.float32)
    out_deg = jax.ops.segment_sum(ones, src, num_segments=N)
    in_deg = jax.ops.segment_sum(ones, dst, num_segments=N)
    out_norm = jnp.where(out_deg > 0, jax.lax.rsqrt(jnp.maximum(out_deg, 1.0)), 0.0)
    in_norm = jnp.where(in_deg > 0, jax.lax.rsqrt(jnp.maximum(in_deg, 1.0)), 0.0)

    def graph_conv(h, W, b):
        h = h @ W                      # project (mult-first; linear, so order-equivalent)
        h = h * out_norm[:, None]      # D_out^{-1/2} on source side
        msg = h[src]                   # gather along edges (SparseCore gather)
        agg = jax.ops.segment_sum(msg, dst, num_segments=N)  # scatter-add
        agg = agg * in_norm[:, None]   # D_in^{-1/2} on destination side
        return agg + b

    h = jnp.tanh(graph_conv(x, W1, b1))
    h = jnp.tanh(graph_conv(h, W2, b2))
    h = jnp.tanh(graph_conv(h, W3, b3))
    out = h @ Wfc + bfc
    return out

if __name__ == "__main__":
    import jax
    _d = setup_inputs()
    print(jax.jit(kernel)(*tuple(_d.values())))

</pallas_src>

<mosaic_0001>
#map = affine_map<(d0, d1) -> (0, 0)>
#map1 = affine_map<(d0, d1) -> (0, 0, 0)>
module attributes {stable_mosaic.version = 14 : i64} {
  func.func @_agg_kernel(%arg0: i32, %arg1: i32, %arg2: memref<10000x64xf32, #tpu.memory_space<hbm>>, %arg3: memref<32x10000xi32, #tpu.memory_space<hbm>>, %arg4: memref<32x10000xi32, #tpu.memory_space<hbm>>, %arg5: memref<2x10240x64xf32, #tpu.memory_space<hbm>>, %arg6: memref<10000xi32, #tpu.memory_space<vmem>>, %arg7: memref<10000xi32, #tpu.memory_space<vmem>>, %arg8: memref<128x64xf32, #tpu.memory_space<vmem>>, %arg9: memref<128x64xf32, #tpu.memory_space<vmem>>, %arg10: memref<10240x64xf32, #tpu.memory_space<vmem_shared>>, %arg11: memref<10000x64xf32, #tpu.memory_space<vmem_shared>>, %arg12: memref<!tpu.dma_semaphore, #tpu.memory_space<semaphore_mem>>, %arg13: memref<!tpu.dma_semaphore, #tpu.memory_space<semaphore_mem>>) attributes {dimension_semantics = [#tpu.dimension_semantics<core_parallel>, #tpu.dimension_semantics<subcore_parallel>], iteration_bounds = array<i64: 2, 16>, scalar_prefetch = 0 : i64, scratch_operands = 8 : i64, tpu.core_type = #tpu.core_type<sc_vector_subcore>, window_params = [{transform_indices = #map}, {transform_indices = #map}, {transform_indices = #map}, {transform_indices = #map1}]} {
    %mul3A = arith.constant 2 : i32
    %mul3A_0 = arith.muli %arg1, %mul3A : i32
    %add3A = arith.addi %mul3A_0, %arg0 : i32
    %mul3A_1 = arith.constant 640 : i32
    %mul3A_2 = arith.muli %arg1, %mul3A_1 : i32
    %mul3A_3 = arith.constant 625 : i32
    %mul3A_4 = arith.muli %arg1, %mul3A_3 : i32
    %dma_start3A = arith.constant 0 : i32
    %dma_start3A_5 = tpu.memref_slice %arg11[%mul3A_4, %dma_start3A] : memref<10000x64xf32, #tpu.memory_space<vmem_shared>> -> memref<625x64xf32, #tpu.memory_space<vmem_shared>>
    %dma_start3A_6 = arith.constant 0 : i32
    %dma_start3A_7 = tpu.memref_slice %arg2[%mul3A_4, %dma_start3A_6] : memref<10000x64xf32, #tpu.memory_space<hbm>> -> memref<625x64xf32, #tpu.memory_space<hbm>>
    tpu.enqueue_dma source(%dma_start3A_7 : memref<625x64xf32, #tpu.memory_space<hbm>>) target(%dma_start3A_5 : memref<625x64xf32, #tpu.memory_space<vmem_shared>>) target_semaphore(%arg13 : memref<!tpu.dma_semaphore, #tpu.memory_space<semaphore_mem>>)
    %dma_start3A_8 = arith.constant 0 : i32
    %dma_start3A_9 = tpu.memref_slice %arg3[%add3A, %dma_start3A_8] : memref<32x10000xi32, #tpu.memory_space<hbm>> -> memref<1x10000xi32, #tpu.memory_space<hbm>>
    %dma_start3A_10 = tpu.memref_squeeze %dma_start3A_9 : memref<1x10000xi32, #tpu.memory_space<hbm>> -> memref<10000xi32, #tpu.memory_space<hbm>>
    %dma_start3A_11 = arith.constant 0 : i32
    %dma_start3A_12 = tpu.memref_slice %arg3[%add3A, %dma_start3A_11] : memref<32x10000xi32, #tpu.memory_space<hbm>> -> memref<1x10000xi32, #tpu.memory_space<hbm>>
    %dma_start3A_13 = tpu.memref_squeeze %dma_start3A_12 : memref<1x10000xi32, #tpu.memory_space<hbm>> -> memref<10000xi32, #tpu.memory_space<hbm>>
    tpu.enqueue_dma source(%dma_start3A_13 : memref<10000xi32, #tpu.memory_space<hbm>>) target(%arg6 : memref<10000xi32, #tpu.memory_space<vmem>>) target_semaphore(%arg12 : memref<!tpu.dma_semaphore, #tpu.memory_space<semaphore_mem>>)
    %dma_start3A_14 = arith.constant 0 : i32
    %dma_start3A_15 = tpu.memref_slice %arg4[%add3A, %dma_start3A_14] : memref<32x10000xi32, #tpu.memory_space<hbm>> -> memref<1x10000xi32, #tpu.memory_space<hbm>>
    %dma_start3A_16 = tpu.memref_squeeze %dma_start3A_15 : memref<1x10000xi32, #tpu.memory_space<hbm>> -> memref<10000xi32, #tpu.memory_space<hbm>>
    %dma_start3A_17 = arith.constant 0 : i32
    %dma_start3A_18 = tpu.memref_slice %arg4[%add3A, %dma_start3A_17] : memref<32x10000xi32, #tpu.memory_space<hbm>> -> memref<1x10000xi32, #tpu.memory_space<hbm>>
    %dma_start3A_19 = tpu.memref_squeeze %dma_start3A_18 : memref<1x10000xi32, #tpu.memory_space<hbm>> -> memref<10000xi32, #tpu.memory_space<hbm>>
    tpu.enqueue_dma source(%dma_start3A_19 : memref<10000xi32, #tpu.memory_space<hbm>>) target(%arg7 : memref<10000xi32, #tpu.memory_space<vmem>>) target_semaphore(%arg12 : memref<!tpu.dma_semaphore, #tpu.memory_space<semaphore_mem>>)
    %broadcast_in_dim3A = arith.constant 0.000000e+00 : f32
    %broadcast_in_dim3A_20 = vector.broadcast %broadcast_in_dim3A : f32 to vector<16xf32>
    %while3A = arith.constant 0 : i32
    %while3A_21 = arith.constant 0 : i32
    %while3A_22 = arith.constant 128 : i32
    %while3A_23 = arith.subi %while3A_22, %while3A_21 : i32
    %while3A_24 = arith.addi %while3A_21, %while3A_23 : i32
    %while3A_25 = arith.constant 1 : i32
    %while3A_26 = arith.divsi %while3A_23, %while3A_25 : i32
    %while3A_27 = arith.muli %while3A_26, %while3A_25 : i32
    %while3A_28 = arith.addi %while3A_21, %while3A_27 : i32
    %while3A_29 = arith.constant 1 : i32
    scf.for %while3A_145 = %while3A_21 to %while3A_28 step %while3A_29  : i32 {
      %swap3A = arith.index_cast %while3A_145 : i32 to index
      %swap3A_146 = arith.constant 0 : index
      %swap3A_147 = tpu.vector_load %arg8[%swap3A, %swap3A_146] {strides = array<i32>} : memref<128x64xf32, #tpu.memory_space<vmem>>, vector<16xf32>,
      tpu.vector_store %arg8[%swap3A, %swap3A_146], %broadcast_in_dim3A_20 {strides = array<i32>} : memref<128x64xf32, #tpu.memory_space<vmem>>, vector<16xf32>,
      %swap3A_148 = arith.index_cast %while3A_145 : i32 to index
      %swap3A_149 = arith.constant 16 : index
      %swap3A_150 = tpu.vector_load %arg8[%swap3A_148, %swap3A_149] {strides = array<i32>} : memref<128x64xf32, #tpu.memory_space<vmem>>, vector<16xf32>,
      tpu.vector_store %arg8[%swap3A_148, %swap3A_149], %broadcast_in_dim3A_20 {strides = array<i32>} : memref<128x64xf32, #tpu.memory_space<vmem>>, vector<16xf32>,
      %swap3A_151 = arith.index_cast %while3A_145 : i32 to index
      %swap3A_152 = arith.constant 32 : index
      %swap3A_153 = tpu.vector_load %arg8[%swap3A_151, %swap3A_152] {strides = array<i32>} : memref<128x64xf32, #tpu.memory_space<vmem>>, vector<16xf32>,
      tpu.vector_store %arg8[%swap3A_151, %swap3A_152], %broadcast_in_dim3A_20 {strides = array<i32>} : memref<128x64xf32, #tpu.memory_space<vmem>>, vector<16xf32>,
      %swap3A_154 = arith.index_cast %while3A_145 : i32 to index
      %swap3A_155 = arith.constant 48 : index
      %swap3A_156 = tpu.vector_load %arg8[%swap3A_154, %swap3A_155] {strides = array<i32>} : memref<128x64xf32, #tpu.memory_space<vmem>>, vector<16xf32>,
      tpu.vector_store %arg8[%swap3A_154, %swap3A_155], %broadcast_in_dim3A_20 {strides = array<i32>} : memref<128x64xf32, #tpu.memory_space<vmem>>, vector<16xf32>,
    }
    %while3A_30 = arith.constant 1 : i32
    scf.for %while3A_145 = %while3A_28 to %while3A_24 step %while3A_30  : i32 {
      %swap3A = arith.index_cast %while3A_145 : i32 to index
      %swap3A_146 = arith.constant 0 : index
      %swap3A_147 = tpu.vector_load %arg8[%swap3A, %swap3A_146] {strides = array<i32>} : memref<128x64xf32, #tpu.memory_space<vmem>>, vector<16xf32>,
      tpu.vector_store %arg8[%swap3A, %swap3A_146], %broadcast_in_dim3A_20 {strides = array<i32>} : memref<128x64xf32, #tpu.memory_space<vmem>>, vector<16xf32>,
      %swap3A_148 = arith.index_cast %while3A_145 : i32 to index
      %swap3A_149 = arith.constant 16 : index
      %swap3A_150 = tpu.vector_load %arg8[%swap3A_148, %swap3A_149] {strides = array<i32>} : memref<128x64xf32, #tpu.memory_space<vmem>>, vector<16xf32>,
      tpu.vector_store %arg8[%swap3A_148, %swap3A_149], %broadcast_in_dim3A_20 {strides = array<i32>} : memref<128x64xf32, #tpu.memory_space<vmem>>, vector<16xf32>,
      %swap3A_151 = arith.index_cast %while3A_145 : i32 to index
      %swap3A_152 = arith.constant 32 : index
      %swap3A_153 = tpu.vector_load %arg8[%swap3A_151, %swap3A_152] {strides = array<i32>} : memref<128x64xf32, #tpu.memory_space<vmem>>, vector<16xf32>,
      tpu.vector_store %arg8[%swap3A_151, %swap3A_152], %broadcast_in_dim3A_20 {strides = array<i32>} : memref<128x64xf32, #tpu.memory_space<vmem>>, vector<16xf32>,
      %swap3A_154 = arith.index_cast %while3A_145 : i32 to index
      %swap3A_155 = arith.constant 48 : index
      %swap3A_156 = tpu.vector_load %arg8[%swap3A_154, %swap3A_155] {strides = array<i32>} : memref<128x64xf32, #tpu.memory_space<vmem>>, vector<16xf32>,
      tpu.vector_store %arg8[%swap3A_154, %swap3A_155], %broadcast_in_dim3A_20 {strides = array<i32>} : memref<128x64xf32, #tpu.memory_space<vmem>>, vector<16xf32>,
    }
    %mul3A_31 = arith.constant 640 : i32
    %mul3A_32 = arith.muli %arg1, %mul3A_31 : i32
    %add3A_33 = arith.constant 0 : i32
    %add3A_34 = arith.addi %mul3A_32, %add3A_33 : i32
    %dma_start3A_35 = arith.constant 0 : i32
    %dma_start3A_36 = tpu.memref_slice %arg10[%add3A_34, %dma_start3A_35] : memref<10240x64xf32, #tpu.memory_space<vmem_shared>> -> memref<128x64xf32, #tpu.memory_space<vmem_shared>>
    %dma_start3A_37 = arith.constant 0 : i32
    %dma_start3A_38 = tpu.memref_slice %arg10[%add3A_34, %dma_start3A_37] : memref<10240x64xf32, #tpu.memory_space<vmem_shared>> -> memref<128x64xf32, #tpu.memory_space<vmem_shared>>
    tpu.enqueue_dma source(%arg8 : memref<128x64xf32, #tpu.memory_space<vmem>>) target(%dma_start3A_38 : memref<128x64xf32, #tpu.memory_space<vmem_shared>>) target_semaphore(%arg13 : memref<!tpu.dma_semaphore, #tpu.memory_space<semaphore_mem>>)
    %mul3A_39 = arith.constant 640 : i32
    %mul3A_40 = arith.muli %arg1, %mul3A_39 : i32
    %add3A_41 = arith.constant 128 : i32
    %add3A_42 = arith.addi %mul3A_40, %add3A_41 : i32
    %dma_start3A_43 = arith.constant 0 : i32
    %dma_start3A_44 = tpu.memref_slice %arg10[%add3A_42, %dma_start3A_43] : memref<10240x64xf32, #tpu.memory_space<vmem_shared>> -> memref<128x64xf32, #tpu.memory_space<vmem_shared>>
    %dma_start3A_45 = arith.constant 0 : i32
    %dma_start3A_46 = tpu.memref_slice %arg10[%add3A_42, %dma_start3A_45] : memref<10240x64xf32, #tpu.memory_space<vmem_shared>> -> memref<128x64xf32, #tpu.memory_space<vmem_shared>>
    tpu.enqueue_dma source(%arg8 : memref<128x64xf32, #tpu.memory_space<vmem>>) target(%dma_start3A_46 : memref<128x64xf32, #tpu.memory_space<vmem_shared>>) target_semaphore(%arg13 : memref<!tpu.dma_semaphore, #tpu.memory_space<semaphore_mem>>)
    %mul3A_47 = arith.constant 640 : i32
    %mul3A_48 = arith.muli %arg1, %mul3A_47 : i32
    %add3A_49 = arith.constant 256 : i32
    %add3A_50 = arith.addi %mul3A_48, %add3A_49 : i32
    %dma_start3A_51 = arith.constant 0 : i32
    %dma_start3A_52 = tpu.memref_slice %arg10[%add3A_50, %dma_start3A_51] : memref<10240x64xf32, #tpu.memory_space<vmem_shared>> -> memref<128x64xf32, #tpu.memory_space<vmem_shared>>
    %dma_start3A_53 = arith.constant 0 : i32
    %dma_start3A_54 = tpu.memref_slice %arg10[%add3A_50, %dma_start3A_53] : memref<10240x64xf32, #tpu.memory_space<vmem_shared>> -> memref<128x64xf32, #tpu.memory_space<vmem_shared>>
    tpu.enqueue_dma source(%arg8 : memref<128x64xf32, #tpu.memory_space<vmem>>) target(%dma_start3A_54 : memref<128x64xf32, #tpu.memory_space<vmem_shared>>) target_semaphore(%arg13 : memref<!tpu.dma_semaphore, #tpu.memory_space<semaphore_mem>>)
    %mul3A_55 = arith.constant 640 : i32
    %mul3A_56 = arith.muli %arg1, %mul3A_55 : i32
    %add3A_57 = arith.constant 384 : i32
    %add3A_58 = arith.addi %mul3A_56, %add3A_57 : i32
    %dma_start3A_59 = arith.constant 0 : i32
    %dma_start3A_60 = tpu.memref_slice %arg10[%add3A_58, %dma_start3A_59] : memref<10240x64xf32, #tpu.memory_space<vmem_shared>> -> memref<128x64xf32, #tpu.memory_space<vmem_shared>>
    %dma_start3A_61 = arith.constant 0 : i32
    %dma_start3A_62 = tpu.memref_slice %arg10[%add3A_58, %dma_start3A_61] : memref<10240x64xf32, #tpu.memory_space<vmem_shared>> -> memref<128x64xf32, #tpu.memory_space<vmem_shared>>
    tpu.enqueue_dma source(%arg8 : memref<128x64xf32, #tpu.memory_space<vmem>>) target(%dma_start3A_62 : memref<128x64xf32, #tpu.memory_space<vmem_shared>>) target_semaphore(%arg13 : memref<!tpu.dma_semaphore, #tpu.memory_space<semaphore_mem>>)
    %mul3A_63 = arith.constant 640 : i32
    %mul3A_64 = arith.muli %arg1, %mul3A_63 : i32
    %add3A_65 = arith.constant 512 : i32
    %add3A_66 = arith.addi %mul3A_64, %add3A_65 : i32
    %dma_start3A_67 = arith.constant 0 : i32
    %dma_start3A_68 = tpu.memref_slice %arg10[%add3A_66, %dma_start3A_67] : memref<10240x64xf32, #tpu.memory_space<vmem_shared>> -> memref<128x64xf32, #tpu.memory_space<vmem_shared>>
    %dma_start3A_69 = arith.constant 0 : i32
    %dma_start3A_70 = tpu.memref_slice %arg10[%add3A_66, %dma_start3A_69] : memref<10240x64xf32, #tpu.memory_space<vmem_shared>> -> memref<128x64xf32, #tpu.memory_space<vmem_shared>>
    tpu.enqueue_dma source(%arg8 : memref<128x64xf32, #tpu.memory_space<vmem>>) target(%dma_start3A_70 : memref<128x64xf32, #tpu.memory_space<vmem_shared>>) target_semaphore(%arg13 : memref<!tpu.dma_semaphore, #tpu.memory_space<semaphore_mem>>)
    %dma_wait3A = arith.constant 0 : i32
    %dma_wait3A_71 = tpu.memref_slice %arg3[%add3A, %dma_wait3A] : memref<32x10000xi32, #tpu.memory_space<hbm>> -> memref<1x10000xi32, #tpu.memory_space<hbm>>
    %dma_wait3A_72 = tpu.memref_squeeze %dma_wait3A_71 : memref<1x10000xi32, #tpu.memory_space<hbm>> -> memref<10000xi32, #tpu.memory_space<hbm>>
    %dma_wait3A_73 = arith.constant 0 : i32
    %dma_wait3A_74 = tpu.memref_slice %arg3[%add3A, %dma_wait3A_73] : memref<32x10000xi32, #tpu.memory_space<hbm>> -> memref<1x10000xi32, #tpu.memory_space<hbm>>
    %dma_wait3A_75 = tpu.memref_squeeze %dma_wait3A_74 : memref<1x10000xi32, #tpu.memory_space<hbm>> -> memref<10000xi32, #tpu.memory_space<hbm>>
    tpu.wait_dma2 semaphore(%arg12 : memref<!tpu.dma_semaphore, #tpu.memory_space<semaphore_mem>>) src(%dma_wait3A_75 : memref<10000xi32, #tpu.memory_space<hbm>>) dst(%arg6 : memref<10000xi32, #tpu.memory_space<vmem>>)
    %dma_wait3A_76 = arith.constant 0 : i32
    %dma_wait3A_77 = tpu.memref_slice %arg4[%add3A, %dma_wait3A_76] : memref<32x10000xi32, #tpu.memory_space<hbm>> -> memref<1x10000xi32, #tpu.memory_space<hbm>>
    %dma_wait3A_78 = tpu.memref_squeeze %dma_wait3A_77 : memref<1x10000xi32, #tpu.memory_space<hbm>> -> memref<10000xi32, #tpu.memory_space<hbm>>
    %dma_wait3A_79 = arith.constant 0 : i32
    %dma_wait3A_80 = tpu.memref_slice %arg4[%add3A, %dma_wait3A_79] : memref<32x10000xi32, #tpu.memory_space<hbm>> -> memref<1x10000xi32, #tpu.memory_space<hbm>>
    %dma_wait3A_81 = tpu.memref_squeeze %dma_wait3A_80 : memref<1x10000xi32, #tpu.memory_space<hbm>> -> memref<10000xi32, #tpu.memory_space<hbm>>
    tpu.wait_dma2 semaphore(%arg12 : memref<!tpu.dma_semaphore, #tpu.memory_space<semaphore_mem>>) src(%dma_wait3A_81 : memref<10000xi32, #tpu.memory_space<hbm>>) dst(%arg7 : memref<10000xi32, #tpu.memory_space<vmem>>)
    %dma_wait3A_82 = arith.constant 0 : i32
    %dma_wait3A_83 = tpu.memref_slice %arg11[%mul3A_4, %dma_wait3A_82] : memref<10000x64xf32, #tpu.memory_space<vmem_shared>> -> memref<625x64xf32, #tpu.memory_space<vmem_shared>>
    %dma_wait3A_84 = arith.constant 0 : i32
    %dma_wait3A_85 = tpu.memref_slice %arg2[%mul3A_4, %dma_wait3A_84] : memref<10000x64xf32, #tpu.memory_space<hbm>> -> memref<625x64xf32, #tpu.memory_space<hbm>>
    tpu.wait_dma2 semaphore(%arg13 : memref<!tpu.dma_semaphore, #tpu.memory_space<semaphore_mem>>) src(%dma_wait3A_85 : memref<625x64xf32, #tpu.memory_space<hbm>>) dst(%dma_wait3A_83 : memref<625x64xf32, #tpu.memory_space<vmem_shared>>)
    %mul3A_86 = arith.constant 640 : i32
    %mul3A_87 = arith.muli %arg1, %mul3A_86 : i32
    %add3A_88 = arith.constant 0 : i32
    %add3A_89 = arith.addi %mul3A_87, %add3A_88 : i32
    %dma_wait3A_90 = arith.constant 0 : i32
    %dma_wait3A_91 = tpu.memref_slice %arg10[%add3A_89, %dma_wait3A_90] : memref<10240x64xf32, #tpu.memory_space<vmem_shared>> -> memref<128x64xf32, #tpu.memory_space<vmem_shared>>
    %dma_wait3A_92 = arith.constant 0 : i32
    %dma_wait3A_93 = tpu.memref_slice %arg10[%add3A_89, %dma_wait3A_92] : memref<10240x64xf32, #tpu.memory_space<vmem_shared>> -> memref<128x64xf32, #tpu.memory_space<vmem_shared>>
    tpu.wait_dma2 semaphore(%arg13 : memref<!tpu.dma_semaphore, #tpu.memory_space<semaphore_mem>>) src(%arg8 : memref<128x64xf32, #tpu.memory_space<vmem>>) dst(%dma_wait3A_93 : memref<128x64xf32, #tpu.memory_space<vmem_shared>>)
    %mul3A_94 = arith.constant 640 : i32
    %mul3A_95 = arith.muli %arg1, %mul3A_94 : i32
    %add3A_96 = arith.constant 128 : i32
    %add3A_97 = arith.addi %mul3A_95, %add3A_96 : i32
    %dma_wait3A_98 = arith.constant 0 : i32
    %dma_wait3A_99 = tpu.memref_slice %arg10[%add3A_97, %dma_wait3A_98] : memref<10240x64xf32, #tpu.memory_space<vmem_shared>> -> memref<128x64xf32, #tpu.memory_space<vmem_shared>>
    %dma_wait3A_100 = arith.constant 0 : i32
    %dma_wait3A_101 = tpu.memref_slice %arg10[%add3A_97, %dma_wait3A_100] : memref<10240x64xf32, #tpu.memory_space<vmem_shared>> -> memref<128x64xf32, #tpu.memory_space<vmem_shared>>
    tpu.wait_dma2 semaphore(%arg13 : memref<!tpu.dma_semaphore, #tpu.memory_space<semaphore_mem>>) src(%arg8 : memref<128x64xf32, #tpu.memory_space<vmem>>) dst(%dma_wait3A_101 : memref<128x64xf32, #tpu.memory_space<vmem_shared>>)
    %mul3A_102 = arith.constant 640 : i32
    %mul3A_103 = arith.muli %arg1, %mul3A_102 : i32
    %add3A_104 = arith.constant 256 : i32
    %add3A_105 = arith.addi %mul3A_103, %add3A_104 : i32
    %dma_wait3A_106 = arith.constant 0 : i32
    %dma_wait3A_107 = tpu.memref_slice %arg10[%add3A_105, %dma_wait3A_106] : memref<10240x64xf32, #tpu.memory_space<vmem_shared>> -> memref<128x64xf32, #tpu.memory_space<vmem_shared>>
    %dma_wait3A_108 = arith.constant 0 : i32
    %dma_wait3A_109 = tpu.memref_slice %arg10[%add3A_105, %dma_wait3A_108] : memref<10240x64xf32, #tpu.memory_space<vmem_shared>> -> memref<128x64xf32, #tpu.memory_space<vmem_shared>>
    tpu.wait_dma2 semaphore(%arg13 : memref<!tpu.dma_semaphore, #tpu.memory_space<semaphore_mem>>) src(%arg8 : memref<128x64xf32, #tpu.memory_space<vmem>>) dst(%dma_wait3A_109 : memref<128x64xf32, #tpu.memory_space<vmem_shared>>)
    %mul3A_110 = arith.constant 640 : i32
    %mul3A_111 = arith.muli %arg1, %mul3A_110 : i32
    %add3A_112 = arith.constant 384 : i32
    %add3A_113 = arith.addi %mul3A_111, %add3A_112 : i32
    %dma_wait3A_114 = arith.constant 0 : i32
    %dma_wait3A_115 = tpu.memref_slice %arg10[%add3A_113, %dma_wait3A_114] : memref<10240x64xf32, #tpu.memory_space<vmem_shared>> -> memref<128x64xf32, #tpu.memory_space<vmem_shared>>
    %dma_wait3A_116 = arith.constant 0 : i32
    %dma_wait3A_117 = tpu.memref_slice %arg10[%add3A_113, %dma_wait3A_116] : memref<10240x64xf32, #tpu.memory_space<vmem_shared>> -> memref<128x64xf32, #tpu.memory_space<vmem_shared>>
    tpu.wait_dma2 semaphore(%arg13 : memref<!tpu.dma_semaphore, #tpu.memory_space<semaphore_mem>>) src(%arg8 : memref<128x64xf32, #tpu.memory_space<vmem>>) dst(%dma_wait3A_117 : memref<128x64xf32, #tpu.memory_space<vmem_shared>>)
    %mul3A_118 = arith.constant 640 : i32
    %mul3A_119 = arith.muli %arg1, %mul3A_118 : i32
    %add3A_120 = arith.constant 512 : i32
    %add3A_121 = arith.addi %mul3A_119, %add3A_120 : i32
    %dma_wait3A_122 = arith.constant 0 : i32
    %dma_wait3A_123 = tpu.memref_slice %arg10[%add3A_121, %dma_wait3A_122] : memref<10240x64xf32, #tpu.memory_space<vmem_shared>> -> memref<128x64xf32, #tpu.memory_space<vmem_shared>>
    %dma_wait3A_124 = arith.constant 0 : i32
    %dma_wait3A_125 = tpu.memref_slice %arg10[%add3A_121, %dma_wait3A_124] : memref<10240x64xf32, #tpu.memory_space<vmem_shared>> -> memref<128x64xf32, #tpu.memory_space<vmem_shared>>
    tpu.wait_dma2 semaphore(%arg13 : memref<!tpu.dma_semaphore, #tpu.memory_space<semaphore_mem>>) src(%arg8 : memref<128x64xf32, #tpu.memory_space<vmem>>) dst(%dma_wait3A_125 : memref<128x64xf32, #tpu.memory_space<vmem_shared>>)
    %barrier3A = arith.constant 0 : index
    tpu.barrier barrier_id(%barrier3A)
    %mul3A_126 = arith.constant 0 : i32
    %mul3A_127 = arith.constant 128 : i32
    %mul3A_128 = arith.muli %mul3A_126, %mul3A_127 : i32
    %dma_start3A_129 = tpu.memref_slice %arg6[%mul3A_128] : memref<10000xi32, #tpu.memory_space<vmem>> -> memref<128xi32, #tpu.memory_space<vmem>>
    %dma_start3A_130 = arith.constant 0 : i32
    %dma_start3A_131 = arith.constant 0 : i32
    %dma_start3A_132 = tpu.memref_slice %arg11[%dma_start3A_130, %dma_start3A_131] : memref<10000x64xf32, #tpu.memory_space<vmem_shared>> -> memref<10000x64xf32, #tpu.memory_space<vmem_shared>>
    tpu.enqueue_indirect_dma source(%dma_start3A_132 : memref<10000x64xf32, #tpu.memory_space<vmem_shared>>) target(%arg8 : memref<128x64xf32, #tpu.memory_space<vmem>>) offsets(%dma_start3A_129 : memref<128xi32, #tpu.memory_space<vmem>>) semaphore(%arg12 : memref<!tpu.dma_semaphore, #tpu.memory_space<semaphore_mem>>)
    %while3A_133 = arith.constant 0 : i32
    %while3A_134 = arith.constant 0 : i32
    %while3A_135 = arith.constant 39 : i32
    %while3A_136 = arith.subi %while3A_135, %while3A_134 : i32
    %while3A_137 = arith.addi %while3A_134, %while3A_136 : i32
    %while3A_138 = arith.constant 1 : i32
    %while3A_139 = arith.divsi %while3A_136, %while3A_138 : i32
    %while3A_140 = arith.muli %while3A_139, %while3A_138 : i32
    %while3A_141 = arith.addi %while3A_134, %while3A_140 : i32
    %while3A_142 = arith.constant 1 : i32
    scf.for %while3A_145 = %while3A_134 to %while3A_141 step %while3A_142  : i32 {
      %mul3A_146 = arith.constant 2 : i32
      %mul3A_147 = arith.muli %while3A_145, %mul3A_146 : i32
      %add3A_148 = arith.constant 1 : i32
      %add3A_149 = arith.addi %mul3A_147, %add3A_148 : i32
      %mul3A_150 = arith.constant 128 : i32
      %mul3A_151 = arith.muli %add3A_149, %mul3A_150 : i32
      %dma_start3A_152 = tpu.memref_slice %arg6[%mul3A_151] : memref<10000xi32, #tpu.memory_space<vmem>> -> memref<128xi32, #tpu.memory_space<vmem>>
      %dma_start3A_153 = arith.constant 0 : i32
      %dma_start3A_154 = arith.constant 0 : i32
      %dma_start3A_155 = tpu.memref_slice %arg11[%dma_start3A_153, %dma_start3A_154] : memref<10000x64xf32, #tpu.memory_space<vmem_shared>> -> memref<10000x64xf32, #tpu.memory_space<vmem_shared>>
      tpu.enqueue_indirect_dma source(%dma_start3A_155 : memref<10000x64xf32, #tpu.memory_space<vmem_shared>>) target(%arg9 : memref<128x64xf32, #tpu.memory_space<vmem>>) offsets(%dma_start3A_152 : memref<128xi32, #tpu.memory_space<vmem>>) semaphore(%arg13 : memref<!tpu.dma_semaphore, #tpu.memory_space<semaphore_mem>>)
      %mul3A_156 = arith.constant 128 : i32
      %mul3A_157 = arith.muli %mul3A_147, %mul3A_156 : i32
      %dma_wait3A_158 = tpu.memref_slice %arg6[%mul3A_157] : memref<10000xi32, #tpu.memory_space<vmem>> -> memref<128xi32, #tpu.memory_space<vmem>>
      %dma_wait3A_159 = arith.constant 0 : i32
      %dma_wait3A_160 = arith.constant 0 : i32
      %dma_wait3A_161 = tpu.memref_slice %arg11[%dma_wait3A_159, %dma_wait3A_160] : memref<10000x64xf32, #tpu.memory_space<vmem_shared>> -> memref<10000x64xf32, #tpu.memory_space<vmem_shared>>
      tpu.wait_indirect_dma semaphore(%arg12 : memref<!tpu.dma_semaphore, #tpu.memory_space<semaphore_mem>>) src(%dma_wait3A_161 : memref<10000x64xf32, #tpu.memory_space<vmem_shared>>) dst(%arg8 : memref<128x64xf32, #tpu.memory_space<vmem>>)
      %mul3A_162 = arith.constant 128 : i32
      %mul3A_163 = arith.muli %mul3A_147, %mul3A_162 : i32
      "tpu.region"() ({
        %run_scoped3A = tpu.sem_alloc : memref<!tpu.dma_semaphore, #tpu.memory_space<semaphore_mem>>
        %dma_start3A_178 = tpu.memref_slice %arg7[%mul3A_163] : memref<10000xi32, #tpu.memory_space<vmem>> -> memref<128xi32, #tpu.memory_space<vmem>>
        %dma_start3A_179 = arith.constant 0 : i32
        %dma_start3A_180 = arith.constant 0 : i32
        %dma_start3A_181 = tpu.memref_slice %arg10[%dma_start3A_179, %dma_start3A_180] : memref<10240x64xf32, #tpu.memory_space<vmem_shared>> -> memref<10240x64xf32, #tpu.memory_space<vmem_shared>>
        tpu.enqueue_indirect_dma source(%arg8 : memref<128x64xf32, #tpu.memory_space<vmem>>) target(%dma_start3A_181 : memref<10240x64xf32, #tpu.memory_space<vmem_shared>>) offsets(%dma_start3A_178 : memref<128xi32, #tpu.memory_space<vmem>>) semaphore(%run_scoped3A : memref<!tpu.dma_semaphore, #tpu.memory_space<semaphore_mem>>) {add = true}
        %dma_wait3A_182 = tpu.memref_slice %arg7[%mul3A_163] : memref<10000xi32, #tpu.memory_space<vmem>> -> memref<128xi32, #tpu.memory_space<vmem>>
        %dma_wait3A_183 = arith.constant 0 : i32
        %dma_wait3A_184 = arith.constant 0 : i32
        %dma_wait3A_185 = tpu.memref_slice %arg10[%dma_wait3A_183, %dma_wait3A_184] : memref<10240x64xf32, #tpu.memory_space<vmem_shared>> -> memref<10240x64xf32, #tpu.memory_space<vmem_shared>>
        tpu.wait_indirect_dma semaphore(%run_scoped3A : memref<!tpu.dma_semaphore, #tpu.memory_space<semaphore_mem>>) src(%arg8 : memref<128x64xf32, #tpu.memory_space<vmem>>) dst(%dma_wait3A_185 : memref<10240x64xf32, #tpu.memory_space<vmem_shared>>)
        tpu.yield
      }) : () -> ()
      %lt3A = arith.constant 38 : i32
      %lt3A_164 = arith.cmpi slt, %while3A_145, %lt3A : i32
      %convert_element_type3A = arith.extui %lt3A_164 : i1 to i32
      %cond3A = arith.constant 0 : i32
      %cond3A_165 = arith.cmpi ne, %convert_element_type3A, %cond3A : i32
      scf.if %cond3A_165 {
        %add3A_178 = arith.constant 2 : i32
        %add3A_179 = arith.addi %mul3A_147, %add3A_178 : i32
        %mul3A_180 = arith.constant 128 : i32
        %mul3A_181 = arith.muli %add3A_179, %mul3A_180 : i32
        %dma_start3A_182 = tpu.memref_slice %arg6[%mul3A_181] : memref<10000xi32, #tpu.memory_space<vmem>> -> memref<128xi32, #tpu.memory_space<vmem>>
        %dma_start3A_183 = arith.constant 0 : i32
        %dma_start3A_184 = arith.constant 0 : i32
        %dma_start3A_185 = tpu.memref_slice %arg11[%dma_start3A_183, %dma_start3A_184] : memref<10000x64xf32, #tpu.memory_space<vmem_shared>> -> memref<10000x64xf32, #tpu.memory_space<vmem_shared>>
        tpu.enqueue_indirect_dma source(%dma_start3A_185 : memref<10000x64xf32, #tpu.memory_space<vmem_shared>>) target(%arg8 : memref<128x64xf32, #tpu.memory_space<vmem>>) offsets(%dma_start3A_182 : memref<128xi32, #tpu.memory_space<vmem>>) semaphore(%arg12 : memref<!tpu.dma_semaphore, #tpu.memory_space<semaphore_mem>>)
      } else {
      }
      %add3A_166 = arith.constant 1 : i32
      %add3A_167 = arith.addi %mul3A_147, %add3A_166 : i32
      %mul3A_168 = arith.constant 128 : i32
      %mul3A_169 = arith.muli %add3A_167, %mul3A_168 : i32
      %dma_wait3A_170 = tpu.memref_slice %arg6[%mul3A_169] : memref<10000xi32, #tpu.memory_space<vmem>> -> memref<128xi32, #tpu.memory_space<vmem>>
      %dma_wait3A_171 = arith.constant 0 : i32
      %dma_wait3A_172 = arith.constant 0 : i32
      %dma_wait3A_173 = tpu.memref_slice %arg11[%dma_wait3A_171, %dma_wait3A_172] : memref<10000x64xf32, #tpu.memory_space<vmem_shared>> -> memref<10000x64xf32, #tpu.memory_space<vmem_shared>>
      tpu.wait_indirect_dma semaphore(%arg13 : memref<!tpu.dma_semaphore, #tpu.memory_space<semaphore_mem>>) src(%dma_wait3A_173 : memref<10000x64xf32, #tpu.memory_space<vmem_shared>>) dst(%arg9 : memref<128x64xf32, #tpu.memory_space<vmem>>)
      %add3A_174 = arith.constant 1 : i32
      %add3A_175 = arith.addi %mul3A_147, %add3A_174 : i32
      %mul3A_176 = arith.constant 128 : i32
      %mul3A_177 = arith.muli %add3A_175, %mul3A_176 : i32
      "tpu.region"() ({
        %run_scoped3A = tpu.sem_alloc : memref<!tpu.dma_semaphore, #tpu.memory_space<semaphore_mem>>
        %dma_start3A_178 = tpu.memref_slice %arg7[%mul3A_177] : memref<10000xi32, #tpu.memory_space<vmem>> -> memref<128xi32, #tpu.memory_space<vmem>>
        %dma_start3A_179 = arith.constant 0 : i32
        %dma_start3A_180 = arith.constant 0 : i32
        %dma_start3A_181 = tpu.memref_slice %arg10[%dma_start3A_179, %dma_start3A_180] : memref<10240x64xf32, #tpu.memory_space<vmem_shared>> -> memref<10240x64xf32, #tpu.memory_space<vmem_shared>>
        tpu.enqueue_indirect_dma source(%arg9 : memref<128x64xf32, #tpu.memory_space<vmem>>) target(%dma_start3A_181 : memref<10240x64xf32, #tpu.memory_space<vmem_shared>>) offsets(%dma_start3A_178 : memref<128xi32, #tpu.memory_space<vmem>>) semaphore(%run_scoped3A : memref<!tpu.dma_semaphore, #tpu.memory_space<semaphore_mem>>) {add = true}
        %dma_wait3A_182 = tpu.memref_slice %arg7[%mul3A_177] : memref<10000xi32, #tpu.memory_space<vmem>> -> memref<128xi32, #tpu.memory_space<vmem>>
        %dma_wait3A_183 = arith.constant 0 : i32
        %dma_wait3A_184 = arith.constant 0 : i32
        %dma_wait3A_185 = tpu.memref_slice %arg10[%dma_wait3A_183, %dma_wait3A_184] : memref<10240x64xf32, #tpu.memory_space<vmem_shared>> -> memref<10240x64xf32, #tpu.memory_space<vmem_shared>>
        tpu.wait_indirect_dma semaphore(%run_scoped3A : memref<!tpu.dma_semaphore, #tpu.memory_space<semaphore_mem>>) src(%arg9 : memref<128x64xf32, #tpu.memory_space<vmem>>) dst(%dma_wait3A_185 : memref<10240x64xf32, #tpu.memory_space<vmem_shared>>)
        tpu.yield
      }) : () -> ()
    }
    %while3A_143 = arith.constant 1 : i32
    scf.for %while3A_145 = %while3A_141 to %while3A_137 step %while3A_143  : i32 {
      %mul3A_146 = arith.constant 2 : i32
      %mul3A_147 = arith.muli %while3A_145, %mul3A_146 : i32
      %add3A_148 = arith.constant 1 : i32
      %add3A_149 = arith.addi %mul3A_147, %add3A_148 : i32
      %mul3A_150 = arith.constant 128 : i32
      %mul3A_151 = arith.muli %add3A_149, %mul3A_150 : i32
      %dma_start3A_152 = tpu.memref_slice %arg6[%mul3A_151] : memref<10000xi32, #tpu.memory_space<vmem>> -> memref<128xi32, #tpu.memory_space<vmem>>
      %dma_start3A_153 = arith.constant 0 : i32
      %dma_start3A_154 = arith.constant 0 : i32
      %dma_start3A_155 = tpu.memref_slice %arg11[%dma_start3A_153, %dma_start3A_154] : memref<10000x64xf32, #tpu.memory_space<vmem_shared>> -> memref<10000x64xf32, #tpu.memory_space<vmem_shared>>
      tpu.enqueue_indirect_dma source(%dma_start3A_155 : memref<10000x64xf32, #tpu.memory_space<vmem_shared>>) target(%arg9 : memref<128x64xf32, #tpu.memory_space<vmem>>) offsets(%dma_start3A_152 : memref<128xi32, #tpu.memory_space<vmem>>) semaphore(%arg13 : memref<!tpu.dma_semaphore, #tpu.memory_space<semaphore_mem>>)
      %mul3A_156 = arith.constant 128 : i32
      %mul3A_157 = arith.muli %mul3A_147, %mul3A_156 : i32
      %dma_wait3A_158 = tpu.memref_slice %arg6[%mul3A_157] : memref<10000xi32, #tpu.memory_space<vmem>> -> memref<128xi32, #tpu.memory_space<vmem>>
      %dma_wait3A_159 = arith.constant 0 : i32
      %dma_wait3A_160 = arith.constant 0 : i32
      %dma_wait3A_161 = tpu.memref_slice %arg11[%dma_wait3A_159, %dma_wait3A_160] : memref<10000x64xf32, #tpu.memory_space<vmem_shared>> -> memref<10000x64xf32, #tpu.memory_space<vmem_shared>>
      tpu.wait_indirect_dma semaphore(%arg12 : memref<!tpu.dma_semaphore, #tpu.memory_space<semaphore_mem>>) src(%dma_wait3A_161 : memref<10000x64xf32, #tpu.memory_space<vmem_shared>>) dst(%arg8 : memref<128x64xf32, #tpu.memory_space<vmem>>)
      %mul3A_162 = arith.constant 128 : i32
      %mul3A_163 = arith.muli %mul3A_147, %mul3A_162 : i32
      "tpu.region"() ({
        %run_scoped3A = tpu.sem_alloc : memref<!tpu.dma_semaphore, #tpu.memory_space<semaphore_mem>>
        %dma_start3A_178 = tpu.memref_slice %arg7[%mul3A_163] : memref<10000xi32, #tpu.memory_space<vmem>> -> memref<128xi32, #tpu.memory_space<vmem>>
        %dma_start3A_179 = arith.constant 0 : i32
        %dma_start3A_180 = arith.constant 0 : i32
        %dma_start3A_181 = tpu.memref_slice %arg10[%dma_start3A_179, %dma_start3A_180] : memref<10240x64xf32, #tpu.memory_space<vmem_shared>> -> memref<10240x64xf32, #tpu.memory_space<vmem_shared>>
        tpu.enqueue_indirect_dma source(%arg8 : memref<128x64xf32, #tpu.memory_space<vmem>>) target(%dma_start3A_181 : memref<10240x64xf32, #tpu.memory_space<vmem_shared>>) offsets(%dma_start3A_178 : memref<128xi32, #tpu.memory_space<vmem>>) semaphore(%run_scoped3A : memref<!tpu.dma_semaphore, #tpu.memory_space<semaphore_mem>>) {add = true}
        %dma_wait3A_182 = tpu.memref_slice %arg7[%mul3A_163] : memref<10000xi32, #tpu.memory_space<vmem>> -> memref<128xi32, #tpu.memory_space<vmem>>
        %dma_wait3A_183 = arith.constant 0 : i32
        %dma_wait3A_184 = arith.constant 0 : i32
        %dma_wait3A_185 = tpu.memref_slice %arg10[%dma_wait3A_183, %dma_wait3A_184] : memref<10240x64xf32, #tpu.memory_space<vmem_shared>> -> memref<10240x64xf32, #tpu.memory_space<vmem_shared>>
        tpu.wait_indirect_dma semaphore(%run_scoped3A : memref<!tpu.dma_semaphore, #tpu.memory_space<semaphore_mem>>) src(%arg8 : memref<128x64xf32, #tpu.memory_space<vmem>>) dst(%dma_wait3A_185 : memref<10240x64xf32, #tpu.memory_space<vmem_shared>>)
        tpu.yield
      }) : () -> ()
      %lt3A = arith.constant 38 : i32
      %lt3A_164 = arith.cmpi slt, %while3A_145, %lt3A : i32
      %convert_element_type3A = arith.extui %lt3A_164 : i1 to i32
      %cond3A = arith.constant 0 : i32
      %cond3A_165 = arith.cmpi ne, %convert_element_type3A, %cond3A : i32
      scf.if %cond3A_165 {
        %add3A_178 = arith.constant 2 : i32
        %add3A_179 = arith.addi %mul3A_147, %add3A_178 : i32
        %mul3A_180 = arith.constant 128 : i32
        %mul3A_181 = arith.muli %add3A_179, %mul3A_180 : i32
        %dma_start3A_182 = tpu.memref_slice %arg6[%mul3A_181] : memref<10000xi32, #tpu.memory_space<vmem>> -> memref<128xi32, #tpu.memory_space<vmem>>
        %dma_start3A_183 = arith.constant 0 : i32
        %dma_start3A_184 = arith.constant 0 : i32
        %dma_start3A_185 = tpu.memref_slice %arg11[%dma_start3A_183, %dma_start3A_184] : memref<10000x64xf32, #tpu.memory_space<vmem_shared>> -> memref<10000x64xf32, #tpu.memory_space<vmem_shared>>
        tpu.enqueue_indirect_dma source(%dma_start3A_185 : memref<10000x64xf32, #tpu.memory_space<vmem_shared>>) target(%arg8 : memref<128x64xf32, #tpu.memory_space<vmem>>) offsets(%dma_start3A_182 : memref<128xi32, #tpu.memory_space<vmem>>) semaphore(%arg12 : memref<!tpu.dma_semaphore, #tpu.memory_space<semaphore_mem>>)
      } else {
      }
      %add3A_166 = arith.constant 1 : i32
      %add3A_167 = arith.addi %mul3A_147, %add3A_166 : i32
      %mul3A_168 = arith.constant 128 : i32
      %mul3A_169 = arith.muli %add3A_167, %mul3A_168 : i32
      %dma_wait3A_170 = tpu.memref_slice %arg6[%mul3A_169] : memref<10000xi32, #tpu.memory_space<vmem>> -> memref<128xi32, #tpu.memory_space<vmem>>
      %dma_wait3A_171 = arith.constant 0 : i32
      %dma_wait3A_172 = arith.constant 0 : i32
      %dma_wait3A_173 = tpu.memref_slice %arg11[%dma_wait3A_171, %dma_wait3A_172] : memref<10000x64xf32, #tpu.memory_space<vmem_shared>> -> memref<10000x64xf32, #tpu.memory_space<vmem_shared>>
      tpu.wait_indirect_dma semaphore(%arg13 : memref<!tpu.dma_semaphore, #tpu.memory_space<semaphore_mem>>) src(%dma_wait3A_173 : memref<10000x64xf32, #tpu.memory_space<vmem_shared>>) dst(%arg9 : memref<128x64xf32, #tpu.memory_space<vmem>>)
      %add3A_174 = arith.constant 1 : i32
      %add3A_175 = arith.addi %mul3A_147, %add3A_174 : i32
      %mul3A_176 = arith.constant 128 : i32
      %mul3A_177 = arith.muli %add3A_175, %mul3A_176 : i32
      "tpu.region"() ({
        %run_scoped3A = tpu.sem_alloc : memref<!tpu.dma_semaphore, #tpu.memory_space<semaphore_mem>>
        %dma_start3A_178 = tpu.memref_slice %arg7[%mul3A_177] : memref<10000xi32, #tpu.memory_space<vmem>> -> memref<128xi32, #tpu.memory_space<vmem>>
        %dma_start3A_179 = arith.constant 0 : i32
        %dma_start3A_180 = arith.constant 0 : i32
        %dma_start3A_181 = tpu.memref_slice %arg10[%dma_start3A_179, %dma_start3A_180] : memref<10240x64xf32, #tpu.memory_space<vmem_shared>> -> memref<10240x64xf32, #tpu.memory_space<vmem_shared>>
        tpu.enqueue_indirect_dma source(%arg9 : memref<128x64xf32, #tpu.memory_space<vmem>>) target(%dma_start3A_181 : memref<10240x64xf32, #tpu.memory_space<vmem_shared>>) offsets(%dma_start3A_178 : memref<128xi32, #tpu.memory_space<vmem>>) semaphore(%run_scoped3A : memref<!tpu.dma_semaphore, #tpu.memory_space<semaphore_mem>>) {add = true}
        %dma_wait3A_182 = tpu.memref_slice %arg7[%mul3A_177] : memref<10000xi32, #tpu.memory_space<vmem>> -> memref<128xi32, #tpu.memory_space<vmem>>
        %dma_wait3A_183 = arith.constant 0 : i32
        %dma_wait3A_184 = arith.constant 0 : i32
        %dma_wait3A_185 = tpu.memref_slice %arg10[%dma_wait3A_183, %dma_wait3A_184] : memref<10240x64xf32, #tpu.memory_space<vmem_shared>> -> memref<10240x64xf32, #tpu.memory_space<vmem_shared>>
        tpu.wait_indirect_dma semaphore(%run_scoped3A : memref<!tpu.dma_semaphore, #tpu.memory_space<semaphore_mem>>) src(%arg9 : memref<128x64xf32, #tpu.memory_space<vmem>>) dst(%dma_wait3A_185 : memref<10240x64xf32, #tpu.memory_space<vmem_shared>>)
        tpu.yield
      }) : () -> ()
    }
    "tpu.region"() ({
      %run_scoped3A = tpu.sem_alloc : memref<!tpu.dma_semaphore, #tpu.memory_space<semaphore_mem>>
      %dma_start3A_145 = arith.constant 0 : i32
      %dma_start3A_146 = arith.constant 0 : i32
      %dma_start3A_147 = tpu.memref_slice %arg8[%dma_start3A_145, %dma_start3A_146] : memref<128x64xf32, #tpu.memory_space<vmem>> -> memref<16x64xf32, #tpu.memory_space<vmem>>
      %dma_start3A_148 = arith.constant 9984 : i32
      %dma_start3A_149 = tpu.memref_slice %arg6[%dma_start3A_148] : memref<10000xi32, #tpu.memory_space<vmem>> -> memref<16xi32, #tpu.memory_space<vmem>>
      %dma_start3A_150 = arith.constant 0 : i32
      %dma_start3A_151 = arith.constant 0 : i32
      %dma_start3A_152 = tpu.memref_slice %arg11[%dma_start3A_150, %dma_start3A_151] : memref<10000x64xf32, #tpu.memory_space<vmem_shared>> -> memref<10000x64xf32, #tpu.memory_space<vmem_shared>>
      tpu.enqueue_indirect_dma source(%dma_start3A_152 : memref<10000x64xf32, #tpu.memory_space<vmem_shared>>) target(%dma_start3A_147 : memref<16x64xf32, #tpu.memory_space<vmem>>) offsets(%dma_start3A_149 : memref<16xi32, #tpu.memory_space<vmem>>) semaphore(%run_scoped3A : memref<!tpu.dma_semaphore, #tpu.memory_space<semaphore_mem>>)
      %dma_wait3A_153 = arith.constant 0 : i32
      %dma_wait3A_154 = arith.constant 0 : i32
      %dma_wait3A_155 = tpu.memref_slice %arg8[%dma_wait3A_153, %dma_wait3A_154] : memref<128x64xf32, #tpu.memory_space<vmem>> -> memref<16x64xf32, #tpu.memory_space<vmem>>
      %dma_wait3A_156 = arith.constant 9984 : i32
      %dma_wait3A_157 = tpu.memref_slice %arg6[%dma_wait3A_156] : memref<10000xi32, #tpu.memory_space<vmem>> -> memref<16xi32, #tpu.memory_space<vmem>>
      %dma_wait3A_158 = arith.constant 0 : i32
      %dma_wait3A_159 = arith.constant 0 : i32
      %dma_wait3A_160 = tpu.memref_slice %arg11[%dma_wait3A_158, %dma_wait3A_159] : memref<10000x64xf32, #tpu.memory_space<vmem_shared>> -> memref<10000x64xf32, #tpu.memory_space<vmem_shared>>
      tpu.wait_indirect_dma semaphore(%run_scoped3A : memref<!tpu.dma_semaphore, #tpu.memory_space<semaphore_mem>>) src(%dma_wait3A_160 : memref<10000x64xf32, #tpu.memory_space<vmem_shared>>) dst(%dma_wait3A_155 : memref<16x64xf32, #tpu.memory_space<vmem>>)
      tpu.yield
    }) : () -> ()
    "tpu.region"() ({
      %run_scoped3A = tpu.sem_alloc : memref<!tpu.dma_semaphore, #tpu.memory_space<semaphore_mem>>
      %dma_start3A_145 = arith.constant 0 : i32
      %dma_start3A_146 = arith.constant 0 : i32
      %dma_start3A_147 = tpu.memref_slice %arg8[%dma_start3A_145, %dma_start3A_146] : memref<128x64xf32, #tpu.memory_space<vmem>> -> memref<16x64xf32, #tpu.memory_space<vmem>>
      %dma_start3A_148 = arith.constant 9984 : i32
      %dma_start3A_149 = tpu.memref_slice %arg7[%dma_start3A_148] : memref<10000xi32, #tpu.memory_space<vmem>> -> memref<16xi32, #tpu.memory_space<vmem>>
      %dma_start3A_150 = arith.constant 0 : i32
      %dma_start3A_151 = arith.constant 0 : i32
      %dma_start3A_152 = tpu.memref_slice %arg10[%dma_start3A_150, %dma_start3A_151] : memref<10240x64xf32, #tpu.memory_space<vmem_shared>> -> memref<10240x64xf32, #tpu.memory_space<vmem_shared>>
      tpu.enqueue_indirect_dma source(%dma_start3A_147 : memref<16x64xf32, #tpu.memory_space<vmem>>) target(%dma_start3A_152 : memref<10240x64xf32, #tpu.memory_space<vmem_shared>>) offsets(%dma_start3A_149 : memref<16xi32, #tpu.memory_space<vmem>>) semaphore(%run_scoped3A : memref<!tpu.dma_semaphore, #tpu.memory_space<semaphore_mem>>) {add = true}
      %dma_wait3A_153 = arith.constant 0 : i32
      %dma_wait3A_154 = arith.constant 0 : i32
      %dma_wait3A_155 = tpu.memref_slice %arg8[%dma_wait3A_153, %dma_wait3A_154] : memref<128x64xf32, #tpu.memory_space<vmem>> -> memref<16x64xf32, #tpu.memory_space<vmem>>
      %dma_wait3A_156 = arith.constant 9984 : i32
      %dma_wait3A_157 = tpu.memref_slice %arg7[%dma_wait3A_156] : memref<10000xi32, #tpu.memory_space<vmem>> -> memref<16xi32, #tpu.memory_space<vmem>>
      %dma_wait3A_158 = arith.constant 0 : i32
      %dma_wait3A_159 = arith.constant 0 : i32
      %dma_wait3A_160 = tpu.memref_slice %arg10[%dma_wait3A_158, %dma_wait3A_159] : memref<10240x64xf32, #tpu.memory_space<vmem_shared>> -> memref<10240x64xf32, #tpu.memory_space<vmem_shared>>
      tpu.wait_indirect_dma semaphore(%run_scoped3A : memref<!tpu.dma_semaphore, #tpu.memory_space<semaphore_mem>>) src(%dma_wait3A_155 : memref<16x64xf32, #tpu.memory_space<vmem>>) dst(%dma_wait3A_160 : memref<10240x64xf32, #tpu.memory_space<vmem_shared>>)
      tpu.yield
    }) : () -> ()
    %barrier3A_144 = arith.constant 0 : index
    tpu.barrier barrier_id(%barrier3A_144)
    "tpu.region"() ({
      %run_scoped3A = tpu.sem_alloc : memref<!tpu.dma_semaphore, #tpu.memory_space<semaphore_mem>>
      %dma_start3A_145 = arith.constant 0 : i32
      %dma_start3A_146 = tpu.memref_slice %arg5[%arg0, %mul3A_2, %dma_start3A_145] : memref<2x10240x64xf32, #tpu.memory_space<hbm>> -> memref<1x640x64xf32, #tpu.memory_space<hbm>>
      %dma_start3A_147 = tpu.memref_squeeze %dma_start3A_146 : memref<1x640x64xf32, #tpu.memory_space<hbm>> -> memref<640x64xf32, #tpu.memory_space<hbm>>
      %dma_start3A_148 = arith.constant 0 : i32
      %dma_start3A_149 = tpu.memref_slice %arg10[%mul3A_2, %dma_start3A_148] : memref<10240x64xf32, #tpu.memory_space<vmem_shared>> -> memref<640x64xf32, #tpu.memory_space<vmem_shared>>
      tpu.enqueue_dma source(%dma_start3A_149 : memref<640x64xf32, #tpu.memory_space<vmem_shared>>) target(%dma_start3A_147 : memref<640x64xf32, #tpu.memory_space<hbm>>) target_semaphore(%run_scoped3A : memref<!tpu.dma_semaphore, #tpu.memory_space<semaphore_mem>>)
      %dma_wait3A_150 = arith.constant 0 : i32
      %dma_wait3A_151 = tpu.memref_slice %arg5[%arg0, %mul3A_2, %dma_wait3A_150] : memref<2x10240x64xf32, #tpu.memory_space<hbm>> -> memref<1x640x64xf32, #tpu.memory_space<hbm>>
      %dma_wait3A_152 = tpu.memref_squeeze %dma_wait3A_151 : memref<1x640x64xf32, #tpu.memory_space<hbm>> -> memref<640x64xf32, #tpu.memory_space<hbm>>
      %dma_wait3A_153 = arith.constant 0 : i32
      %dma_wait3A_154 = tpu.memref_slice %arg10[%mul3A_2, %dma_wait3A_153] : memref<10240x64xf32, #tpu.memory_space<vmem_shared>> -> memref<640x64xf32, #tpu.memory_space<vmem_shared>>
      tpu.wait_dma2 semaphore(%run_scoped3A : memref<!tpu.dma_semaphore, #tpu.memory_space<semaphore_mem>>) src(%dma_wait3A_154 : memref<640x64xf32, #tpu.memory_space<vmem_shared>>) dst(%dma_wait3A_152 : memref<640x64xf32, #tpu.memory_space<hbm>>)
      tpu.yield
    }) : () -> ()
    return
  }
}

#map = affine_map<(d0, d1) -> (0)>
#map1 = affine_map<(d0, d1) -> (0, 0)>
module attributes {stable_mosaic.version = 14 : i64} {
  func.func @_deg_kernel(%arg0: i32, %arg1: i32, %arg2: memref<320000xi32, #tpu.memory_space<hbm>>, %arg3: memref<320000xi32, #tpu.memory_space<hbm>>, %arg4: memref<10240xf32, #tpu.memory_space<hbm>>, %arg5: memref<32x10240xf32, #tpu.memory_space<hbm>>, %arg6: memref<32x10240xf32, #tpu.memory_space<hbm>>, %arg7: memref<10000xi32, #tpu.memory_space<vmem>>, %arg8: memref<10000xi32, #tpu.memory_space<vmem>>, %arg9: memref<10240xf32, #tpu.memory_space<vmem>>, %arg10: memref<10240xf32, #tpu.memory_space<vmem>>) attributes {dimension_semantics = [#tpu.dimension_semantics<core_parallel>, #tpu.dimension_semantics<subcore_parallel>], iteration_bounds = array<i64: 2, 16>, scalar_prefetch = 0 : i64, scratch_operands = 4 : i64, tpu.core_type = #tpu.core_type<sc_vector_subcore>, window_params = [{transform_indices = #map}, {transform_indices = #map}, {transform_indices = #map}, {transform_indices = #map1}, {transform_indices = #map1}]} {
    %mul3A = arith.constant 2 : i32
    %mul3A_0 = arith.muli %arg1, %mul3A : i32
    %add3A = arith.addi %mul3A_0, %arg0 : i32
    "tpu.region"() ({
      %run_scoped3A = tpu.sem_alloc : memref<!tpu.dma_semaphore, #tpu.memory_space<semaphore_mem>>
      tpu.enqueue_dma source(%arg4 : memref<10240xf32, #tpu.memory_space<hbm>>) target(%arg9 : memref<10240xf32, #tpu.memory_space<vmem>>) target_semaphore(%run_scoped3A : memref<!tpu.dma_semaphore, #tpu.memory_space<semaphore_mem>>)
      tpu.wait_dma2 semaphore(%run_scoped3A : memref<!tpu.dma_semaphore, #tpu.memory_space<semaphore_mem>>) src(%arg4 : memref<10240xf32, #tpu.memory_space<hbm>>) dst(%arg9 : memref<10240xf32, #tpu.memory_space<vmem>>)
      tpu.yield
    }) : () -> ()
    "tpu.region"() ({
      %run_scoped3A = tpu.sem_alloc : memref<!tpu.dma_semaphore, #tpu.memory_space<semaphore_mem>>
      tpu.enqueue_dma source(%arg4 : memref<10240xf32, #tpu.memory_space<hbm>>) target(%arg10 : memref<10240xf32, #tpu.memory_space<vmem>>) target_semaphore(%run_scoped3A : memref<!tpu.dma_semaphore, #tpu.memory_space<semaphore_mem>>)
      tpu.wait_dma2 semaphore(%run_scoped3A : memref<!tpu.dma_semaphore, #tpu.memory_space<semaphore_mem>>) src(%arg4 : memref<10240xf32, #tpu.memory_space<hbm>>) dst(%arg10 : memref<10240xf32, #tpu.memory_space<vmem>>)
      tpu.yield
    }) : () -> ()
    %mul3A_1 = arith.constant 10000 : i32
    %mul3A_2 = arith.muli %add3A, %mul3A_1 : i32
    "tpu.region"() ({
      %run_scoped3A = tpu.sem_alloc : memref<!tpu.dma_semaphore, #tpu.memory_space<semaphore_mem>>
      %dma_start3A = tpu.memref_slice %arg2[%mul3A_2] : memref<320000xi32, #tpu.memory_space<hbm>> -> memref<10000xi32, #tpu.memory_space<hbm>>
      %dma_start3A_16 = tpu.memref_slice %arg2[%mul3A_2] : memref<320000xi32, #tpu.memory_space<hbm>> -> memref<10000xi32, #tpu.memory_space<hbm>>
      tpu.enqueue_dma source(%dma_start3A_16 : memref<10000xi32, #tpu.memory_space<hbm>>) target(%arg7 : memref<10000xi32, #tpu.memory_space<vmem>>) target_semaphore(%run_scoped3A : memref<!tpu.dma_semaphore, #tpu.memory_space<semaphore_mem>>)
      %dma_wait3A = tpu.memref_slice %arg2[%mul3A_2] : memref<320000xi32, #tpu.memory_space<hbm>> -> memref<10000xi32, #tpu.memory_space<hbm>>
      %dma_wait3A_17 = tpu.memref_slice %arg2[%mul3A_2] : memref<320000xi32, #tpu.memory_space<hbm>> -> memref<10000xi32, #tpu.memory_space<hbm>>
      tpu.wait_dma2 semaphore(%run_scoped3A : memref<!tpu.dma_semaphore, #tpu.memory_space<semaphore_mem>>) src(%dma_wait3A_17 : memref<10000xi32, #tpu.memory_space<hbm>>) dst(%arg7 : memref<10000xi32, #tpu.memory_space<vmem>>)
      tpu.yield
    }) : () -> ()
    %mul3A_3 = arith.constant 10000 : i32
    %mul3A_4 = arith.muli %add3A, %mul3A_3 : i32
    "tpu.region"() ({
      %run_scoped3A = tpu.sem_alloc : memref<!tpu.dma_semaphore, #tpu.memory_space<semaphore_mem>>
      %dma_start3A = tpu.memref_slice %arg3[%mul3A_4] : memref<320000xi32, #tpu.memory_space<hbm>> -> memref<10000xi32, #tpu.memory_space<hbm>>
      %dma_start3A_16 = tpu.memref_slice %arg3[%mul3A_4] : memref<320000xi32, #tpu.memory_space<hbm>> -> memref<10000xi32, #tpu.memory_space<hbm>>
      tpu.enqueue_dma source(%dma_start3A_16 : memref<10000xi32, #tpu.memory_space<hbm>>) target(%arg8 : memref<10000xi32, #tpu.memory_space<vmem>>) target_semaphore(%run_scoped3A : memref<!tpu.dma_semaphore, #tpu.memory_space<semaphore_mem>>)
      %dma_wait3A = tpu.memref_slice %arg3[%mul3A_4] : memref<320000xi32, #tpu.memory_space<hbm>> -> memref<10000xi32, #tpu.memory_space<hbm>>
      %dma_wait3A_17 = tpu.memref_slice %arg3[%mul3A_4] : memref<320000xi32, #tpu.memory_space<hbm>> -> memref<10000xi32, #tpu.memory_space<hbm>>
      tpu.wait_dma2 semaphore(%run_scoped3A : memref<!tpu.dma_semaphore, #tpu.memory_space<semaphore_mem>>) src(%dma_wait3A_17 : memref<10000xi32, #tpu.memory_space<hbm>>) dst(%arg8 : memref<10000xi32, #tpu.memory_space<vmem>>)
      tpu.yield
    }) : () -> ()
    %broadcast_in_dim3A = arith.constant 1.000000e+00 : f32
    %broadcast_in_dim3A_5 = vector.broadcast %broadcast_in_dim3A : f32 to vector<16xf32>
    %while3A = arith.constant 0 : i32
    %while3A_6 = arith.constant 0 : i32
    %while3A_7 = arith.constant 625 : i32
    %while3A_8 = arith.subi %while3A_7, %while3A_6 : i32
    %while3A_9 = arith.addi %while3A_6, %while3A_8 : i32
    %while3A_10 = arith.constant 1 : i32
    %while3A_11 = arith.divsi %while3A_8, %while3A_10 : i32
    %while3A_12 = arith.muli %while3A_11, %while3A_10 : i32
    %while3A_13 = arith.addi %while3A_6, %while3A_12 : i32
    %while3A_14 = arith.constant 1 : i32
    scf.for %while3A_16 = %while3A_6 to %while3A_13 step %while3A_14  : i32 {
      %mul3A_17 = arith.constant 16 : i32
      %mul3A_18 = arith.muli %while3A_16, %mul3A_17 : i32
      %get3A = arith.index_cast %mul3A_18 : i32 to index
      %get3A_19 = tpu.vector_load %arg7[%get3A] {strides = array<i32>} : memref<10000xi32, #tpu.memory_space<vmem>>, vector<16xi32>,
      %mul3A_20 = arith.constant 16 : i32
      %mul3A_21 = arith.muli %while3A_16, %mul3A_20 : i32
      %get3A_22 = arith.index_cast %mul3A_21 : i32 to index
      %get3A_23 = tpu.vector_load %arg8[%get3A_22] {strides = array<i32>} : memref<10000xi32, #tpu.memory_space<vmem>>, vector<16xi32>,
      tpu.vector_store_idx %arg9[%get3A_19], %broadcast_in_dim3A_5 {add = true} : memref<10240xf32, #tpu.memory_space<vmem>>[vector<16xi32>], vector<16xf32>,
      tpu.vector_store_idx %arg10[%get3A_23], %broadcast_in_dim3A_5 {add = true} : memref<10240xf32, #tpu.memory_space<vmem>>[vector<16xi32>], vector<16xf32>,
    }
    %while3A_15 = arith.constant 1 : i32
    scf.for %while3A_16 = %while3A_13 to %while3A_9 step %while3A_15  : i32 {
      %mul3A_17 = arith.constant 16 : i32
      %mul3A_18 = arith.muli %while3A_16, %mul3A_17 : i32
      %get3A = arith.index_cast %mul3A_18 : i32 to index
      %get3A_19 = tpu.vector_load %arg7[%get3A] {strides = array<i32>} : memref<10000xi32, #tpu.memory_space<vmem>>, vector<16xi32>,
      %mul3A_20 = arith.constant 16 : i32
      %mul3A_21 = arith.muli %while3A_16, %mul3A_20 : i32
      %get3A_22 = arith.index_cast %mul3A_21 : i32 to index
      %get3A_23 = tpu.vector_load %arg8[%get3A_22] {strides = array<i32>} : memref<10000xi32, #tpu.memory_space<vmem>>, vector<16xi32>,
      tpu.vector_store_idx %arg9[%get3A_19], %broadcast_in_dim3A_5 {add = true} : memref<10240xf32, #tpu.memory_space<vmem>>[vector<16xi32>], vector<16xf32>,
      tpu.vector_store_idx %arg10[%get3A_23], %broadcast_in_dim3A_5 {add = true} : memref<10240xf32, #tpu.memory_space<vmem>>[vector<16xi32>], vector<16xf32>,
    }
    "tpu.region"() ({
      %run_scoped3A = tpu.sem_alloc : memref<!tpu.dma_semaphore, #tpu.memory_space<semaphore_mem>>
      %dma_start3A = arith.constant 0 : i32
      %dma_start3A_16 = tpu.memref_slice %arg5[%add3A, %dma_start3A] : memref<32x10240xf32, #tpu.memory_space<hbm>> -> memref<1x10240xf32, #tpu.memory_space<hbm>>
      %dma_start3A_17 = tpu.memref_squeeze %dma_start3A_16 : memref<1x10240xf32, #tpu.memory_space<hbm>> -> memref<10240xf32, #tpu.memory_space<hbm>>
      %dma_start3A_18 = arith.constant 0 : i32
      %dma_start3A_19 = tpu.memref_slice %arg5[%add3A, %dma_start3A_18] : memref<32x10240xf32, #tpu.memory_space<hbm>> -> memref<1x10240xf32, #tpu.memory_space<hbm>>
      %dma_start3A_20 = tpu.memref_squeeze %dma_start3A_19 : memref<1x10240xf32, #tpu.memory_space<hbm>> -> memref<10240xf32, #tpu.memory_space<hbm>>
      tpu.enqueue_dma source(%arg9 : memref<10240xf32, #tpu.memory_space<vmem>>) target(%dma_start3A_20 : memref<10240xf32, #tpu.memory_space<hbm>>) target_semaphore(%run_scoped3A : memref<!tpu.dma_semaphore, #tpu.memory_space<semaphore_mem>>)
      %dma_wait3A = arith.constant 0 : i32
      %dma_wait3A_21 = tpu.memref_slice %arg5[%add3A, %dma_wait3A] : memref<32x10240xf32, #tpu.memory_space<hbm>> -> memref<1x10240xf32, #tpu.memory_space<hbm>>
      %dma_wait3A_22 = tpu.memref_squeeze %dma_wait3A_21 : memref<1x10240xf32, #tpu.memory_space<hbm>> -> memref<10240xf32, #tpu.memory_space<hbm>>
      %dma_wait3A_23 = arith.constant 0 : i32
      %dma_wait3A_24 = tpu.memref_slice %arg5[%add3A, %dma_wait3A_23] : memref<32x10240xf32, #tpu.memory_space<hbm>> -> memref<1x10240xf32, #tpu.memory_space<hbm>>
      %dma_wait3A_25 = tpu.memref_squeeze %dma_wait3A_24 : memref<1x10240xf32, #tpu.memory_space<hbm>> -> memref<10240xf32, #tpu.memory_space<hbm>>
      tpu.wait_dma2 semaphore(%run_scoped3A : memref<!tpu.dma_semaphore, #tpu.memory_space<semaphore_mem>>) src(%arg9 : memref<10240xf32, #tpu.memory_space<vmem>>) dst(%dma_wait3A_25 : memref<10240xf32, #tpu.memory_space<hbm>>)
      tpu.yield
    }) : () -> ()
    "tpu.region"() ({
      %run_scoped3A = tpu.sem_alloc : memref<!tpu.dma_semaphore, #tpu.memory_space<semaphore_mem>>
      %dma_start3A = arith.constant 0 : i32
      %dma_start3A_16 = tpu.memref_slice %arg6[%add3A, %dma_start3A] : memref<32x10240xf32, #tpu.memory_space<hbm>> -> memref<1x10240xf32, #tpu.memory_space<hbm>>
      %dma_start3A_17 = tpu.memref_squeeze %dma_start3A_16 : memref<1x10240xf32, #tpu.memory_space<hbm>> -> memref<10240xf32, #tpu.memory_space<hbm>>
      %dma_start3A_18 = arith.constant 0 : i32
      %dma_start3A_19 = tpu.memref_slice %arg6[%add3A, %dma_start3A_18] : memref<32x10240xf32, #tpu.memory_space<hbm>> -> memref<1x10240xf32, #tpu.memory_space<hbm>>
      %dma_start3A_20 = tpu.memref_squeeze %dma_start3A_19 : memref<1x10240xf32, #tpu.memory_space<hbm>> -> memref<10240xf32, #tpu.memory_space<hbm>>
      tpu.enqueue_dma source(%arg10 : memref<10240xf32, #tpu.memory_space<vmem>>) target(%dma_start3A_20 : memref<10240xf32, #tpu.memory_space<hbm>>) target_semaphore(%run_scoped3A : memref<!tpu.dma_semaphore, #tpu.memory_space<semaphore_mem>>)
      %dma_wait3A = arith.constant 0 : i32
      %dma_wait3A_21 = tpu.memref_slice %arg6[%add3A, %dma_wait3A] : memref<32x10240xf32, #tpu.memory_space<hbm>> -> memref<1x10240xf32, #tpu.memory_space<hbm>>
      %dma_wait3A_22 = tpu.memref_squeeze %dma_wait3A_21 : memref<1x10240xf32, #tpu.memory_space<hbm>> -> memref<10240xf32, #tpu.memory_space<hbm>>
      %dma_wait3A_23 = arith.constant 0 : i32
      %dma_wait3A_24 = tpu.memref_slice %arg6[%add3A, %dma_wait3A_23] : memref<32x10240xf32, #tpu.memory_space<hbm>> -> memref<1x10240xf32, #tpu.memory_space<hbm>>
      %dma_wait3A_25 = tpu.memref_squeeze %dma_wait3A_24 : memref<1x10240xf32, #tpu.memory_space<hbm>> -> memref<10240xf32, #tpu.memory_space<hbm>>
      tpu.wait_dma2 semaphore(%run_scoped3A : memref<!tpu.dma_semaphore, #tpu.memory_space<semaphore_mem>>) src(%arg10 : memref<10240xf32, #tpu.memory_space<vmem>>) dst(%dma_wait3A_25 : memref<10240xf32, #tpu.memory_space<hbm>>)
      tpu.yield
    }) : () -> ()
    return
  }
}

#map = affine_map<(d0, d1) -> (0, 0)>
#map1 = affine_map<(d0, d1) -> (0, 0, 0)>
module attributes {stable_mosaic.version = 14 : i64} {
  func.func @_agg_kernel(%arg0: i32, %arg1: i32, %arg2: memref<10000x64xf32, #tpu.memory_space<hbm>>, %arg3: memref<32x10000xi32, #tpu.memory_space<hbm>>, %arg4: memref<32x10000xi32, #tpu.memory_space<hbm>>, %arg5: memref<2x10240x64xf32, #tpu.memory_space<hbm>>, %arg6: memref<10000xi32, #tpu.memory_space<vmem>>, %arg7: memref<10000xi32, #tpu.memory_space<vmem>>, %arg8: memref<128x64xf32, #tpu.memory_space<vmem>>, %arg9: memref<128x64xf32, #tpu.memory_space<vmem>>, %arg10: memref<10240x64xf32, #tpu.memory_space<vmem_shared>>, %arg11: memref<10000x64xf32, #tpu.memory_space<vmem_shared>>, %arg12: memref<!tpu.dma_semaphore, #tpu.memory_space<semaphore_mem>>, %arg13: memref<!tpu.dma_semaphore, #tpu.memory_space<semaphore_mem>>) attributes {dimension_semantics = [#tpu.dimension_semantics<core_parallel>, #tpu.dimension_semantics<subcore_parallel>], iteration_bounds = array<i64: 2, 16>, scalar_prefetch = 0 : i64, scratch_operands = 8 : i64, tpu.core_type = #tpu.core_type<sc_vector_subcore>, window_params = [{transform_indices = #map}, {transform_indices = #map}, {transform_indices = #map}, {transform_indices = #map1}]} {
    %mul3A = arith.constant 2 : i32
    %mul3A_0 = arith.muli %arg1, %mul3A : i32
    %add3A = arith.addi %mul3A_0, %arg0 : i32
    %mul3A_1 = arith.constant 640 : i32
    %mul3A_2 = arith.muli %arg1, %mul3A_1 : i32
    %mul3A_3 = arith.constant 625 : i32
    %mul3A_4 = arith.muli %arg1, %mul3A_3 : i32
    %dma_start3A = arith.constant 0 : i32
    %dma_start3A_5 = tpu.memref_slice %arg11[%mul3A_4, %dma_start3A] : memref<10000x64xf32, #tpu.memory_space<vmem_shared>> -> memref<625x64xf32, #tpu.memory_space<vmem_shared>>
    %dma_start3A_6 = arith.constant 0 : i32
    %dma_start3A_7 = tpu.memref_slice %arg2[%mul3A_4, %dma_start3A_6] : memref<10000x64xf32, #tpu.memory_space<hbm>> -> memref<625x64xf32, #tpu.memory_space<hbm>>
    tpu.enqueue_dma source(%dma_start3A_7 : memref<625x64xf32, #tpu.memory_space<hbm>>) target(%dma_start3A_5 : memref<625x64xf32, #tpu.memory_space<vmem_shared>>) target_semaphore(%arg13 : memref<!tpu.dma_semaphore, #tpu.memory_space<semaphore_mem>>)
    %dma_start3A_8 = arith.constant 0 : i32
    %dma_start3A_9 = tpu.memref_slice %arg3[%add3A, %dma_start3A_8] : memref<32x10000xi32, #tpu.memory_space<hbm>> -> memref<1x10000xi32, #tpu.memory_space<hbm>>
    %dma_start3A_10 = tpu.memref_squeeze %dma_start3A_9 : memref<1x10000xi32, #tpu.memory_space<hbm>> -> memref<10000xi32, #tpu.memory_space<hbm>>
    %dma_start3A_11 = arith.constant 0 : i32
    %dma_start3A_12 = tpu.memref_slice %arg3[%add3A, %dma_start3A_11] : memref<32x10000xi32, #tpu.memory_space<hbm>> -> memref<1x10000xi32, #tpu.memory_space<hbm>>
    %dma_start3A_13 = tpu.memref_squeeze %dma_start3A_12 : memref<1x10000xi32, #tpu.memory_space<hbm>> -> memref<10000xi32, #tpu.memory_space<hbm>>
    tpu.enqueue_dma source(%dma_start3A_13 : memref<10000xi32, #tpu.memory_space<hbm>>) target(%arg6 : memref<10000xi32, #tpu.memory_space<vmem>>) target_semaphore(%arg12 : memref<!tpu.dma_semaphore, #tpu.memory_space<semaphore_mem>>)
    %dma_start3A_14 = arith.constant 0 : i32
    %dma_start3A_15 = tpu.memref_slice %arg4[%add3A, %dma_start3A_14] : memref<32x10000xi32, #tpu.memory_space<hbm>> -> memref<1x10000xi32, #tpu.memory_space<hbm>>
    %dma_start3A_16 = tpu.memref_squeeze %dma_start3A_15 : memref<1x10000xi32, #tpu.memory_space<hbm>> -> memref<10000xi32, #tpu.memory_space<hbm>>
    %dma_start3A_17 = arith.constant 0 : i32
    %dma_start3A_18 = tpu.memref_slice %arg4[%add3A, %dma_start3A_17] : memref<32x10000xi32, #tpu.memory_space<hbm>> -> memref<1x10000xi32, #tpu.memory_space<hbm>>
    %dma_start3A_19 = tpu.memref_squeeze %dma_start3A_18 : memref<1x10000xi32, #tpu.memory_space<hbm>> -> memref<10000xi32, #tpu.memory_space<hbm>>
    tpu.enqueue_dma source(%dma_start3A_19 : memref<10000xi32, #tpu.memory_space<hbm>>) target(%arg7 : memref<10000xi32, #tpu.memory_space<vmem>>) target_semaphore(%arg12 : memref<!tpu.dma_semaphore, #tpu.memory_space<semaphore_mem>>)
    %broadcast_in_dim3A = arith.constant 0.000000e+00 : f32
    %broadcast_in_dim3A_20 = vector.broadcast %broadcast_in_dim3A : f32 to vector<16xf32>
    %while3A = arith.constant 0 : i32
    %while3A_21 = arith.constant 0 : i32
    %while3A_22 = arith.constant 128 : i32
    %while3A_23 = arith.subi %while3A_22, %while3A_21 : i32
    %while3A_24 = arith.addi %while3A_21, %while3A_23 : i32
    %while3A_25 = arith.constant 1 : i32
    %while3A_26 = arith.divsi %while3A_23, %while3A_25 : i32
    %while3A_27 = arith.muli %while3A_26, %while3A_25 : i32
    %while3A_28 = arith.addi %while3A_21, %while3A_27 : i32
    %while3A_29 = arith.constant 1 : i32
    scf.for %while3A_145 = %while3A_21 to %while3A_28 step %while3A_29  : i32 {
      %swap3A = arith.index_cast %while3A_145 : i32 to index
      %swap3A_146 = arith.constant 0 : index
      %swap3A_147 = tpu.vector_load %arg8[%swap3A, %swap3A_146] {strides = array<i32>} : memref<128x64xf32, #tpu.memory_space<vmem>>, vector<16xf32>,
      tpu.vector_store %arg8[%swap3A, %swap3A_146], %broadcast_in_dim3A_20 {strides = array<i32>} : memref<128x64xf32, #tpu.memory_space<vmem>>, vector<16xf32>,
      %swap3A_148 = arith.index_cast %while3A_145 : i32 to index
      %swap3A_149 = arith.constant 16 : index
      %swap3A_150 = tpu.vector_load %arg8[%swap3A_148, %swap3A_149] {strides = array<i32>} : memref<128x64xf32, #tpu.memory_space<vmem>>, vector<16xf32>,
      tpu.vector_store %arg8[%swap3A_148, %swap3A_149], %broadcast_in_dim3A_20 {strides = array<i32>} : memref<128x64xf32, #tpu.memory_space<vmem>>, vector<16xf32>,
      %swap3A_151 = arith.index_cast %while3A_145 : i32 to index
      %swap3A_152 = arith.constant 32 : index
      %swap3A_153 = tpu.vector_load %arg8[%swap3A_151, %swap3A_152] {strides = array<i32>} : memref<128x64xf32, #tpu.memory_space<vmem>>, vector<16xf32>,
      tpu.vector_store %arg8[%swap3A_151, %swap3A_152], %broadcast_in_dim3A_20 {strides = array<i32>} : memref<128x64xf32, #tpu.memory_space<vmem>>, vector<16xf32>,
      %swap3A_154 = arith.index_cast %while3A_145 : i32 to index
      %swap3A_155 = arith.constant 48 : index
      %swap3A_156 = tpu.vector_load %arg8[%swap3A_154, %swap3A_155] {strides = array<i32>} : memref<128x64xf32, #tpu.memory_space<vmem>>, vector<16xf32>,
      tpu.vector_store %arg8[%swap3A_154, %swap3A_155], %broadcast_in_dim3A_20 {strides = array<i32>} : memref<128x64xf32, #tpu.memory_space<vmem>>, vector<16xf32>,
    }
    %while3A_30 = arith.constant 1 : i32
    scf.for %while3A_145 = %while3A_28 to %while3A_24 step %while3A_30  : i32 {
      %swap3A = arith.index_cast %while3A_145 : i32 to index
      %swap3A_146 = arith.constant 0 : index
      %swap3A_147 = tpu.vector_load %arg8[%swap3A, %swap3A_146] {strides = array<i32>} : memref<128x64xf32, #tpu.memory_space<vmem>>, vector<16xf32>,
      tpu.vector_store %arg8[%swap3A, %swap3A_146], %broadcast_in_dim3A_20 {strides = array<i32>} : memref<128x64xf32, #tpu.memory_space<vmem>>, vector<16xf32>,
      %swap3A_148 = arith.index_cast %while3A_145 : i32 to index
      %swap3A_149 = arith.constant 16 : index
      %swap3A_150 = tpu.vector_load %arg8[%swap3A_148, %swap3A_149] {strides = array<i32>} : memref<128x64xf32, #tpu.memory_space<vmem>>, vector<16xf32>,
      tpu.vector_store %arg8[%swap3A_148, %swap3A_149], %broadcast_in_dim3A_20 {strides = array<i32>} : memref<128x64xf32, #tpu.memory_space<vmem>>, vector<16xf32>,
      %swap3A_151 = arith.index_cast %while3A_145 : i32 to index
      %swap3A_152 = arith.constant 32 : index
      %swap3A_153 = tpu.vector_load %arg8[%swap3A_151, %swap3A_152] {strides = array<i32>} : memref<128x64xf32, #tpu.memory_space<vmem>>, vector<16xf32>,
      tpu.vector_store %arg8[%swap3A_151, %swap3A_152], %broadcast_in_dim3A_20 {strides = array<i32>} : memref<128x64xf32, #tpu.memory_space<vmem>>, vector<16xf32>,
      %swap3A_154 = arith.index_cast %while3A_145 : i32 to index
      %swap3A_155 = arith.constant 48 : index
      %swap3A_156 = tpu.vector_load %arg8[%swap3A_154, %swap3A_155] {strides = array<i32>} : memref<128x64xf32, #tpu.memory_space<vmem>>, vector<16xf32>,
      tpu.vector_store %arg8[%swap3A_154, %swap3A_155], %broadcast_in_dim3A_20 {strides = array<i32>} : memref<128x64xf32, #tpu.memory_space<vmem>>, vector<16xf32>,
    }
    %mul3A_31 = arith.constant 640 : i32
    %mul3A_32 = arith.muli %arg1, %mul3A_31 : i32
    %add3A_33 = arith.constant 0 : i32
    %add3A_34 = arith.addi %mul3A_32, %add3A_33 : i32
    %dma_start3A_35 = arith.constant 0 : i32
    %dma_start3A_36 = tpu.memref_slice %arg10[%add3A_34, %dma_start3A_35] : memref<10240x64xf32, #tpu.memory_space<vmem_shared>> -> memref<128x64xf32, #tpu.memory_space<vmem_shared>>
    %dma_start3A_37 = arith.constant 0 : i32
    %dma_start3A_38 = tpu.memref_slice %arg10[%add3A_34, %dma_start3A_37] : memref<10240x64xf32, #tpu.memory_space<vmem_shared>> -> memref<128x64xf32, #tpu.memory_space<vmem_shared>>
    tpu.enqueue_dma source(%arg8 : memref<128x64xf32, #tpu.memory_space<vmem>>) target(%dma_start3A_38 : memref<128x64xf32, #tpu.memory_space<vmem_shared>>) target_semaphore(%arg13 : memref<!tpu.dma_semaphore, #tpu.memory_space<semaphore_mem>>)
    %mul3A_39 = arith.constant 640 : i32
    %mul3A_40 = arith.muli %arg1, %mul3A_39 : i32
    %add3A_41 = arith.constant 128 : i32
    %add3A_42 = arith.addi %mul3A_40, %add3A_41 : i32
    %dma_start3A_43 = arith.constant 0 : i32
    %dma_start3A_44 = tpu.memref_slice %arg10[%add3A_42, %dma_start3A_43] : memref<10240x64xf32, #tpu.memory_space<vmem_shared>> -> memref<128x64xf32, #tpu.memory_space<vmem_shared>>
    %dma_start3A_45 = arith.constant 0 : i32
    %dma_start3A_46 = tpu.memref_slice %arg10[%add3A_42, %dma_start3A_45] : memref<10240x64xf32, #tpu.memory_space<vmem_shared>> -> memref<128x64xf32, #tpu.memory_space<vmem_shared>>
    tpu.enqueue_dma source(%arg8 : memref<128x64xf32, #tpu.memory_space<vmem>>) target(%dma_start3A_46 : memref<128x64xf32, #tpu.memory_space<vmem_shared>>) target_semaphore(%arg13 : memref<!tpu.dma_semaphore, #tpu.memory_space<semaphore_mem>>)
    %mul3A_47 = arith.constant 640 : i32
    %mul3A_48 = arith.muli %arg1, %mul3A_47 : i32
    %add3A_49 = arith.constant 256 : i32
    %add3A_50 = arith.addi %mul3A_48, %add3A_49 : i32
    %dma_start3A_51 = arith.constant 0 : i32
    %dma_start3A_52 = tpu.memref_slice %arg10[%add3A_50, %dma_start3A_51] : memref<10240x64xf32, #tpu.memory_space<vmem_shared>> -> memref<128x64xf32, #tpu.memory_space<vmem_shared>>
    %dma_start3A_53 = arith.constant 0 : i32
    %dma_start3A_54 = tpu.memref_slice %arg10[%add3A_50, %dma_start3A_53] : memref<10240x64xf32, #tpu.memory_space<vmem_shared>> -> memref<128x64xf32, #tpu.memory_space<vmem_shared>>
    tpu.enqueue_dma source(%arg8 : memref<128x64xf32, #tpu.memory_space<vmem>>) target(%dma_start3A_54 : memref<128x64xf32, #tpu.memory_space<vmem_shared>>) target_semaphore(%arg13 : memref<!tpu.dma_semaphore, #tpu.memory_space<semaphore_mem>>)
    %mul3A_55 = arith.constant 640 : i32
    %mul3A_56 = arith.muli %arg1, %mul3A_55 : i32
    %add3A_57 = arith.constant 384 : i32
    %add3A_58 = arith.addi %mul3A_56, %add3A_57 : i32
    %dma_start3A_59 = arith.constant 0 : i32
    %dma_start3A_60 = tpu.memref_slice %arg10[%add3A_58, %dma_start3A_59] : memref<10240x64xf32, #tpu.memory_space<vmem_shared>> -> memref<128x64xf32, #tpu.memory_space<vmem_shared>>
    %dma_start3A_61 = arith.constant 0 : i32
    %dma_start3A_62 = tpu.memref_slice %arg10[%add3A_58, %dma_start3A_61] : memref<10240x64xf32, #tpu.memory_space<vmem_shared>> -> memref<128x64xf32, #tpu.memory_space<vmem_shared>>
    tpu.enqueue_dma source(%arg8 : memref<128x64xf32, #tpu.memory_space<vmem>>) target(%dma_start3A_62 : memref<128x64xf32, #tpu.memory_space<vmem_shared>>) target_semaphore(%arg13 : memref<!tpu.dma_semaphore, #tpu.memory_space<semaphore_mem>>)
    %mul3A_63 = arith.constant 640 : i32
    %mul3A_64 = arith.muli %arg1, %mul3A_63 : i32
    %add3A_65 = arith.constant 512 : i32
    %add3A_66 = arith.addi %mul3A_64, %add3A_65 : i32
    %dma_start3A_67 = arith.constant 0 : i32
    %dma_start3A_68 = tpu.memref_slice %arg10[%add3A_66, %dma_start3A_67] : memref<10240x64xf32, #tpu.memory_space<vmem_shared>> -> memref<128x64xf32, #tpu.memory_space<vmem_shared>>
    %dma_start3A_69 = arith.constant 0 : i32
    %dma_start3A_70 = tpu.memref_slice %arg10[%add3A_66, %dma_start3A_69] : memref<10240x64xf32, #tpu.memory_space<vmem_shared>> -> memref<128x64xf32, #tpu.memory_space<vmem_shared>>
    tpu.enqueue_dma source(%arg8 : memref<128x64xf32, #tpu.memory_space<vmem>>) target(%dma_start3A_70 : memref<128x64xf32, #tpu.memory_space<vmem_shared>>) target_semaphore(%arg13 : memref<!tpu.dma_semaphore, #tpu.memory_space<semaphore_mem>>)
    %dma_wait3A = arith.constant 0 : i32
    %dma_wait3A_71 = tpu.memref_slice %arg3[%add3A, %dma_wait3A] : memref<32x10000xi32, #tpu.memory_space<hbm>> -> memref<1x10000xi32, #tpu.memory_space<hbm>>
    %dma_wait3A_72 = tpu.memref_squeeze %dma_wait3A_71 : memref<1x10000xi32, #tpu.memory_space<hbm>> -> memref<10000xi32, #tpu.memory_space<hbm>>
    %dma_wait3A_73 = arith.constant 0 : i32
    %dma_wait3A_74 = tpu.memref_slice %arg3[%add3A, %dma_wait3A_73] : memref<32x10000xi32, #tpu.memory_space<hbm>> -> memref<1x10000xi32, #tpu.memory_space<hbm>>
    %dma_wait3A_75 = tpu.memref_squeeze %dma_wait3A_74 : memref<1x10000xi32, #tpu.memory_space<hbm>> -> memref<10000xi32, #tpu.memory_space<hbm>>
    tpu.wait_dma2 semaphore(%arg12 : memref<!tpu.dma_semaphore, #tpu.memory_space<semaphore_mem>>) src(%dma_wait3A_75 : memref<10000xi32, #tpu.memory_space<hbm>>) dst(%arg6 : memref<10000xi32, #tpu.memory_space<vmem>>)
    %dma_wait3A_76 = arith.constant 0 : i32
    %dma_wait3A_77 = tpu.memref_slice %arg4[%add3A, %dma_wait3A_76] : memref<32x10000xi32, #tpu.memory_space<hbm>> -> memref<1x10000xi32, #tpu.memory_space<hbm>>
    %dma_wait3A_78 = tpu.memref_squeeze %dma_wait3A_77 : memref<1x10000xi32, #tpu.memory_space<hbm>> -> memref<10000xi32, #tpu.memory_space<hbm>>
    %dma_wait3A_79 = arith.constant 0 : i32
    %dma_wait3A_80 = tpu.memref_slice %arg4[%add3A, %dma_wait3A_79] : memref<32x10000xi32, #tpu.memory_space<hbm>> -> memref<1x10000xi32, #tpu.memory_space<hbm>>
    %dma_wait3A_81 = tpu.memref_squeeze %dma_wait3A_80 : memref<1x10000xi32, #tpu.memory_space<hbm>> -> memref<10000xi32, #tpu.memory_space<hbm>>
    tpu.wait_dma2 semaphore(%arg12 : memref<!tpu.dma_semaphore, #tpu.memory_space<semaphore_mem>>) src(%dma_wait3A_81 : memref<10000xi32, #tpu.memory_space<hbm>>) dst(%arg7 : memref<10000xi32, #tpu.memory_space<vmem>>)
    %dma_wait3A_82 = arith.constant 0 : i32
    %dma_wait3A_83 = tpu.memref_slice %arg11[%mul3A_4, %dma_wait3A_82] : memref<10000x64xf32, #tpu.memory_space<vmem_shared>> -> memref<625x64xf32, #tpu.memory_space<vmem_shared>>
    %dma_wait3A_84 = arith.constant 0 : i32
    %dma_wait3A_85 = tpu.memref_slice %arg2[%mul3A_4, %dma_wait3A_84] : memref<10000x64xf32, #tpu.memory_space<hbm>> -> memref<625x64xf32, #tpu.memory_space<hbm>>
    tpu.wait_dma2 semaphore(%arg13 : memref<!tpu.dma_semaphore, #tpu.memory_space<semaphore_mem>>) src(%dma_wait3A_85 : memref<625x64xf32, #tpu.memory_space<hbm>>) dst(%dma_wait3A_83 : memref<625x64xf32, #tpu.memory_space<vmem_shared>>)
    %mul3A_86 = arith.constant 640 : i32
    %mul3A_87 = arith.muli %arg1, %mul3A_86 : i32
    %add3A_88 = arith.constant 0 : i32
    %add3A_89 = arith.addi %mul3A_87, %add3A_88 : i32
    %dma_wait3A_90 = arith.constant 0 : i32
    %dma_wait3A_91 = tpu.memref_slice %arg10[%add3A_89, %dma_wait3A_90] : memref<10240x64xf32, #tpu.memory_space<vmem_shared>> -> memref<128x64xf32, #tpu.memory_space<vmem_shared>>
    %dma_wait3A_92 = arith.constant 0 : i32
    %dma_wait3A_93 = tpu.memref_slice %arg10[%add3A_89, %dma_wait3A_92] : memref<10240x64xf32, #tpu.memory_space<vmem_shared>> -> memref<128x64xf32, #tpu.memory_space<vmem_shared>>
    tpu.wait_dma2 semaphore(%arg13 : memref<!tpu.dma_semaphore, #tpu.memory_space<semaphore_mem>>) src(%arg8 : memref<128x64xf32, #tpu.memory_space<vmem>>) dst(%dma_wait3A_93 : memref<128x64xf32, #tpu.memory_space<vmem_shared>>)
    %mul3A_94 = arith.constant 640 : i32
    %mul3A_95 = arith.muli %arg1, %mul3A_94 : i32
    %add3A_96 = arith.constant 128 : i32
    %add3A_97 = arith.addi %mul3A_95, %add3A_96 : i32
    %dma_wait3A_98 = arith.constant 0 : i32
    %dma_wait3A_99 = tpu.memref_slice %arg10[%add3A_97, %dma_wait3A_98] : memref<10240x64xf32, #tpu.memory_space<vmem_shared>> -> memref<128x64xf32, #tpu.memory_space<vmem_shared>>
    %dma_wait3A_100 = arith.constant 0 : i32
    %dma_wait3A_101 = tpu.memref_slice %arg10[%add3A_97, %dma_wait3A_100] : memref<10240x64xf32, #tpu.memory_space<vmem_shared>> -> memref<128x64xf32, #tpu.memory_space<vmem_shared>>
    tpu.wait_dma2 semaphore(%arg13 : memref<!tpu.dma_semaphore, #tpu.memory_space<semaphore_mem>>) src(%arg8 : memref<128x64xf32, #tpu.memory_space<vmem>>) dst(%dma_wait3A_101 : memref<128x64xf32, #tpu.memory_space<vmem_shared>>)
    %mul3A_102 = arith.constant 640 : i32
    %mul3A_103 = arith.muli %arg1, %mul3A_102 : i32
    %add3A_104 = arith.constant 256 : i32
    %add3A_105 = arith.addi %mul3A_103, %add3A_104 : i32
    %dma_wait3A_106 = arith.constant 0 : i32
    %dma_wait3A_107 = tpu.memref_slice %arg10[%add3A_105, %dma_wait3A_106] : memref<10240x64xf32, #tpu.memory_space<vmem_shared>> -> memref<128x64xf32, #tpu.memory_space<vmem_shared>>
    %dma_wait3A_108 = arith.constant 0 : i32
    %dma_wait3A_109 = tpu.memref_slice %arg10[%add3A_105, %dma_wait3A_108] : memref<10240x64xf32, #tpu.memory_space<vmem_shared>> -> memref<128x64xf32, #tpu.memory_space<vmem_shared>>
    tpu.wait_dma2 semaphore(%arg13 : memref<!tpu.dma_semaphore, #tpu.memory_space<semaphore_mem>>) src(%arg8 : memref<128x64xf32, #tpu.memory_space<vmem>>) dst(%dma_wait3A_109 : memref<128x64xf32, #tpu.memory_space<vmem_shared>>)
    %mul3A_110 = arith.constant 640 : i32
    %mul3A_111 = arith.muli %arg1, %mul3A_110 : i32
    %add3A_112 = arith.constant 384 : i32
    %add3A_113 = arith.addi %mul3A_111, %add3A_112 : i32
    %dma_wait3A_114 = arith.constant 0 : i32
    %dma_wait3A_115 = tpu.memref_slice %arg10[%add3A_113, %dma_wait3A_114] : memref<10240x64xf32, #tpu.memory_space<vmem_shared>> -> memref<128x64xf32, #tpu.memory_space<vmem_shared>>
    %dma_wait3A_116 = arith.constant 0 : i32
    %dma_wait3A_117 = tpu.memref_slice %arg10[%add3A_113, %dma_wait3A_116] : memref<10240x64xf32, #tpu.memory_space<vmem_shared>> -> memref<128x64xf32, #tpu.memory_space<vmem_shared>>
    tpu.wait_dma2 semaphore(%arg13 : memref<!tpu.dma_semaphore, #tpu.memory_space<semaphore_mem>>) src(%arg8 : memref<128x64xf32, #tpu.memory_space<vmem>>) dst(%dma_wait3A_117 : memref<128x64xf32, #tpu.memory_space<vmem_shared>>)
    %mul3A_118 = arith.constant 640 : i32
    %mul3A_119 = arith.muli %arg1, %mul3A_118 : i32
    %add3A_120 = arith.constant 512 : i32
    %add3A_121 = arith.addi %mul3A_119, %add3A_120 : i32
    %dma_wait3A_122 = arith.constant 0 : i32
    %dma_wait3A_123 = tpu.memref_slice %arg10[%add3A_121, %dma_wait3A_122] : memref<10240x64xf32, #tpu.memory_space<vmem_shared>> -> memref<128x64xf32, #tpu.memory_space<vmem_shared>>
    %dma_wait3A_124 = arith.constant 0 : i32
    %dma_wait3A_125 = tpu.memref_slice %arg10[%add3A_121, %dma_wait3A_124] : memref<10240x64xf32, #tpu.memory_space<vmem_shared>> -> memref<128x64xf32, #tpu.memory_space<vmem_shared>>
    tpu.wait_dma2 semaphore(%arg13 : memref<!tpu.dma_semaphore, #tpu.memory_space<semaphore_mem>>) src(%arg8 : memref<128x64xf32, #tpu.memory_space<vmem>>) dst(%dma_wait3A_125 : memref<128x64xf32, #tpu.memory_space<vmem_shared>>)
    %barrier3A = arith.constant 0 : index
    tpu.barrier barrier_id(%barrier3A)
    %mul3A_126 = arith.constant 0 : i32
    %mul3A_127 = arith.constant 128 : i32
    %mul3A_128 = arith.muli %mul3A_126, %mul3A_127 : i32
    %dma_start3A_129 = tpu.memref_slice %arg6[%mul3A_128] : memref<10000xi32, #tpu.memory_space<vmem>> -> memref<128xi32, #tpu.memory_space<vmem>>
    %dma_start3A_130 = arith.constant 0 : i32
    %dma_start3A_131 = arith.constant 0 : i32
    %dma_start3A_132 = tpu.memref_slice %arg11[%dma_start3A_130, %dma_start3A_131] : memref<10000x64xf32, #tpu.memory_space<vmem_shared>> -> memref<10000x64xf32, #tpu.memory_space<vmem_shared>>
    tpu.enqueue_indirect_dma source(%dma_start3A_132 : memref<10000x64xf32, #tpu.memory_space<vmem_shared>>) target(%arg8 : memref<128x64xf32, #tpu.memory_space<vmem>>) offsets(%dma_start3A_129 : memref<128xi32, #tpu.memory_space<vmem>>) semaphore(%arg12 : memref<!tpu.dma_semaphore, #tpu.memory_space<semaphore_mem>>)
    %while3A_133 = arith.constant 0 : i32
    %while3A_134 = arith.constant 0 : i32
    %while3A_135 = arith.constant 39 : i32
    %while3A_136 = arith.subi %while3A_135, %while3A_134 : i32
    %while3A_137 = arith.addi %while3A_134, %while3A_136 : i32
    %while3A_138 = arith.constant 1 : i32
    %while3A_139 = arith.divsi %while3A_136, %while3A_138 : i32
    %while3A_140 = arith.muli %while3A_139, %while3A_138 : i32
    %while3A_141 = arith.addi %while3A_134, %while3A_140 : i32
    %while3A_142 = arith.constant 1 : i32
    scf.for %while3A_145 = %while3A_134 to %while3A_141 step %while3A_142  : i32 {
      %mul3A_146 = arith.constant 2 : i32
      %mul3A_147 = arith.muli %while3A_145, %mul3A_146 : i32
      %add3A_148 = arith.constant 1 : i32
      %add3A_149 = arith.addi %mul3A_147, %add3A_148 : i32
      %mul3A_150 = arith.constant 128 : i32
      %mul3A_151 = arith.muli %add3A_149, %mul3A_150 : i32
      %dma_start3A_152 = tpu.memref_slice %arg6[%mul3A_151] : memref<10000xi32, #tpu.memory_space<vmem>> -> memref<128xi32, #tpu.memory_space<vmem>>
      %dma_start3A_153 = arith.constant 0 : i32
      %dma_start3A_154 = arith.constant 0 : i32
      %dma_start3A_155 = tpu.memref_slice %arg11[%dma_start3A_153, %dma_start3A_154] : memref<10000x64xf32, #tpu.memory_space<vmem_shared>> -> memref<10000x64xf32, #tpu.memory_space<vmem_shared>>
      tpu.enqueue_indirect_dma source(%dma_start3A_155 : memref<10000x64xf32, #tpu.memory_space<vmem_shared>>) target(%arg9 : memref<128x64xf32, #tpu.memory_space<vmem>>) offsets(%dma_start3A_152 : memref<128xi32, #tpu.memory_space<vmem>>) semaphore(%arg13 : memref<!tpu.dma_semaphore, #tpu.memory_space<semaphore_mem>>)
      %mul3A_156 = arith.constant 128 : i32
      %mul3A_157 = arith.muli %mul3A_147, %mul3A_156 : i32
      %dma_wait3A_158 = tpu.memref_slice %arg6[%mul3A_157] : memref<10000xi32, #tpu.memory_space<vmem>> -> memref<128xi32, #tpu.memory_space<vmem>>
      %dma_wait3A_159 = arith.constant 0 : i32
      %dma_wait3A_160 = arith.constant 0 : i32
      %dma_wait3A_161 = tpu.memref_slice %arg11[%dma_wait3A_159, %dma_wait3A_160] : memref<10000x64xf32, #tpu.memory_space<vmem_shared>> -> memref<10000x64xf32, #tpu.memory_space<vmem_shared>>
      tpu.wait_indirect_dma semaphore(%arg12 : memref<!tpu.dma_semaphore, #tpu.memory_space<semaphore_mem>>) src(%dma_wait3A_161 : memref<10000x64xf32, #tpu.memory_space<vmem_shared>>) dst(%arg8 : memref<128x64xf32, #tpu.memory_space<vmem>>)
      %mul3A_162 = arith.constant 128 : i32
      %mul3A_163 = arith.muli %mul3A_147, %mul3A_162 : i32
      "tpu.region"() ({
        %run_scoped3A = tpu.sem_alloc : memref<!tpu.dma_semaphore, #tpu.memory_space<semaphore_mem>>
        %dma_start3A_178 = tpu.memref_slice %arg7[%mul3A_163] : memref<10000xi32, #tpu.memory_space<vmem>> -> memref<128xi32, #tpu.memory_space<vmem>>
        %dma_start3A_179 = arith.constant 0 : i32
        %dma_start3A_180 = arith.constant 0 : i32
        %dma_start3A_181 = tpu.memref_slice %arg10[%dma_start3A_179, %dma_start3A_180] : memref<10240x64xf32, #tpu.memory_space<vmem_shared>> -> memref<10240x64xf32, #tpu.memory_space<vmem_shared>>
        tpu.enqueue_indirect_dma source(%arg8 : memref<128x64xf32, #tpu.memory_space<vmem>>) target(%dma_start3A_181 : memref<10240x64xf32, #tpu.memory_space<vmem_shared>>) offsets(%dma_start3A_178 : memref<128xi32, #tpu.memory_space<vmem>>) semaphore(%run_scoped3A : memref<!tpu.dma_semaphore, #tpu.memory_space<semaphore_mem>>) {add = true}
        %dma_wait3A_182 = tpu.memref_slice %arg7[%mul3A_163] : memref<10000xi32, #tpu.memory_space<vmem>> -> memref<128xi32, #tpu.memory_space<vmem>>
        %dma_wait3A_183 = arith.constant 0 : i32
        %dma_wait3A_184 = arith.constant 0 : i32
        %dma_wait3A_185 = tpu.memref_slice %arg10[%dma_wait3A_183, %dma_wait3A_184] : memref<10240x64xf32, #tpu.memory_space<vmem_shared>> -> memref<10240x64xf32, #tpu.memory_space<vmem_shared>>
        tpu.wait_indirect_dma semaphore(%run_scoped3A : memref<!tpu.dma_semaphore, #tpu.memory_space<semaphore_mem>>) src(%arg8 : memref<128x64xf32, #tpu.memory_space<vmem>>) dst(%dma_wait3A_185 : memref<10240x64xf32, #tpu.memory_space<vmem_shared>>)
        tpu.yield
      }) : () -> ()
      %lt3A = arith.constant 38 : i32
      %lt3A_164 = arith.cmpi slt, %while3A_145, %lt3A : i32
      %convert_element_type3A = arith.extui %lt3A_164 : i1 to i32
      %cond3A = arith.constant 0 : i32
      %cond3A_165 = arith.cmpi ne, %convert_element_type3A, %cond3A : i32
      scf.if %cond3A_165 {
        %add3A_178 = arith.constant 2 : i32
        %add3A_179 = arith.addi %mul3A_147, %add3A_178 : i32
        %mul3A_180 = arith.constant 128 : i32
        %mul3A_181 = arith.muli %add3A_179, %mul3A_180 : i32
        %dma_start3A_182 = tpu.memref_slice %arg6[%mul3A_181] : memref<10000xi32, #tpu.memory_space<vmem>> -> memref<128xi32, #tpu.memory_space<vmem>>
        %dma_start3A_183 = arith.constant 0 : i32
        %dma_start3A_184 = arith.constant 0 : i32
        %dma_start3A_185 = tpu.memref_slice %arg11[%dma_start3A_183, %dma_start3A_184] : memref<10000x64xf32, #tpu.memory_space<vmem_shared>> -> memref<10000x64xf32, #tpu.memory_space<vmem_shared>>
        tpu.enqueue_indirect_dma source(%dma_start3A_185 : memref<10000x64xf32, #tpu.memory_space<vmem_shared>>) target(%arg8 : memref<128x64xf32, #tpu.memory_space<vmem>>) offsets(%dma_start3A_182 : memref<128xi32, #tpu.memory_space<vmem>>) semaphore(%arg12 : memref<!tpu.dma_semaphore, #tpu.memory_space<semaphore_mem>>)
      } else {
      }
      %add3A_166 = arith.constant 1 : i32
      %add3A_167 = arith.addi %mul3A_147, %add3A_166 : i32
      %mul3A_168 = arith.constant 128 : i32
      %mul3A_169 = arith.muli %add3A_167, %mul3A_168 : i32
      %dma_wait3A_170 = tpu.memref_slice %arg6[%mul3A_169] : memref<10000xi32, #tpu.memory_space<vmem>> -> memref<128xi32, #tpu.memory_space<vmem>>
      %dma_wait3A_171 = arith.constant 0 : i32
      %dma_wait3A_172 = arith.constant 0 : i32
      %dma_wait3A_173 = tpu.memref_slice %arg11[%dma_wait3A_171, %dma_wait3A_172] : memref<10000x64xf32, #tpu.memory_space<vmem_shared>> -> memref<10000x64xf32, #tpu.memory_space<vmem_shared>>
      tpu.wait_indirect_dma semaphore(%arg13 : memref<!tpu.dma_semaphore, #tpu.memory_space<semaphore_mem>>) src(%dma_wait3A_173 : memref<10000x64xf32, #tpu.memory_space<vmem_shared>>) dst(%arg9 : memref<128x64xf32, #tpu.memory_space<vmem>>)
      %add3A_174 = arith.constant 1 : i32
      %add3A_175 = arith.addi %mul3A_147, %add3A_174 : i32
      %mul3A_176 = arith.constant 128 : i32
      %mul3A_177 = arith.muli %add3A_175, %mul3A_176 : i32
      "tpu.region"() ({
        %run_scoped3A = tpu.sem_alloc : memref<!tpu.dma_semaphore, #tpu.memory_space<semaphore_mem>>
        %dma_start3A_178 = tpu.memref_slice %arg7[%mul3A_177] : memref<10000xi32, #tpu.memory_space<vmem>> -> memref<128xi32, #tpu.memory_space<vmem>>
        %dma_start3A_179 = arith.constant 0 : i32
        %dma_start3A_180 = arith.constant 0 : i32
        %dma_start3A_181 = tpu.memref_slice %arg10[%dma_start3A_179, %dma_start3A_180] : memref<10240x64xf32, #tpu.memory_space<vmem_shared>> -> memref<10240x64xf32, #tpu.memory_space<vmem_shared>>
        tpu.enqueue_indirect_dma source(%arg9 : memref<128x64xf32, #tpu.memory_space<vmem>>) target(%dma_start3A_181 : memref<10240x64xf32, #tpu.memory_space<vmem_shared>>) offsets(%dma_start3A_178 : memref<128xi32, #tpu.memory_space<vmem>>) semaphore(%run_scoped3A : memref<!tpu.dma_semaphore, #tpu.memory_space<semaphore_mem>>) {add = true}
        %dma_wait3A_182 = tpu.memref_slice %arg7[%mul3A_177] : memref<10000xi32, #tpu.memory_space<vmem>> -> memref<128xi32, #tpu.memory_space<vmem>>
        %dma_wait3A_183 = arith.constant 0 : i32
        %dma_wait3A_184 = arith.constant 0 : i32
        %dma_wait3A_185 = tpu.memref_slice %arg10[%dma_wait3A_183, %dma_wait3A_184] : memref<10240x64xf32, #tpu.memory_space<vmem_shared>> -> memref<10240x64xf32, #tpu.memory_space<vmem_shared>>
        tpu.wait_indirect_dma semaphore(%run_scoped3A : memref<!tpu.dma_semaphore, #tpu.memory_space<semaphore_mem>>) src(%arg9 : memref<128x64xf32, #tpu.memory_space<vmem>>) dst(%dma_wait3A_185 : memref<10240x64xf32, #tpu.memory_space<vmem_shared>>)
        tpu.yield
      }) : () -> ()
    }
    %while3A_143 = arith.constant 1 : i32
    scf.for %while3A_145 = %while3A_141 to %while3A_137 step %while3A_143  : i32 {
      %mul3A_146 = arith.constant 2 : i32
      %mul3A_147 = arith.muli %while3A_145, %mul3A_146 : i32
      %add3A_148 = arith.constant 1 : i32
      %add3A_149 = arith.addi %mul3A_147, %add3A_148 : i32
      %mul3A_150 = arith.constant 128 : i32
      %mul3A_151 = arith.muli %add3A_149, %mul3A_150 : i32
      %dma_start3A_152 = tpu.memref_slice %arg6[%mul3A_151] : memref<10000xi32, #tpu.memory_space<vmem>> -> memref<128xi32, #tpu.memory_space<vmem>>
      %dma_start3A_153 = arith.constant 0 : i32
      %dma_start3A_154 = arith.constant 0 : i32
      %dma_start3A_155 = tpu.memref_slice %arg11[%dma_start3A_153, %dma_start3A_154] : memref<10000x64xf32, #tpu.memory_space<vmem_shared>> -> memref<10000x64xf32, #tpu.memory_space<vmem_shared>>
      tpu.enqueue_indirect_dma source(%dma_start3A_155 : memref<10000x64xf32, #tpu.memory_space<vmem_shared>>) target(%arg9 : memref<128x64xf32, #tpu.memory_space<vmem>>) offsets(%dma_start3A_152 : memref<128xi32, #tpu.memory_space<vmem>>) semaphore(%arg13 : memref<!tpu.dma_semaphore, #tpu.memory_space<semaphore_mem>>)
      %mul3A_156 = arith.constant 128 : i32
      %mul3A_157 = arith.muli %mul3A_147, %mul3A_156 : i32
      %dma_wait3A_158 = tpu.memref_slice %arg6[%mul3A_157] : memref<10000xi32, #tpu.memory_space<vmem>> -> memref<128xi32, #tpu.memory_space<vmem>>
      %dma_wait3A_159 = arith.constant 0 : i32
      %dma_wait3A_160 = arith.constant 0 : i32
      %dma_wait3A_161 = tpu.memref_slice %arg11[%dma_wait3A_159, %dma_wait3A_160] : memref<10000x64xf32, #tpu.memory_space<vmem_shared>> -> memref<10000x64xf32, #tpu.memory_space<vmem_shared>>
      tpu.wait_indirect_dma semaphore(%arg12 : memref<!tpu.dma_semaphore, #tpu.memory_space<semaphore_mem>>) src(%dma_wait3A_161 : memref<10000x64xf32, #tpu.memory_space<vmem_shared>>) dst(%arg8 : memref<128x64xf32, #tpu.memory_space<vmem>>)
      %mul3A_162 = arith.constant 128 : i32
      %mul3A_163 = arith.muli %mul3A_147, %mul3A_162 : i32
      "tpu.region"() ({
        %run_scoped3A = tpu.sem_alloc : memref<!tpu.dma_semaphore, #tpu.memory_space<semaphore_mem>>
        %dma_start3A_178 = tpu.memref_slice %arg7[%mul3A_163] : memref<10000xi32, #tpu.memory_space<vmem>> -> memref<128xi32, #tpu.memory_space<vmem>>
        %dma_start3A_179 = arith.constant 0 : i32
        %dma_start3A_180 = arith.constant 0 : i32
        %dma_start3A_181 = tpu.memref_slice %arg10[%dma_start3A_179, %dma_start3A_180] : memref<10240x64xf32, #tpu.memory_space<vmem_shared>> -> memref<10240x64xf32, #tpu.memory_space<vmem_shared>>
        tpu.enqueue_indirect_dma source(%arg8 : memref<128x64xf32, #tpu.memory_space<vmem>>) target(%dma_start3A_181 : memref<10240x64xf32, #tpu.memory_space<vmem_shared>>) offsets(%dma_start3A_178 : memref<128xi32, #tpu.memory_space<vmem>>) semaphore(%run_scoped3A : memref<!tpu.dma_semaphore, #tpu.memory_space<semaphore_mem>>) {add = true}
        %dma_wait3A_182 = tpu.memref_slice %arg7[%mul3A_163] : memref<10000xi32, #tpu.memory_space<vmem>> -> memref<128xi32, #tpu.memory_space<vmem>>
        %dma_wait3A_183 = arith.constant 0 : i32
        %dma_wait3A_184 = arith.constant 0 : i32
        %dma_wait3A_185 = tpu.memref_slice %arg10[%dma_wait3A_183, %dma_wait3A_184] : memref<10240x64xf32, #tpu.memory_space<vmem_shared>> -> memref<10240x64xf32, #tpu.memory_space<vmem_shared>>
        tpu.wait_indirect_dma semaphore(%run_scoped3A : memref<!tpu.dma_semaphore, #tpu.memory_space<semaphore_mem>>) src(%arg8 : memref<128x64xf32, #tpu.memory_space<vmem>>) dst(%dma_wait3A_185 : memref<10240x64xf32, #tpu.memory_space<vmem_shared>>)
        tpu.yield
      }) : () -> ()
      %lt3A = arith.constant 38 : i32
      %lt3A_164 = arith.cmpi slt, %while3A_145, %lt3A : i32
      %convert_element_type3A = arith.extui %lt3A_164 : i1 to i32
      %cond3A = arith.constant 0 : i32
      %cond3A_165 = arith.cmpi ne, %convert_element_type3A, %cond3A : i32
      scf.if %cond3A_165 {
        %add3A_178 = arith.constant 2 : i32
        %add3A_179 = arith.addi %mul3A_147, %add3A_178 : i32
        %mul3A_180 = arith.constant 128 : i32
        %mul3A_181 = arith.muli %add3A_179, %mul3A_180 : i32
        %dma_start3A_182 = tpu.memref_slice %arg6[%mul3A_181] : memref<10000xi32, #tpu.memory_space<vmem>> -> memref<128xi32, #tpu.memory_space<vmem>>
        %dma_start3A_183 = arith.constant 0 : i32
        %dma_start3A_184 = arith.constant 0 : i32
        %dma_start3A_185 = tpu.memref_slice %arg11[%dma_start3A_183, %dma_start3A_184] : memref<10000x64xf32, #tpu.memory_space<vmem_shared>> -> memref<10000x64xf32, #tpu.memory_space<vmem_shared>>
        tpu.enqueue_indirect_dma source(%dma_start3A_185 : memref<10000x64xf32, #tpu.memory_space<vmem_shared>>) target(%arg8 : memref<128x64xf32, #tpu.memory_space<vmem>>) offsets(%dma_start3A_182 : memref<128xi32, #tpu.memory_space<vmem>>) semaphore(%arg12 : memref<!tpu.dma_semaphore, #tpu.memory_space<semaphore_mem>>)
      } else {
      }
      %add3A_166 = arith.constant 1 : i32
      %add3A_167 = arith.addi %mul3A_147, %add3A_166 : i32
      %mul3A_168 = arith.constant 128 : i32
      %mul3A_169 = arith.muli %add3A_167, %mul3A_168 : i32
      %dma_wait3A_170 = tpu.memref_slice %arg6[%mul3A_169] : memref<10000xi32, #tpu.memory_space<vmem>> -> memref<128xi32, #tpu.memory_space<vmem>>
      %dma_wait3A_171 = arith.constant 0 : i32
      %dma_wait3A_172 = arith.constant 0 : i32
      %dma_wait3A_173 = tpu.memref_slice %arg11[%dma_wait3A_171, %dma_wait3A_172] : memref<10000x64xf32, #tpu.memory_space<vmem_shared>> -> memref<10000x64xf32, #tpu.memory_space<vmem_shared>>
      tpu.wait_indirect_dma semaphore(%arg13 : memref<!tpu.dma_semaphore, #tpu.memory_space<semaphore_mem>>) src(%dma_wait3A_173 : memref<10000x64xf32, #tpu.memory_space<vmem_shared>>) dst(%arg9 : memref<128x64xf32, #tpu.memory_space<vmem>>)
      %add3A_174 = arith.constant 1 : i32
      %add3A_175 = arith.addi %mul3A_147, %add3A_174 : i32
      %mul3A_176 = arith.constant 128 : i32
      %mul3A_177 = arith.muli %add3A_175, %mul3A_176 : i32
      "tpu.region"() ({
        %run_scoped3A = tpu.sem_alloc : memref<!tpu.dma_semaphore, #tpu.memory_space<semaphore_mem>>
        %dma_start3A_178 = tpu.memref_slice %arg7[%mul3A_177] : memref<10000xi32, #tpu.memory_space<vmem>> -> memref<128xi32, #tpu.memory_space<vmem>>
        %dma_start3A_179 = arith.constant 0 : i32
        %dma_start3A_180 = arith.constant 0 : i32
        %dma_start3A_181 = tpu.memref_slice %arg10[%dma_start3A_179, %dma_start3A_180] : memref<10240x64xf32, #tpu.memory_space<vmem_shared>> -> memref<10240x64xf32, #tpu.memory_space<vmem_shared>>
        tpu.enqueue_indirect_dma source(%arg9 : memref<128x64xf32, #tpu.memory_space<vmem>>) target(%dma_start3A_181 : memref<10240x64xf32, #tpu.memory_space<vmem_shared>>) offsets(%dma_start3A_178 : memref<128xi32, #tpu.memory_space<vmem>>) semaphore(%run_scoped3A : memref<!tpu.dma_semaphore, #tpu.memory_space<semaphore_mem>>) {add = true}
        %dma_wait3A_182 = tpu.memref_slice %arg7[%mul3A_177] : memref<10000xi32, #tpu.memory_space<vmem>> -> memref<128xi32, #tpu.memory_space<vmem>>
        %dma_wait3A_183 = arith.constant 0 : i32
        %dma_wait3A_184 = arith.constant 0 : i32
        %dma_wait3A_185 = tpu.memref_slice %arg10[%dma_wait3A_183, %dma_wait3A_184] : memref<10240x64xf32, #tpu.memory_space<vmem_shared>> -> memref<10240x64xf32, #tpu.memory_space<vmem_shared>>
        tpu.wait_indirect_dma semaphore(%run_scoped3A : memref<!tpu.dma_semaphore, #tpu.memory_space<semaphore_mem>>) src(%arg9 : memref<128x64xf32, #tpu.memory_space<vmem>>) dst(%dma_wait3A_185 : memref<10240x64xf32, #tpu.memory_space<vmem_shared>>)
        tpu.yield
      }) : () -> ()
    }
    "tpu.region"() ({
      %run_scoped3A = tpu.sem_alloc : memref<!tpu.dma_semaphore, #tpu.memory_space<semaphore_mem>>
      %dma_start3A_145 = arith.constant 0 : i32
      %dma_start3A_146 = arith.constant 0 : i32
      %dma_start3A_147 = tpu.memref_slice %arg8[%dma_start3A_145, %dma_start3A_146] : memref<128x64xf32, #tpu.memory_space<vmem>> -> memref<16x64xf32, #tpu.memory_space<vmem>>
      %dma_start3A_148 = arith.constant 9984 : i32
      %dma_start3A_149 = tpu.memref_slice %arg6[%dma_start3A_148] : memref<10000xi32, #tpu.memory_space<vmem>> -> memref<16xi32, #tpu.memory_space<vmem>>
      %dma_start3A_150 = arith.constant 0 : i32
      %dma_start3A_151 = arith.constant 0 : i32
      %dma_start3A_152 = tpu.memref_slice %arg11[%dma_start3A_150, %dma_start3A_151] : memref<10000x64xf32, #tpu.memory_space<vmem_shared>> -> memref<10000x64xf32, #tpu.memory_space<vmem_shared>>
      tpu.enqueue_indirect_dma source(%dma_start3A_152 : memref<10000x64xf32, #tpu.memory_space<vmem_shared>>) target(%dma_start3A_147 : memref<16x64xf32, #tpu.memory_space<vmem>>) offsets(%dma_start3A_149 : memref<16xi32, #tpu.memory_space<vmem>>) semaphore(%run_scoped3A : memref<!tpu.dma_semaphore, #tpu.memory_space<semaphore_mem>>)
      %dma_wait3A_153 = arith.constant 0 : i32
      %dma_wait3A_154 = arith.constant 0 : i32
      %dma_wait3A_155 = tpu.memref_slice %arg8[%dma_wait3A_153, %dma_wait3A_154] : memref<128x64xf32, #tpu.memory_space<vmem>> -> memref<16x64xf32, #tpu.memory_space<vmem>>
      %dma_wait3A_156 = arith.constant 9984 : i32
      %dma_wait3A_157 = tpu.memref_slice %arg6[%dma_wait3A_156] : memref<10000xi32, #tpu.memory_space<vmem>> -> memref<16xi32, #tpu.memory_space<vmem>>
      %dma_wait3A_158 = arith.constant 0 : i32
      %dma_wait3A_159 = arith.constant 0 : i32
      %dma_wait3A_160 = tpu.memref_slice %arg11[%dma_wait3A_158, %dma_wait3A_159] : memref<10000x64xf32, #tpu.memory_space<vmem_shared>> -> memref<10000x64xf32, #tpu.memory_space<vmem_shared>>
      tpu.wait_indirect_dma semaphore(%run_scoped3A : memref<!tpu.dma_semaphore, #tpu.memory_space<semaphore_mem>>) src(%dma_wait3A_160 : memref<10000x64xf32, #tpu.memory_space<vmem_shared>>) dst(%dma_wait3A_155 : memref<16x64xf32, #tpu.memory_space<vmem>>)
      tpu.yield
    }) : () -> ()
    "tpu.region"() ({
      %run_scoped3A = tpu.sem_alloc : memref<!tpu.dma_semaphore, #tpu.memory_space<semaphore_mem>>
      %dma_start3A_145 = arith.constant 0 : i32
      %dma_start3A_146 = arith.constant 0 : i32
      %dma_start3A_147 = tpu.memref_slice %arg8[%dma_start3A_145, %dma_start3A_146] : memref<128x64xf32, #tpu.memory_space<vmem>> -> memref<16x64xf32, #tpu.memory_space<vmem>>
      %dma_start3A_148 = arith.constant 9984 : i32
      %dma_start3A_149 = tpu.memref_slice %arg7[%dma_start3A_148] : memref<10000xi32, #tpu.memory_space<vmem>> -> memref<16xi32, #tpu.memory_space<vmem>>
      %dma_start3A_150 = arith.constant 0 : i32
      %dma_start3A_151 = arith.constant 0 : i32
      %dma_start3A_152 = tpu.memref_slice %arg10[%dma_start3A_150, %dma_start3A_151] : memref<10240x64xf32, #tpu.memory_space<vmem_shared>> -> memref<10240x64xf32, #tpu.memory_space<vmem_shared>>
      tpu.enqueue_indirect_dma source(%dma_start3A_147 : memref<16x64xf32, #tpu.memory_space<vmem>>) target(%dma_start3A_152 : memref<10240x64xf32, #tpu.memory_space<vmem_shared>>) offsets(%dma_start3A_149 : memref<16xi32, #tpu.memory_space<vmem>>) semaphore(%run_scoped3A : memref<!tpu.dma_semaphore, #tpu.memory_space<semaphore_mem>>) {add = true}
      %dma_wait3A_153 = arith.constant 0 : i32
      %dma_wait3A_154 = arith.constant 0 : i32
      %dma_wait3A_155 = tpu.memref_slice %arg8[%dma_wait3A_153, %dma_wait3A_154] : memref<128x64xf32, #tpu.memory_space<vmem>> -> memref<16x64xf32, #tpu.memory_space<vmem>>
      %dma_wait3A_156 = arith.constant 9984 : i32
      %dma_wait3A_157 = tpu.memref_slice %arg7[%dma_wait3A_156] : memref<10000xi32, #tpu.memory_space<vmem>> -> memref<16xi32, #tpu.memory_space<vmem>>
      %dma_wait3A_158 = arith.constant 0 : i32
      %dma_wait3A_159 = arith.constant 0 : i32
      %dma_wait3A_160 = tpu.memref_slice %arg10[%dma_wait3A_158, %dma_wait3A_159] : memref<10240x64xf32, #tpu.memory_space<vmem_shared>> -> memref<10240x64xf32, #tpu.memory_space<vmem_shared>>
      tpu.wait_indirect_dma semaphore(%run_scoped3A : memref<!tpu.dma_semaphore, #tpu.memory_space<semaphore_mem>>) src(%dma_wait3A_155 : memref<16x64xf32, #tpu.memory_space<vmem>>) dst(%dma_wait3A_160 : memref<10240x64xf32, #tpu.memory_space<vmem_shared>>)
      tpu.yield
    }) : () -> ()
    %barrier3A_144 = arith.constant 0 : index
    tpu.barrier barrier_id(%barrier3A_144)
    "tpu.region"() ({
      %run_scoped3A = tpu.sem_alloc : memref<!tpu.dma_semaphore, #tpu.memory_space<semaphore_mem>>
      %dma_start3A_145 = arith.constant 0 : i32
      %dma_start3A_146 = tpu.memref_slice %arg5[%arg0, %mul3A_2, %dma_start3A_145] : memref<2x10240x64xf32, #tpu.memory_space<hbm>> -> memref<1x640x64xf32, #tpu.memory_space<hbm>>
      %dma_start3A_147 = tpu.memref_squeeze %dma_start3A_146 : memref<1x640x64xf32, #tpu.memory_space<hbm>> -> memref<640x64xf32, #tpu.memory_space<hbm>>
      %dma_start3A_148 = arith.constant 0 : i32
      %dma_start3A_149 = tpu.memref_slice %arg10[%mul3A_2, %dma_start3A_148] : memref<10240x64xf32, #tpu.memory_space<vmem_shared>> -> memref<640x64xf32, #tpu.memory_space<vmem_shared>>
      tpu.enqueue_dma source(%dma_start3A_149 : memref<640x64xf32, #tpu.memory_space<vmem_shared>>) target(%dma_start3A_147 : memref<640x64xf32, #tpu.memory_space<hbm>>) target_semaphore(%run_scoped3A : memref<!tpu.dma_semaphore, #tpu.memory_space<semaphore_mem>>)
      %dma_wait3A_150 = arith.constant 0 : i32
      %dma_wait3A_151 = tpu.memref_slice %arg5[%arg0, %mul3A_2, %dma_wait3A_150] : memref<2x10240x64xf32, #tpu.memory_space<hbm>> -> memref<1x640x64xf32, #tpu.memory_space<hbm>>
      %dma_wait3A_152 = tpu.memref_squeeze %dma_wait3A_151 : memref<1x640x64xf32, #tpu.memory_space<hbm>> -> memref<640x64xf32, #tpu.memory_space<hbm>>
      %dma_wait3A_153 = arith.constant 0 : i32
      %dma_wait3A_154 = tpu.memref_slice %arg10[%mul3A_2, %dma_wait3A_153] : memref<10240x64xf32, #tpu.memory_space<vmem_shared>> -> memref<640x64xf32, #tpu.memory_space<vmem_shared>>
      tpu.wait_dma2 semaphore(%run_scoped3A : memref<!tpu.dma_semaphore, #tpu.memory_space<semaphore_mem>>) src(%dma_wait3A_154 : memref<640x64xf32, #tpu.memory_space<vmem_shared>>) dst(%dma_wait3A_152 : memref<640x64xf32, #tpu.memory_space<hbm>>)
      tpu.yield
    }) : () -> ()
    return
  }
}

#map = affine_map<(d0, d1) -> (0, 0)>
#map1 = affine_map<(d0, d1) -> (0, 0, 0)>
module attributes {stable_mosaic.version = 14 : i64} {
  func.func @_agg_kernel(%arg0: i32, %arg1: i32, %arg2: memref<10000x64xf32, #tpu.memory_space<hbm>>, %arg3: memref<32x10000xi32, #tpu.memory_space<hbm>>, %arg4: memref<32x10000xi32, #tpu.memory_space<hbm>>, %arg5: memref<2x10240x64xf32, #tpu.memory_space<hbm>>, %arg6: memref<10000xi32, #tpu.memory_space<vmem>>, %arg7: memref<10000xi32, #tpu.memory_space<vmem>>, %arg8: memref<128x64xf32, #tpu.memory_space<vmem>>, %arg9: memref<128x64xf32, #tpu.memory_space<vmem>>, %arg10: memref<10240x64xf32, #tpu.memory_space<vmem_shared>>, %arg11: memref<10000x64xf32, #tpu.memory_space<vmem_shared>>, %arg12: memref<!tpu.dma_semaphore, #tpu.memory_space<semaphore_mem>>, %arg13: memref<!tpu.dma_semaphore, #tpu.memory_space<semaphore_mem>>) attributes {dimension_semantics = [#tpu.dimension_semantics<core_parallel>, #tpu.dimension_semantics<subcore_parallel>], iteration_bounds = array<i64: 2, 16>, scalar_prefetch = 0 : i64, scratch_operands = 8 : i64, tpu.core_type = #tpu.core_type<sc_vector_subcore>, window_params = [{transform_indices = #map}, {transform_indices = #map}, {transform_indices = #map}, {transform_indices = #map1}]} {
    %mul3A = arith.constant 2 : i32
    %mul3A_0 = arith.muli %arg1, %mul3A : i32
    %add3A = arith.addi %mul3A_0, %arg0 : i32
    %mul3A_1 = arith.constant 640 : i32
    %mul3A_2 = arith.muli %arg1, %mul3A_1 : i32
    %mul3A_3 = arith.constant 625 : i32
    %mul3A_4 = arith.muli %arg1, %mul3A_3 : i32
    %dma_start3A = arith.constant 0 : i32
    %dma_start3A_5 = tpu.memref_slice %arg11[%mul3A_4, %dma_start3A] : memref<10000x64xf32, #tpu.memory_space<vmem_shared>> -> memref<625x64xf32, #tpu.memory_space<vmem_shared>>
    %dma_start3A_6 = arith.constant 0 : i32
    %dma_start3A_7 = tpu.memref_slice %arg2[%mul3A_4, %dma_start3A_6] : memref<10000x64xf32, #tpu.memory_space<hbm>> -> memref<625x64xf32, #tpu.memory_space<hbm>>
    tpu.enqueue_dma source(%dma_start3A_7 : memref<625x64xf32, #tpu.memory_space<hbm>>) target(%dma_start3A_5 : memref<625x64xf32, #tpu.memory_space<vmem_shared>>) target_semaphore(%arg13 : memref<!tpu.dma_semaphore, #tpu.memory_space<semaphore_mem>>)
    %dma_start3A_8 = arith.constant 0 : i32
    %dma_start3A_9 = tpu.memref_slice %arg3[%add3A, %dma_start3A_8] : memref<32x10000xi32, #tpu.memory_space<hbm>> -> memref<1x10000xi32, #tpu.memory_space<hbm>>
    %dma_start3A_10 = tpu.memref_squeeze %dma_start3A_9 : memref<1x10000xi32, #tpu.memory_space<hbm>> -> memref<10000xi32, #tpu.memory_space<hbm>>
    %dma_start3A_11 = arith.constant 0 : i32
    %dma_start3A_12 = tpu.memref_slice %arg3[%add3A, %dma_start3A_11] : memref<32x10000xi32, #tpu.memory_space<hbm>> -> memref<1x10000xi32, #tpu.memory_space<hbm>>
    %dma_start3A_13 = tpu.memref_squeeze %dma_start3A_12 : memref<1x10000xi32, #tpu.memory_space<hbm>> -> memref<10000xi32, #tpu.memory_space<hbm>>
    tpu.enqueue_dma source(%dma_start3A_13 : memref<10000xi32, #tpu.memory_space<hbm>>) target(%arg6 : memref<10000xi32, #tpu.memory_space<vmem>>) target_semaphore(%arg12 : memref<!tpu.dma_semaphore, #tpu.memory_space<semaphore_mem>>)
    %dma_start3A_14 = arith.constant 0 : i32
    %dma_start3A_15 = tpu.memref_slice %arg4[%add3A, %dma_start3A_14] : memref<32x10000xi32, #tpu.memory_space<hbm>> -> memref<1x10000xi32, #tpu.memory_space<hbm>>
    %dma_start3A_16 = tpu.memref_squeeze %dma_start3A_15 : memref<1x10000xi32, #tpu.memory_space<hbm>> -> memref<10000xi32, #tpu.memory_space<hbm>>
    %dma_start3A_17 = arith.constant 0 : i32
    %dma_start3A_18 = tpu.memref_slice %arg4[%add3A, %dma_start3A_17] : memref<32x10000xi32, #tpu.memory_space<hbm>> -> memref<1x10000xi32, #tpu.memory_space<hbm>>
    %dma_start3A_19 = tpu.memref_squeeze %dma_start3A_18 : memref<1x10000xi32, #tpu.memory_space<hbm>> -> memref<10000xi32, #tpu.memory_space<hbm>>
    tpu.enqueue_dma source(%dma_start3A_19 : memref<10000xi32, #tpu.memory_space<hbm>>) target(%arg7 : memref<10000xi32, #tpu.memory_space<vmem>>) target_semaphore(%arg12 : memref<!tpu.dma_semaphore, #tpu.memory_space<semaphore_mem>>)
    %broadcast_in_dim3A = arith.constant 0.000000e+00 : f32
    %broadcast_in_dim3A_20 = vector.broadcast %broadcast_in_dim3A : f32 to vector<16xf32>
    %while3A = arith.constant 0 : i32
    %while3A_21 = arith.constant 0 : i32
    %while3A_22 = arith.constant 128 : i32
    %while3A_23 = arith.subi %while3A_22, %while3A_21 : i32
    %while3A_24 = arith.addi %while3A_21, %while3A_23 : i32
    %while3A_25 = arith.constant 1 : i32
    %while3A_26 = arith.divsi %while3A_23, %while3A_25 : i32
    %while3A_27 = arith.muli %while3A_26, %while3A_25 : i32
    %while3A_28 = arith.addi %while3A_21, %while3A_27 : i32
    %while3A_29 = arith.constant 1 : i32
    scf.for %while3A_145 = %while3A_21 to %while3A_28 step %while3A_29  : i32 {
      %swap3A = arith.index_cast %while3A_145 : i32 to index
      %swap3A_146 = arith.constant 0 : index
      %swap3A_147 = tpu.vector_load %arg8[%swap3A, %swap3A_146] {strides = array<i32>} : memref<128x64xf32, #tpu.memory_space<vmem>>, vector<16xf32>,
      tpu.vector_store %arg8[%swap3A, %swap3A_146], %broadcast_in_dim3A_20 {strides = array<i32>} : memref<128x64xf32, #tpu.memory_space<vmem>>, vector<16xf32>,
      %swap3A_148 = arith.index_cast %while3A_145 : i32 to index
      %swap3A_149 = arith.constant 16 : index
      %swap3A_150 = tpu.vector_load %arg8[%swap3A_148, %swap3A_149] {strides = array<i32>} : memref<128x64xf32, #tpu.memory_space<vmem>>, vector<16xf32>,
      tpu.vector_store %arg8[%swap3A_148, %swap3A_149], %broadcast_in_dim3A_20 {strides = array<i32>} : memref<128x64xf32, #tpu.memory_space<vmem>>, vector<16xf32>,
      %swap3A_151 = arith.index_cast %while3A_145 : i32 to index
      %swap3A_152 = arith.constant 32 : index
      %swap3A_153 = tpu.vector_load %arg8[%swap3A_151, %swap3A_152] {strides = array<i32>} : memref<128x64xf32, #tpu.memory_space<vmem>>, vector<16xf32>,
      tpu.vector_store %arg8[%swap3A_151, %swap3A_152], %broadcast_in_dim3A_20 {strides = array<i32>} : memref<128x64xf32, #tpu.memory_space<vmem>>, vector<16xf32>,
      %swap3A_154 = arith.index_cast %while3A_145 : i32 to index
      %swap3A_155 = arith.constant 48 : index
      %swap3A_156 = tpu.vector_load %arg8[%swap3A_154, %swap3A_155] {strides = array<i32>} : memref<128x64xf32, #tpu.memory_space<vmem>>, vector<16xf32>,
      tpu.vector_store %arg8[%swap3A_154, %swap3A_155], %broadcast_in_dim3A_20 {strides = array<i32>} : memref<128x64xf32, #tpu.memory_space<vmem>>, vector<16xf32>,
    }
    %while3A_30 = arith.constant 1 : i32
    scf.for %while3A_145 = %while3A_28 to %while3A_24 step %while3A_30  : i32 {
      %swap3A = arith.index_cast %while3A_145 : i32 to index
      %swap3A_146 = arith.constant 0 : index
      %swap3A_147 = tpu.vector_load %arg8[%swap3A, %swap3A_146] {strides = array<i32>} : memref<128x64xf32, #tpu.memory_space<vmem>>, vector<16xf32>,
      tpu.vector_store %arg8[%swap3A, %swap3A_146], %broadcast_in_dim3A_20 {strides = array<i32>} : memref<128x64xf32, #tpu.memory_space<vmem>>, vector<16xf32>,
      %swap3A_148 = arith.index_cast %while3A_145 : i32 to index
      %swap3A_149 = arith.constant 16 : index
      %swap3A_150 = tpu.vector_load %arg8[%swap3A_148, %swap3A_149] {strides = array<i32>} : memref<128x64xf32, #tpu.memory_space<vmem>>, vector<16xf32>,
      tpu.vector_store %arg8[%swap3A_148, %swap3A_149], %broadcast_in_dim3A_20 {strides = array<i32>} : memref<128x64xf32, #tpu.memory_space<vmem>>, vector<16xf32>,
      %swap3A_151 = arith.index_cast %while3A_145 : i32 to index
      %swap3A_152 = arith.constant 32 : index
      %swap3A_153 = tpu.vector_load %arg8[%swap3A_151, %swap3A_152] {strides = array<i32>} : memref<128x64xf32, #tpu.memory_space<vmem>>, vector<16xf32>,
      tpu.vector_store %arg8[%swap3A_151, %swap3A_152], %broadcast_in_dim3A_20 {strides = array<i32>} : memref<128x64xf32, #tpu.memory_space<vmem>>, vector<16xf32>,
      %swap3A_154 = arith.index_cast %while3A_145 : i32 to index
      %swap3A_155 = arith.constant 48 : index
      %swap3A_156 = tpu.vector_load %arg8[%swap3A_154, %swap3A_155] {strides = array<i32>} : memref<128x64xf32, #tpu.memory_space<vmem>>, vector<16xf32>,
      tpu.vector_store %arg8[%swap3A_154, %swap3A_155], %broadcast_in_dim3A_20 {strides = array<i32>} : memref<128x64xf32, #tpu.memory_space<vmem>>, vector<16xf32>,
    }
    %mul3A_31 = arith.constant 640 : i32
    %mul3A_32 = arith.muli %arg1, %mul3A_31 : i32
    %add3A_33 = arith.constant 0 : i32
    %add3A_34 = arith.addi %mul3A_32, %add3A_33 : i32
    %dma_start3A_35 = arith.constant 0 : i32
    %dma_start3A_36 = tpu.memref_slice %arg10[%add3A_34, %dma_start3A_35] : memref<10240x64xf32, #tpu.memory_space<vmem_shared>> -> memref<128x64xf32, #tpu.memory_space<vmem_shared>>
    %dma_start3A_37 = arith.constant 0 : i32
    %dma_start3A_38 = tpu.memref_slice %arg10[%add3A_34, %dma_start3A_37] : memref<10240x64xf32, #tpu.memory_space<vmem_shared>> -> memref<128x64xf32, #tpu.memory_space<vmem_shared>>
    tpu.enqueue_dma source(%arg8 : memref<128x64xf32, #tpu.memory_space<vmem>>) target(%dma_start3A_38 : memref<128x64xf32, #tpu.memory_space<vmem_shared>>) target_semaphore(%arg13 : memref<!tpu.dma_semaphore, #tpu.memory_space<semaphore_mem>>)
    %mul3A_39 = arith.constant 640 : i32
    %mul3A_40 = arith.muli %arg1, %mul3A_39 : i32
    %add3A_41 = arith.constant 128 : i32
    %add3A_42 = arith.addi %mul3A_40, %add3A_41 : i32
    %dma_start3A_43 = arith.constant 0 : i32
    %dma_start3A_44 = tpu.memref_slice %arg10[%add3A_42, %dma_start3A_43] : memref<10240x64xf32, #tpu.memory_space<vmem_shared>> -> memref<128x64xf32, #tpu.memory_space<vmem_shared>>
    %dma_start3A_45 = arith.constant 0 : i32
    %dma_start3A_46 = tpu.memref_slice %arg10[%add3A_42, %dma_start3A_45] : memref<10240x64xf32, #tpu.memory_space<vmem_shared>> -> memref<128x64xf32, #tpu.memory_space<vmem_shared>>
    tpu.enqueue_dma source(%arg8 : memref<128x64xf32, #tpu.memory_space<vmem>>) target(%dma_start3A_46 : memref<128x64xf32, #tpu.memory_space<vmem_shared>>) target_semaphore(%arg13 : memref<!tpu.dma_semaphore, #tpu.memory_space<semaphore_mem>>)
    %mul3A_47 = arith.constant 640 : i32
    %mul3A_48 = arith.muli %arg1, %mul3A_47 : i32
    %add3A_49 = arith.constant 256 : i32
    %add3A_50 = arith.addi %mul3A_48, %add3A_49 : i32
    %dma_start3A_51 = arith.constant 0 : i32
    %dma_start3A_52 = tpu.memref_slice %arg10[%add3A_50, %dma_start3A_51] : memref<10240x64xf32, #tpu.memory_space<vmem_shared>> -> memref<128x64xf32, #tpu.memory_space<vmem_shared>>
    %dma_start3A_53 = arith.constant 0 : i32
    %dma_start3A_54 = tpu.memref_slice %arg10[%add3A_50, %dma_start3A_53] : memref<10240x64xf32, #tpu.memory_space<vmem_shared>> -> memref<128x64xf32, #tpu.memory_space<vmem_shared>>
    tpu.enqueue_dma source(%arg8 : memref<128x64xf32, #tpu.memory_space<vmem>>) target(%dma_start3A_54 : memref<128x64xf32, #tpu.memory_space<vmem_shared>>) target_semaphore(%arg13 : memref<!tpu.dma_semaphore, #tpu.memory_space<semaphore_mem>>)
    %mul3A_55 = arith.constant 640 : i32
    %mul3A_56 = arith.muli %arg1, %mul3A_55 : i32
    %add3A_57 = arith.constant 384 : i32
    %add3A_58 = arith.addi %mul3A_56, %add3A_57 : i32
    %dma_start3A_59 = arith.constant 0 : i32
    %dma_start3A_60 = tpu.memref_slice %arg10[%add3A_58, %dma_start3A_59] : memref<10240x64xf32, #tpu.memory_space<vmem_shared>> -> memref<128x64xf32, #tpu.memory_space<vmem_shared>>
    %dma_start3A_61 = arith.constant 0 : i32
    %dma_start3A_62 = tpu.memref_slice %arg10[%add3A_58, %dma_start3A_61] : memref<10240x64xf32, #tpu.memory_space<vmem_shared>> -> memref<128x64xf32, #tpu.memory_space<vmem_shared>>
    tpu.enqueue_dma source(%arg8 : memref<128x64xf32, #tpu.memory_space<vmem>>) target(%dma_start3A_62 : memref<128x64xf32, #tpu.memory_space<vmem_shared>>) target_semaphore(%arg13 : memref<!tpu.dma_semaphore, #tpu.memory_space<semaphore_mem>>)
    %mul3A_63 = arith.constant 640 : i32
    %mul3A_64 = arith.muli %arg1, %mul3A_63 : i32
    %add3A_65 = arith.constant 512 : i32
    %add3A_66 = arith.addi %mul3A_64, %add3A_65 : i32
    %dma_start3A_67 = arith.constant 0 : i32
    %dma_start3A_68 = tpu.memref_slice %arg10[%add3A_66, %dma_start3A_67] : memref<10240x64xf32, #tpu.memory_space<vmem_shared>> -> memref<128x64xf32, #tpu.memory_space<vmem_shared>>
    %dma_start3A_69 = arith.constant 0 : i32
    %dma_start3A_70 = tpu.memref_slice %arg10[%add3A_66, %dma_start3A_69] : memref<10240x64xf32, #tpu.memory_space<vmem_shared>> -> memref<128x64xf32, #tpu.memory_space<vmem_shared>>
    tpu.enqueue_dma source(%arg8 : memref<128x64xf32, #tpu.memory_space<vmem>>) target(%dma_start3A_70 : memref<128x64xf32, #tpu.memory_space<vmem_shared>>) target_semaphore(%arg13 : memref<!tpu.dma_semaphore, #tpu.memory_space<semaphore_mem>>)
    %dma_wait3A = arith.constant 0 : i32
    %dma_wait3A_71 = tpu.memref_slice %arg3[%add3A, %dma_wait3A] : memref<32x10000xi32, #tpu.memory_space<hbm>> -> memref<1x10000xi32, #tpu.memory_space<hbm>>
    %dma_wait3A_72 = tpu.memref_squeeze %dma_wait3A_71 : memref<1x10000xi32, #tpu.memory_space<hbm>> -> memref<10000xi32, #tpu.memory_space<hbm>>
    %dma_wait3A_73 = arith.constant 0 : i32
    %dma_wait3A_74 = tpu.memref_slice %arg3[%add3A, %dma_wait3A_73] : memref<32x10000xi32, #tpu.memory_space<hbm>> -> memref<1x10000xi32, #tpu.memory_space<hbm>>
    %dma_wait3A_75 = tpu.memref_squeeze %dma_wait3A_74 : memref<1x10000xi32, #tpu.memory_space<hbm>> -> memref<10000xi32, #tpu.memory_space<hbm>>
    tpu.wait_dma2 semaphore(%arg12 : memref<!tpu.dma_semaphore, #tpu.memory_space<semaphore_mem>>) src(%dma_wait3A_75 : memref<10000xi32, #tpu.memory_space<hbm>>) dst(%arg6 : memref<10000xi32, #tpu.memory_space<vmem>>)
    %dma_wait3A_76 = arith.constant 0 : i32
    %dma_wait3A_77 = tpu.memref_slice %arg4[%add3A, %dma_wait3A_76] : memref<32x10000xi32, #tpu.memory_space<hbm>> -> memref<1x10000xi32, #tpu.memory_space<hbm>>
    %dma_wait3A_78 = tpu.memref_squeeze %dma_wait3A_77 : memref<1x10000xi32, #tpu.memory_space<hbm>> -> memref<10000xi32, #tpu.memory_space<hbm>>
    %dma_wait3A_79 = arith.constant 0 : i32
    %dma_wait3A_80 = tpu.memref_slice %arg4[%add3A, %dma_wait3A_79] : memref<32x10000xi32, #tpu.memory_space<hbm>> -> memref<1x10000xi32, #tpu.memory_space<hbm>>
    %dma_wait3A_81 = tpu.memref_squeeze %dma_wait3A_80 : memref<1x10000xi32, #tpu.memory_space<hbm>> -> memref<10000xi32, #tpu.memory_space<hbm>>
    tpu.wait_dma2 semaphore(%arg12 : memref<!tpu.dma_semaphore, #tpu.memory_space<semaphore_mem>>) src(%dma_wait3A_81 : memref<10000xi32, #tpu.memory_space<hbm>>) dst(%arg7 : memref<10000xi32, #tpu.memory_space<vmem>>)
    %dma_wait3A_82 = arith.constant 0 : i32
    %dma_wait3A_83 = tpu.memref_slice %arg11[%mul3A_4, %dma_wait3A_82] : memref<10000x64xf32, #tpu.memory_space<vmem_shared>> -> memref<625x64xf32, #tpu.memory_space<vmem_shared>>
    %dma_wait3A_84 = arith.constant 0 : i32
    %dma_wait3A_85 = tpu.memref_slice %arg2[%mul3A_4, %dma_wait3A_84] : memref<10000x64xf32, #tpu.memory_space<hbm>> -> memref<625x64xf32, #tpu.memory_space<hbm>>
    tpu.wait_dma2 semaphore(%arg13 : memref<!tpu.dma_semaphore, #tpu.memory_space<semaphore_mem>>) src(%dma_wait3A_85 : memref<625x64xf32, #tpu.memory_space<hbm>>) dst(%dma_wait3A_83 : memref<625x64xf32, #tpu.memory_space<vmem_shared>>)
    %mul3A_86 = arith.constant 640 : i32
    %mul3A_87 = arith.muli %arg1, %mul3A_86 : i32
    %add3A_88 = arith.constant 0 : i32
    %add3A_89 = arith.addi %mul3A_87, %add3A_88 : i32
    %dma_wait3A_90 = arith.constant 0 : i32
    %dma_wait3A_91 = tpu.memref_slice %arg10[%add3A_89, %dma_wait3A_90] : memref<10240x64xf32, #tpu.memory_space<vmem_shared>> -> memref<128x64xf32, #tpu.memory_space<vmem_shared>>
    %dma_wait3A_92 = arith.constant 0 : i32
    %dma_wait3A_93 = tpu.memref_slice %arg10[%add3A_89, %dma_wait3A_92] : memref<10240x64xf32, #tpu.memory_space<vmem_shared>> -> memref<128x64xf32, #tpu.memory_space<vmem_shared>>
    tpu.wait_dma2 semaphore(%arg13 : memref<!tpu.dma_semaphore, #tpu.memory_space<semaphore_mem>>) src(%arg8 : memref<128x64xf32, #tpu.memory_space<vmem>>) dst(%dma_wait3A_93 : memref<128x64xf32, #tpu.memory_space<vmem_shared>>)
    %mul3A_94 = arith.constant 640 : i32
    %mul3A_95 = arith.muli %arg1, %mul3A_94 : i32
    %add3A_96 = arith.constant 128 : i32
    %add3A_97 = arith.addi %mul3A_95, %add3A_96 : i32
    %dma_wait3A_98 = arith.constant 0 : i32
    %dma_wait3A_99 = tpu.memref_slice %arg10[%add3A_97, %dma_wait3A_98] : memref<10240x64xf32, #tpu.memory_space<vmem_shared>> -> memref<128x64xf32, #tpu.memory_space<vmem_shared>>
    %dma_wait3A_100 = arith.constant 0 : i32
    %dma_wait3A_101 = tpu.memref_slice %arg10[%add3A_97, %dma_wait3A_100] : memref<10240x64xf32, #tpu.memory_space<vmem_shared>> -> memref<128x64xf32, #tpu.memory_space<vmem_shared>>
    tpu.wait_dma2 semaphore(%arg13 : memref<!tpu.dma_semaphore, #tpu.memory_space<semaphore_mem>>) src(%arg8 : memref<128x64xf32, #tpu.memory_space<vmem>>) dst(%dma_wait3A_101 : memref<128x64xf32, #tpu.memory_space<vmem_shared>>)
    %mul3A_102 = arith.constant 640 : i32
    %mul3A_103 = arith.muli %arg1, %mul3A_102 : i32
    %add3A_104 = arith.constant 256 : i32
    %add3A_105 = arith.addi %mul3A_103, %add3A_104 : i32
    %dma_wait3A_106 = arith.constant 0 : i32
    %dma_wait3A_107 = tpu.memref_slice %arg10[%add3A_105, %dma_wait3A_106] : memref<10240x64xf32, #tpu.memory_space<vmem_shared>> -> memref<128x64xf32, #tpu.memory_space<vmem_shared>>
    %dma_wait3A_108 = arith.constant 0 : i32
    %dma_wait3A_109 = tpu.memref_slice %arg10[%add3A_105, %dma_wait3A_108] : memref<10240x64xf32, #tpu.memory_space<vmem_shared>> -> memref<128x64xf32, #tpu.memory_space<vmem_shared>>
    tpu.wait_dma2 semaphore(%arg13 : memref<!tpu.dma_semaphore, #tpu.memory_space<semaphore_mem>>) src(%arg8 : memref<128x64xf32, #tpu.memory_space<vmem>>) dst(%dma_wait3A_109 : memref<128x64xf32, #tpu.memory_space<vmem_shared>>)
    %mul3A_110 = arith.constant 640 : i32
    %mul3A_111 = arith.muli %arg1, %mul3A_110 : i32
    %add3A_112 = arith.constant 384 : i32
    %add3A_113 = arith.addi %mul3A_111, %add3A_112 : i32
    %dma_wait3A_114 = arith.constant 0 : i32
    %dma_wait3A_115 = tpu.memref_slice %arg10[%add3A_113, %dma_wait3A_114] : memref<10240x64xf32, #tpu.memory_space<vmem_shared>> -> memref<128x64xf32, #tpu.memory_space<vmem_shared>>
    %dma_wait3A_116 = arith.constant 0 : i32
    %dma_wait3A_117 = tpu.memref_slice %arg10[%add3A_113, %dma_wait3A_116] : memref<10240x64xf32, #tpu.memory_space<vmem_shared>> -> memref<128x64xf32, #tpu.memory_space<vmem_shared>>
    tpu.wait_dma2 semaphore(%arg13 : memref<!tpu.dma_semaphore, #tpu.memory_space<semaphore_mem>>) src(%arg8 : memref<128x64xf32, #tpu.memory_space<vmem>>) dst(%dma_wait3A_117 : memref<128x64xf32, #tpu.memory_space<vmem_shared>>)
    %mul3A_118 = arith.constant 640 : i32
    %mul3A_119 = arith.muli %arg1, %mul3A_118 : i32
    %add3A_120 = arith.constant 512 : i32
    %add3A_121 = arith.addi %mul3A_119, %add3A_120 : i32
    %dma_wait3A_122 = arith.constant 0 : i32
    %dma_wait3A_123 = tpu.memref_slice %arg10[%add3A_121, %dma_wait3A_122] : memref<10240x64xf32, #tpu.memory_space<vmem_shared>> -> memref<128x64xf32, #tpu.memory_space<vmem_shared>>
    %dma_wait3A_124 = arith.constant 0 : i32
    %dma_wait3A_125 = tpu.memref_slice %arg10[%add3A_121, %dma_wait3A_124] : memref<10240x64xf32, #tpu.memory_space<vmem_shared>> -> memref<128x64xf32, #tpu.memory_space<vmem_shared>>
    tpu.wait_dma2 semaphore(%arg13 : memref<!tpu.dma_semaphore, #tpu.memory_space<semaphore_mem>>) src(%arg8 : memref<128x64xf32, #tpu.memory_space<vmem>>) dst(%dma_wait3A_125 : memref<128x64xf32, #tpu.memory_space<vmem_shared>>)
    %barrier3A = arith.constant 0 : index
    tpu.barrier barrier_id(%barrier3A)
    %mul3A_126 = arith.constant 0 : i32
    %mul3A_127 = arith.constant 128 : i32
    %mul3A_128 = arith.muli %mul3A_126, %mul3A_127 : i32
    %dma_start3A_129 = tpu.memref_slice %arg6[%mul3A_128] : memref<10000xi32, #tpu.memory_space<vmem>> -> memref<128xi32, #tpu.memory_space<vmem>>
    %dma_start3A_130 = arith.constant 0 : i32
    %dma_start3A_131 = arith.constant 0 : i32
    %dma_start3A_132 = tpu.memref_slice %arg11[%dma_start3A_130, %dma_start3A_131] : memref<10000x64xf32, #tpu.memory_space<vmem_shared>> -> memref<10000x64xf32, #tpu.memory_space<vmem_shared>>
    tpu.enqueue_indirect_dma source(%dma_start3A_132 : memref<10000x64xf32, #tpu.memory_space<vmem_shared>>) target(%arg8 : memref<128x64xf32, #tpu.memory_space<vmem>>) offsets(%dma_start3A_129 : memref<128xi32, #tpu.memory_space<vmem>>) semaphore(%arg12 : memref<!tpu.dma_semaphore, #tpu.memory_space<semaphore_mem>>)
    %while3A_133 = arith.constant 0 : i32
    %while3A_134 = arith.constant 0 : i32
    %while3A_135 = arith.constant 39 : i32
    %while3A_136 = arith.subi %while3A_135, %while3A_134 : i32
    %while3A_137 = arith.addi %while3A_134, %while3A_136 : i32
    %while3A_138 = arith.constant 1 : i32
    %while3A_139 = arith.divsi %while3A_136, %while3A_138 : i32
    %while3A_140 = arith.muli %while3A_139, %while3A_138 : i32
    %while3A_141 = arith.addi %while3A_134, %while3A_140 : i32
    %while3A_142 = arith.constant 1 : i32
    scf.for %while3A_145 = %while3A_134 to %while3A_141 step %while3A_142  : i32 {
      %mul3A_146 = arith.constant 2 : i32
      %mul3A_147 = arith.muli %while3A_145, %mul3A_146 : i32
      %add3A_148 = arith.constant 1 : i32
      %add3A_149 = arith.addi %mul3A_147, %add3A_148 : i32
      %mul3A_150 = arith.constant 128 : i32
      %mul3A_151 = arith.muli %add3A_149, %mul3A_150 : i32
      %dma_start3A_152 = tpu.memref_slice %arg6[%mul3A_151] : memref<10000xi32, #tpu.memory_space<vmem>> -> memref<128xi32, #tpu.memory_space<vmem>>
      %dma_start3A_153 = arith.constant 0 : i32
      %dma_start3A_154 = arith.constant 0 : i32
      %dma_start3A_155 = tpu.memref_slice %arg11[%dma_start3A_153, %dma_start3A_154] : memref<10000x64xf32, #tpu.memory_space<vmem_shared>> -> memref<10000x64xf32, #tpu.memory_space<vmem_shared>>
      tpu.enqueue_indirect_dma source(%dma_start3A_155 : memref<10000x64xf32, #tpu.memory_space<vmem_shared>>) target(%arg9 : memref<128x64xf32, #tpu.memory_space<vmem>>) offsets(%dma_start3A_152 : memref<128xi32, #tpu.memory_space<vmem>>) semaphore(%arg13 : memref<!tpu.dma_semaphore, #tpu.memory_space<semaphore_mem>>)
      %mul3A_156 = arith.constant 128 : i32
      %mul3A_157 = arith.muli %mul3A_147, %mul3A_156 : i32
      %dma_wait3A_158 = tpu.memref_slice %arg6[%mul3A_157] : memref<10000xi32, #tpu.memory_space<vmem>> -> memref<128xi32, #tpu.memory_space<vmem>>
      %dma_wait3A_159 = arith.constant 0 : i32
      %dma_wait3A_160 = arith.constant 0 : i32
      %dma_wait3A_161 = tpu.memref_slice %arg11[%dma_wait3A_159, %dma_wait3A_160] : memref<10000x64xf32, #tpu.memory_space<vmem_shared>> -> memref<10000x64xf32, #tpu.memory_space<vmem_shared>>
      tpu.wait_indirect_dma semaphore(%arg12 : memref<!tpu.dma_semaphore, #tpu.memory_space<semaphore_mem>>) src(%dma_wait3A_161 : memref<10000x64xf32, #tpu.memory_space<vmem_shared>>) dst(%arg8 : memref<128x64xf32, #tpu.memory_space<vmem>>)
      %mul3A_162 = arith.constant 128 : i32
      %mul3A_163 = arith.muli %mul3A_147, %mul3A_162 : i32
      "tpu.region"() ({
        %run_scoped3A = tpu.sem_alloc : memref<!tpu.dma_semaphore, #tpu.memory_space<semaphore_mem>>
        %dma_start3A_178 = tpu.memref_slice %arg7[%mul3A_163] : memref<10000xi32, #tpu.memory_space<vmem>> -> memref<128xi32, #tpu.memory_space<vmem>>
        %dma_start3A_179 = arith.constant 0 : i32
        %dma_start3A_180 = arith.constant 0 : i32
        %dma_start3A_181 = tpu.memref_slice %arg10[%dma_start3A_179, %dma_start3A_180] : memref<10240x64xf32, #tpu.memory_space<vmem_shared>> -> memref<10240x64xf32, #tpu.memory_space<vmem_shared>>
        tpu.enqueue_indirect_dma source(%arg8 : memref<128x64xf32, #tpu.memory_space<vmem>>) target(%dma_start3A_181 : memref<10240x64xf32, #tpu.memory_space<vmem_shared>>) offsets(%dma_start3A_178 : memref<128xi32, #tpu.memory_space<vmem>>) semaphore(%run_scoped3A : memref<!tpu.dma_semaphore, #tpu.memory_space<semaphore_mem>>) {add = true}
        %dma_wait3A_182 = tpu.memref_slice %arg7[%mul3A_163] : memref<10000xi32, #tpu.memory_space<vmem>> -> memref<128xi32, #tpu.memory_space<vmem>>
        %dma_wait3A_183 = arith.constant 0 : i32
        %dma_wait3A_184 = arith.constant 0 : i32
        %dma_wait3A_185 = tpu.memref_slice %arg10[%dma_wait3A_183, %dma_wait3A_184] : memref<10240x64xf32, #tpu.memory_space<vmem_shared>> -> memref<10240x64xf32, #tpu.memory_space<vmem_shared>>
        tpu.wait_indirect_dma semaphore(%run_scoped3A : memref<!tpu.dma_semaphore, #tpu.memory_space<semaphore_mem>>) src(%arg8 : memref<128x64xf32, #tpu.memory_space<vmem>>) dst(%dma_wait3A_185 : memref<10240x64xf32, #tpu.memory_space<vmem_shared>>)
        tpu.yield
      }) : () -> ()
      %lt3A = arith.constant 38 : i32
      %lt3A_164 = arith.cmpi slt, %while3A_145, %lt3A : i32
      %convert_element_type3A = arith.extui %lt3A_164 : i1 to i32
      %cond3A = arith.constant 0 : i32
      %cond3A_165 = arith.cmpi ne, %convert_element_type3A, %cond3A : i32
      scf.if %cond3A_165 {
        %add3A_178 = arith.constant 2 : i32
        %add3A_179 = arith.addi %mul3A_147, %add3A_178 : i32
        %mul3A_180 = arith.constant 128 : i32
        %mul3A_181 = arith.muli %add3A_179, %mul3A_180 : i32
        %dma_start3A_182 = tpu.memref_slice %arg6[%mul3A_181] : memref<10000xi32, #tpu.memory_space<vmem>> -> memref<128xi32, #tpu.memory_space<vmem>>
        %dma_start3A_183 = arith.constant 0 : i32
        %dma_start3A_184 = arith.constant 0 : i32
        %dma_start3A_185 = tpu.memref_slice %arg11[%dma_start3A_183, %dma_start3A_184] : memref<10000x64xf32, #tpu.memory_space<vmem_shared>> -> memref<10000x64xf32, #tpu.memory_space<vmem_shared>>
        tpu.enqueue_indirect_dma source(%dma_start3A_185 : memref<10000x64xf32, #tpu.memory_space<vmem_shared>>) target(%arg8 : memref<128x64xf32, #tpu.memory_space<vmem>>) offsets(%dma_start3A_182 : memref<128xi32, #tpu.memory_space<vmem>>) semaphore(%arg12 : memref<!tpu.dma_semaphore, #tpu.memory_space<semaphore_mem>>)
      } else {
      }
      %add3A_166 = arith.constant 1 : i32
      %add3A_167 = arith.addi %mul3A_147, %add3A_166 : i32
      %mul3A_168 = arith.constant 128 : i32
      %mul3A_169 = arith.muli %add3A_167, %mul3A_168 : i32
      %dma_wait3A_170 = tpu.memref_slice %arg6[%mul3A_169] : memref<10000xi32, #tpu.memory_space<vmem>> -> memref<128xi32, #tpu.memory_space<vmem>>
      %dma_wait3A_171 = arith.constant 0 : i32
      %dma_wait3A_172 = arith.constant 0 : i32
      %dma_wait3A_173 = tpu.memref_slice %arg11[%dma_wait3A_171, %dma_wait3A_172] : memref<10000x64xf32, #tpu.memory_space<vmem_shared>> -> memref<10000x64xf32, #tpu.memory_space<vmem_shared>>
      tpu.wait_indirect_dma semaphore(%arg13 : memref<!tpu.dma_semaphore, #tpu.memory_space<semaphore_mem>>) src(%dma_wait3A_173 : memref<10000x64xf32, #tpu.memory_space<vmem_shared>>) dst(%arg9 : memref<128x64xf32, #tpu.memory_space<vmem>>)
      %add3A_174 = arith.constant 1 : i32
      %add3A_175 = arith.addi %mul3A_147, %add3A_174 : i32
      %mul3A_176 = arith.constant 128 : i32
      %mul3A_177 = arith.muli %add3A_175, %mul3A_176 : i32
      "tpu.region"() ({
        %run_scoped3A = tpu.sem_alloc : memref<!tpu.dma_semaphore, #tpu.memory_space<semaphore_mem>>
        %dma_start3A_178 = tpu.memref_slice %arg7[%mul3A_177] : memref<10000xi32, #tpu.memory_space<vmem>> -> memref<128xi32, #tpu.memory_space<vmem>>
        %dma_start3A_179 = arith.constant 0 : i32
        %dma_start3A_180 = arith.constant 0 : i32
        %dma_start3A_181 = tpu.memref_slice %arg10[%dma_start3A_179, %dma_start3A_180] : memref<10240x64xf32, #tpu.memory_space<vmem_shared>> -> memref<10240x64xf32, #tpu.memory_space<vmem_shared>>
        tpu.enqueue_indirect_dma source(%arg9 : memref<128x64xf32, #tpu.memory_space<vmem>>) target(%dma_start3A_181 : memref<10240x64xf32, #tpu.memory_space<vmem_shared>>) offsets(%dma_start3A_178 : memref<128xi32, #tpu.memory_space<vmem>>) semaphore(%run_scoped3A : memref<!tpu.dma_semaphore, #tpu.memory_space<semaphore_mem>>) {add = true}
        %dma_wait3A_182 = tpu.memref_slice %arg7[%mul3A_177] : memref<10000xi32, #tpu.memory_space<vmem>> -> memref<128xi32, #tpu.memory_space<vmem>>
        %dma_wait3A_183 = arith.constant 0 : i32
        %dma_wait3A_184 = arith.constant 0 : i32
        %dma_wait3A_185 = tpu.memref_slice %arg10[%dma_wait3A_183, %dma_wait3A_184] : memref<10240x64xf32, #tpu.memory_space<vmem_shared>> -> memref<10240x64xf32, #tpu.memory_space<vmem_shared>>
        tpu.wait_indirect_dma semaphore(%run_scoped3A : memref<!tpu.dma_semaphore, #tpu.memory_space<semaphore_mem>>) src(%arg9 : memref<128x64xf32, #tpu.memory_space<vmem>>) dst(%dma_wait3A_185 : memref<10240x64xf32, #tpu.memory_space<vmem_shared>>)
        tpu.yield
      }) : () -> ()
    }
    %while3A_143 = arith.constant 1 : i32
    scf.for %while3A_145 = %while3A_141 to %while3A_137 step %while3A_143  : i32 {
      %mul3A_146 = arith.constant 2 : i32
      %mul3A_147 = arith.muli %while3A_145, %mul3A_146 : i32
      %add3A_148 = arith.constant 1 : i32
      %add3A_149 = arith.addi %mul3A_147, %add3A_148 : i32
      %mul3A_150 = arith.constant 128 : i32
      %mul3A_151 = arith.muli %add3A_149, %mul3A_150 : i32
      %dma_start3A_152 = tpu.memref_slice %arg6[%mul3A_151] : memref<10000xi32, #tpu.memory_space<vmem>> -> memref<128xi32, #tpu.memory_space<vmem>>
      %dma_start3A_153 = arith.constant 0 : i32
      %dma_start3A_154 = arith.constant 0 : i32
      %dma_start3A_155 = tpu.memref_slice %arg11[%dma_start3A_153, %dma_start3A_154] : memref<10000x64xf32, #tpu.memory_space<vmem_shared>> -> memref<10000x64xf32, #tpu.memory_space<vmem_shared>>
      tpu.enqueue_indirect_dma source(%dma_start3A_155 : memref<10000x64xf32, #tpu.memory_space<vmem_shared>>) target(%arg9 : memref<128x64xf32, #tpu.memory_space<vmem>>) offsets(%dma_start3A_152 : memref<128xi32, #tpu.memory_space<vmem>>) semaphore(%arg13 : memref<!tpu.dma_semaphore, #tpu.memory_space<semaphore_mem>>)
      %mul3A_156 = arith.constant 128 : i32
      %mul3A_157 = arith.muli %mul3A_147, %mul3A_156 : i32
      %dma_wait3A_158 = tpu.memref_slice %arg6[%mul3A_157] : memref<10000xi32, #tpu.memory_space<vmem>> -> memref<128xi32, #tpu.memory_space<vmem>>
      %dma_wait3A_159 = arith.constant 0 : i32
      %dma_wait3A_160 = arith.constant 0 : i32
      %dma_wait3A_161 = tpu.memref_slice %arg11[%dma_wait3A_159, %dma_wait3A_160] : memref<10000x64xf32, #tpu.memory_space<vmem_shared>> -> memref<10000x64xf32, #tpu.memory_space<vmem_shared>>
      tpu.wait_indirect_dma semaphore(%arg12 : memref<!tpu.dma_semaphore, #tpu.memory_space<semaphore_mem>>) src(%dma_wait3A_161 : memref<10000x64xf32, #tpu.memory_space<vmem_shared>>) dst(%arg8 : memref<128x64xf32, #tpu.memory_space<vmem>>)
      %mul3A_162 = arith.constant 128 : i32
      %mul3A_163 = arith.muli %mul3A_147, %mul3A_162 : i32
      "tpu.region"() ({
        %run_scoped3A = tpu.sem_alloc : memref<!tpu.dma_semaphore, #tpu.memory_space<semaphore_mem>>
        %dma_start3A_178 = tpu.memref_slice %arg7[%mul3A_163] : memref<10000xi32, #tpu.memory_space<vmem>> -> memref<128xi32, #tpu.memory_space<vmem>>
        %dma_start3A_179 = arith.constant 0 : i32
        %dma_start3A_180 = arith.constant 0 : i32
        %dma_start3A_181 = tpu.memref_slice %arg10[%dma_start3A_179, %dma_start3A_180] : memref<10240x64xf32, #tpu.memory_space<vmem_shared>> -> memref<10240x64xf32, #tpu.memory_space<vmem_shared>>
        tpu.enqueue_indirect_dma source(%arg8 : memref<128x64xf32, #tpu.memory_space<vmem>>) target(%dma_start3A_181 : memref<10240x64xf32, #tpu.memory_space<vmem_shared>>) offsets(%dma_start3A_178 : memref<128xi32, #tpu.memory_space<vmem>>) semaphore(%run_scoped3A : memref<!tpu.dma_semaphore, #tpu.memory_space<semaphore_mem>>) {add = true}
        %dma_wait3A_182 = tpu.memref_slice %arg7[%mul3A_163] : memref<10000xi32, #tpu.memory_space<vmem>> -> memref<128xi32, #tpu.memory_space<vmem>>
        %dma_wait3A_183 = arith.constant 0 : i32
        %dma_wait3A_184 = arith.constant 0 : i32
        %dma_wait3A_185 = tpu.memref_slice %arg10[%dma_wait3A_183, %dma_wait3A_184] : memref<10240x64xf32, #tpu.memory_space<vmem_shared>> -> memref<10240x64xf32, #tpu.memory_space<vmem_shared>>
        tpu.wait_indirect_dma semaphore(%run_scoped3A : memref<!tpu.dma_semaphore, #tpu.memory_space<semaphore_mem>>) src(%arg8 : memref<128x64xf32, #tpu.memory_space<vmem>>) dst(%dma_wait3A_185 : memref<10240x64xf32, #tpu.memory_space<vmem_shared>>)
        tpu.yield
      }) : () -> ()
      %lt3A = arith.constant 38 : i32
      %lt3A_164 = arith.cmpi slt, %while3A_145, %lt3A : i32
      %convert_element_type3A = arith.extui %lt3A_164 : i1 to i32
      %cond3A = arith.constant 0 : i32
      %cond3A_165 = arith.cmpi ne, %convert_element_type3A, %cond3A : i32
      scf.if %cond3A_165 {
        %add3A_178 = arith.constant 2 : i32
        %add3A_179 = arith.addi %mul3A_147, %add3A_178 : i32
        %mul3A_180 = arith.constant 128 : i32
        %mul3A_181 = arith.muli %add3A_179, %mul3A_180 : i32
        %dma_start3A_182 = tpu.memref_slice %arg6[%mul3A_181] : memref<10000xi32, #tpu.memory_space<vmem>> -> memref<128xi32, #tpu.memory_space<vmem>>
        %dma_start3A_183 = arith.constant 0 : i32
        %dma_start3A_184 = arith.constant 0 : i32
        %dma_start3A_185 = tpu.memref_slice %arg11[%dma_start3A_183, %dma_start3A_184] : memref<10000x64xf32, #tpu.memory_space<vmem_shared>> -> memref<10000x64xf32, #tpu.memory_space<vmem_shared>>
        tpu.enqueue_indirect_dma source(%dma_start3A_185 : memref<10000x64xf32, #tpu.memory_space<vmem_shared>>) target(%arg8 : memref<128x64xf32, #tpu.memory_space<vmem>>) offsets(%dma_start3A_182 : memref<128xi32, #tpu.memory_space<vmem>>) semaphore(%arg12 : memref<!tpu.dma_semaphore, #tpu.memory_space<semaphore_mem>>)
      } else {
      }
      %add3A_166 = arith.constant 1 : i32
      %add3A_167 = arith.addi %mul3A_147, %add3A_166 : i32
      %mul3A_168 = arith.constant 128 : i32
      %mul3A_169 = arith.muli %add3A_167, %mul3A_168 : i32
      %dma_wait3A_170 = tpu.memref_slice %arg6[%mul3A_169] : memref<10000xi32, #tpu.memory_space<vmem>> -> memref<128xi32, #tpu.memory_space<vmem>>
      %dma_wait3A_171 = arith.constant 0 : i32
      %dma_wait3A_172 = arith.constant 0 : i32
      %dma_wait3A_173 = tpu.memref_slice %arg11[%dma_wait3A_171, %dma_wait3A_172] : memref<10000x64xf32, #tpu.memory_space<vmem_shared>> -> memref<10000x64xf32, #tpu.memory_space<vmem_shared>>
      tpu.wait_indirect_dma semaphore(%arg13 : memref<!tpu.dma_semaphore, #tpu.memory_space<semaphore_mem>>) src(%dma_wait3A_173 : memref<10000x64xf32, #tpu.memory_space<vmem_shared>>) dst(%arg9 : memref<128x64xf32, #tpu.memory_space<vmem>>)
      %add3A_174 = arith.constant 1 : i32
      %add3A_175 = arith.addi %mul3A_147, %add3A_174 : i32
      %mul3A_176 = arith.constant 128 : i32
      %mul3A_177 = arith.muli %add3A_175, %mul3A_176 : i32
      "tpu.region"() ({
        %run_scoped3A = tpu.sem_alloc : memref<!tpu.dma_semaphore, #tpu.memory_space<semaphore_mem>>
        %dma_start3A_178 = tpu.memref_slice %arg7[%mul3A_177] : memref<10000xi32, #tpu.memory_space<vmem>> -> memref<128xi32, #tpu.memory_space<vmem>>
        %dma_start3A_179 = arith.constant 0 : i32
        %dma_start3A_180 = arith.constant 0 : i32
        %dma_start3A_181 = tpu.memref_slice %arg10[%dma_start3A_179, %dma_start3A_180] : memref<10240x64xf32, #tpu.memory_space<vmem_shared>> -> memref<10240x64xf32, #tpu.memory_space<vmem_shared>>
        tpu.enqueue_indirect_dma source(%arg9 : memref<128x64xf32, #tpu.memory_space<vmem>>) target(%dma_start3A_181 : memref<10240x64xf32, #tpu.memory_space<vmem_shared>>) offsets(%dma_start3A_178 : memref<128xi32, #tpu.memory_space<vmem>>) semaphore(%run_scoped3A : memref<!tpu.dma_semaphore, #tpu.memory_space<semaphore_mem>>) {add = true}
        %dma_wait3A_182 = tpu.memref_slice %arg7[%mul3A_177] : memref<10000xi32, #tpu.memory_space<vmem>> -> memref<128xi32, #tpu.memory_space<vmem>>
        %dma_wait3A_183 = arith.constant 0 : i32
        %dma_wait3A_184 = arith.constant 0 : i32
        %dma_wait3A_185 = tpu.memref_slice %arg10[%dma_wait3A_183, %dma_wait3A_184] : memref<10240x64xf32, #tpu.memory_space<vmem_shared>> -> memref<10240x64xf32, #tpu.memory_space<vmem_shared>>
        tpu.wait_indirect_dma semaphore(%run_scoped3A : memref<!tpu.dma_semaphore, #tpu.memory_space<semaphore_mem>>) src(%arg9 : memref<128x64xf32, #tpu.memory_space<vmem>>) dst(%dma_wait3A_185 : memref<10240x64xf32, #tpu.memory_space<vmem_shared>>)
        tpu.yield
      }) : () -> ()
    }
    "tpu.region"() ({
      %run_scoped3A = tpu.sem_alloc : memref<!tpu.dma_semaphore, #tpu.memory_space<semaphore_mem>>
      %dma_start3A_145 = arith.constant 0 : i32
      %dma_start3A_146 = arith.constant 0 : i32
      %dma_start3A_147 = tpu.memref_slice %arg8[%dma_start3A_145, %dma_start3A_146] : memref<128x64xf32, #tpu.memory_space<vmem>> -> memref<16x64xf32, #tpu.memory_space<vmem>>
      %dma_start3A_148 = arith.constant 9984 : i32
      %dma_start3A_149 = tpu.memref_slice %arg6[%dma_start3A_148] : memref<10000xi32, #tpu.memory_space<vmem>> -> memref<16xi32, #tpu.memory_space<vmem>>
      %dma_start3A_150 = arith.constant 0 : i32
      %dma_start3A_151 = arith.constant 0 : i32
      %dma_start3A_152 = tpu.memref_slice %arg11[%dma_start3A_150, %dma_start3A_151] : memref<10000x64xf32, #tpu.memory_space<vmem_shared>> -> memref<10000x64xf32, #tpu.memory_space<vmem_shared>>
      tpu.enqueue_indirect_dma source(%dma_start3A_152 : memref<10000x64xf32, #tpu.memory_space<vmem_shared>>) target(%dma_start3A_147 : memref<16x64xf32, #tpu.memory_space<vmem>>) offsets(%dma_start3A_149 : memref<16xi32, #tpu.memory_space<vmem>>) semaphore(%run_scoped3A : memref<!tpu.dma_semaphore, #tpu.memory_space<semaphore_mem>>)
      %dma_wait3A_153 = arith.constant 0 : i32
      %dma_wait3A_154 = arith.constant 0 : i32
      %dma_wait3A_155 = tpu.memref_slice %arg8[%dma_wait3A_153, %dma_wait3A_154] : memref<128x64xf32, #tpu.memory_space<vmem>> -> memref<16x64xf32, #tpu.memory_space<vmem>>
      %dma_wait3A_156 = arith.constant 9984 : i32
      %dma_wait3A_157 = tpu.memref_slice %arg6[%dma_wait3A_156] : memref<10000xi32, #tpu.memory_space<vmem>> -> memref<16xi32, #tpu.memory_space<vmem>>
      %dma_wait3A_158 = arith.constant 0 : i32
      %dma_wait3A_159 = arith.constant 0 : i32
      %dma_wait3A_160 = tpu.memref_slice %arg11[%dma_wait3A_158, %dma_wait3A_159] : memref<10000x64xf32, #tpu.memory_space<vmem_shared>> -> memref<10000x64xf32, #tpu.memory_space<vmem_shared>>
      tpu.wait_indirect_dma semaphore(%run_scoped3A : memref<!tpu.dma_semaphore, #tpu.memory_space<semaphore_mem>>) src(%dma_wait3A_160 : memref<10000x64xf32, #tpu.memory_space<vmem_shared>>) dst(%dma_wait3A_155 : memref<16x64xf32, #tpu.memory_space<vmem>>)
      tpu.yield
    }) : () -> ()
    "tpu.region"() ({
      %run_scoped3A = tpu.sem_alloc : memref<!tpu.dma_semaphore, #tpu.memory_space<semaphore_mem>>
      %dma_start3A_145 = arith.constant 0 : i32
      %dma_start3A_146 = arith.constant 0 : i32
      %dma_start3A_147 = tpu.memref_slice %arg8[%dma_start3A_145, %dma_start3A_146] : memref<128x64xf32, #tpu.memory_space<vmem>> -> memref<16x64xf32, #tpu.memory_space<vmem>>
      %dma_start3A_148 = arith.constant 9984 : i32
      %dma_start3A_149 = tpu.memref_slice %arg7[%dma_start3A_148] : memref<10000xi32, #tpu.memory_space<vmem>> -> memref<16xi32, #tpu.memory_space<vmem>>
      %dma_start3A_150 = arith.constant 0 : i32
      %dma_start3A_151 = arith.constant 0 : i32
      %dma_start3A_152 = tpu.memref_slice %arg10[%dma_start3A_150, %dma_start3A_151] : memref<10240x64xf32, #tpu.memory_space<vmem_shared>> -> memref<10240x64xf32, #tpu.memory_space<vmem_shared>>
      tpu.enqueue_indirect_dma source(%dma_start3A_147 : memref<16x64xf32, #tpu.memory_space<vmem>>) target(%dma_start3A_152 : memref<10240x64xf32, #tpu.memory_space<vmem_shared>>) offsets(%dma_start3A_149 : memref<16xi32, #tpu.memory_space<vmem>>) semaphore(%run_scoped3A : memref<!tpu.dma_semaphore, #tpu.memory_space<semaphore_mem>>) {add = true}
      %dma_wait3A_153 = arith.constant 0 : i32
      %dma_wait3A_154 = arith.constant 0 : i32
      %dma_wait3A_155 = tpu.memref_slice %arg8[%dma_wait3A_153, %dma_wait3A_154] : memref<128x64xf32, #tpu.memory_space<vmem>> -> memref<16x64xf32, #tpu.memory_space<vmem>>
      %dma_wait3A_156 = arith.constant 9984 : i32
      %dma_wait3A_157 = tpu.memref_slice %arg7[%dma_wait3A_156] : memref<10000xi32, #tpu.memory_space<vmem>> -> memref<16xi32, #tpu.memory_space<vmem>>
      %dma_wait3A_158 = arith.constant 0 : i32
      %dma_wait3A_159 = arith.constant 0 : i32
      %dma_wait3A_160 = tpu.memref_slice %arg10[%dma_wait3A_158, %dma_wait3A_159] : memref<10240x64xf32, #tpu.memory_space<vmem_shared>> -> memref<10240x64xf32, #tpu.memory_space<vmem_shared>>
      tpu.wait_indirect_dma semaphore(%run_scoped3A : memref<!tpu.dma_semaphore, #tpu.memory_space<semaphore_mem>>) src(%dma_wait3A_155 : memref<16x64xf32, #tpu.memory_space<vmem>>) dst(%dma_wait3A_160 : memref<10240x64xf32, #tpu.memory_space<vmem_shared>>)
      tpu.yield
    }) : () -> ()
    %barrier3A_144 = arith.constant 0 : index
    tpu.barrier barrier_id(%barrier3A_144)
    "tpu.region"() ({
      %run_scoped3A = tpu.sem_alloc : memref<!tpu.dma_semaphore, #tpu.memory_space<semaphore_mem>>
      %dma_start3A_145 = arith.constant 0 : i32
      %dma_start3A_146 = tpu.memref_slice %arg5[%arg0, %mul3A_2, %dma_start3A_145] : memref<2x10240x64xf32, #tpu.memory_space<hbm>> -> memref<1x640x64xf32, #tpu.memory_space<hbm>>
      %dma_start3A_147 = tpu.memref_squeeze %dma_start3A_146 : memref<1x640x64xf32, #tpu.memory_space<hbm>> -> memref<640x64xf32, #tpu.memory_space<hbm>>
      %dma_start3A_148 = arith.constant 0 : i32
      %dma_start3A_149 = tpu.memref_slice %arg10[%mul3A_2, %dma_start3A_148] : memref<10240x64xf32, #tpu.memory_space<vmem_shared>> -> memref<640x64xf32, #tpu.memory_space<vmem_shared>>
      tpu.enqueue_dma source(%dma_start3A_149 : memref<640x64xf32, #tpu.memory_space<vmem_shared>>) target(%dma_start3A_147 : memref<640x64xf32, #tpu.memory_space<hbm>>) target_semaphore(%run_scoped3A : memref<!tpu.dma_semaphore, #tpu.memory_space<semaphore_mem>>)
      %dma_wait3A_150 = arith.constant 0 : i32
      %dma_wait3A_151 = tpu.memref_slice %arg5[%arg0, %mul3A_2, %dma_wait3A_150] : memref<2x10240x64xf32, #tpu.memory_space<hbm>> -> memref<1x640x64xf32, #tpu.memory_space<hbm>>
      %dma_wait3A_152 = tpu.memref_squeeze %dma_wait3A_151 : memref<1x640x64xf32, #tpu.memory_space<hbm>> -> memref<640x64xf32, #tpu.memory_space<hbm>>
      %dma_wait3A_153 = arith.constant 0 : i32
      %dma_wait3A_154 = tpu.memref_slice %arg10[%mul3A_2, %dma_wait3A_153] : memref<10240x64xf32, #tpu.memory_space<vmem_shared>> -> memref<640x64xf32, #tpu.memory_space<vmem_shared>>
      tpu.wait_dma2 semaphore(%run_scoped3A : memref<!tpu.dma_semaphore, #tpu.memory_space<semaphore_mem>>) src(%dma_wait3A_154 : memref<640x64xf32, #tpu.memory_space<vmem_shared>>) dst(%dma_wait3A_152 : memref<640x64xf32, #tpu.memory_space<hbm>>)
      tpu.yield
    }) : () -> ()
    return
  }
}

module attributes {stable_mosaic.version = 14 : i64} {
  func.func @_xw_body(%arg0: i32, %arg1: memref<2000x128xf32, #tpu.memory_space<vmem>>, %arg2: memref<128x64xf32, #tpu.memory_space<vmem>>, %arg3: memref<2000x64xf32, #tpu.memory_space<vmem>>) attributes {dimension_semantics = [#tpu.dimension_semantics<arbitrary>], iteration_bounds = array<i64: 5>, scalar_prefetch = 0 : i64, scratch_operands = 0 : i64, tpu.core_type = #tpu.core_type<tc>, window_params = [{transform_indices = @transform_0, window_bounds = array<i64: 2000, 128>}, {pipeline_mode = #tpu.pipeline_mode<synchronous>, transform_indices = @transform_1, window_bounds = array<i64: 128, 64>}, {transform_indices = @transform_2, window_bounds = array<i64: 2000, 64>}]} {
    %get3A = arith.constant 0 : index
    %get3A_0 = arith.constant 0 : index
    %get3A_1 = vector.load %arg1[%get3A, %get3A_0] : memref<2000x128xf32, #tpu.memory_space<vmem>>, vector<2000x128xf32>
    %get3A_2 = arith.constant 0 : index
    %get3A_3 = arith.constant 0 : index
    %get3A_4 = vector.load %arg2[%get3A_2, %get3A_3] : memref<128x64xf32, #tpu.memory_space<vmem>>, vector<128x64xf32>
    %dot_general3A = arith.constant dense<0.000000e+00> : vector<2000x64xf32>
    %dot_general3A_5 = tpu.matmul %get3A_1, %get3A_4, %dot_general3A {dimension_numbers = #tpu.dot_dimension_numbers<[1], [0], [0], [1], [0, 0, 1, 1], [], []>, transpose_lhs_hint = false} : vector<2000x128xf32>, vector<128x64xf32>, vector<2000x64xf32> -> vector<2000x64xf32>
    %swap3A = arith.constant 0 : index
    %swap3A_6 = arith.constant 0 : index
    %swap3A_7 = vector.load %arg3[%swap3A, %swap3A_6] : memref<2000x64xf32, #tpu.memory_space<vmem>>, vector<2000x64xf32>
    tpu.vector_store %arg3[%swap3A, %swap3A_6], %dot_general3A_5 {strides = array<i32>} : memref<2000x64xf32, #tpu.memory_space<vmem>>, vector<2000x64xf32>,
    return
  }
  func.func @transform_0(%arg0: i32) -> (i32, i32) {
    %c0_i32 = arith.constant 0 : i32
    %c0_i32_0 = arith.constant 0 : i32
    return %arg0, %c0_i32 : i32, i32
  }
  func.func @transform_1(%arg0: i32) -> (i32, i32) {
    %c0_i32 = arith.constant 0 : i32
    %c0_i32_0 = arith.constant 0 : i32
    %c0_i32_1 = arith.constant 0 : i32
    return %c0_i32, %c0_i32_0 : i32, i32
  }
  func.func @transform_2(%arg0: i32) -> (i32, i32) {
    %c0_i32 = arith.constant 0 : i32
    %c0_i32_0 = arith.constant 0 : i32
    return %arg0, %c0_i32 : i32, i32
  }
}

module attributes {stable_mosaic.version = 14 : i64} {
  func.func @_norms_body(%arg0: memref<32x10240xf32, #tpu.memory_space<vmem>>, %arg1: memref<32x10240xf32, #tpu.memory_space<vmem>>, %arg2: memref<1x10240xf32, #tpu.memory_space<vmem>>, %arg3: memref<1x10240xf32, #tpu.memory_space<vmem>>) attributes {dimension_semantics = [], scalar_prefetch = 0 : i64, scratch_operands = 0 : i64, tpu.core_type = #tpu.core_type<tc>} {
    %get3A = arith.constant 0 : index
    %get3A_0 = arith.constant 0 : index
    %get3A_1 = vector.load %arg0[%get3A, %get3A_0] : memref<32x10240xf32, #tpu.memory_space<vmem>>, vector<32x10240xf32>
    %reduce_sum3A = arith.constant dense<0.000000e+00> : vector<10240xf32>
    %reduce_sum3A_2 = vector.multi_reduction <add>, %get3A_1, %reduce_sum3A [0] : vector<32x10240xf32> to vector<10240xf32>
    %broadcast_in_dim3A = vector.shape_cast %reduce_sum3A_2 : vector<10240xf32> to vector<1x10240xf32>
    %get3A_3 = arith.constant 0 : index
    %get3A_4 = arith.constant 0 : index
    %get3A_5 = vector.load %arg1[%get3A_3, %get3A_4] : memref<32x10240xf32, #tpu.memory_space<vmem>>, vector<32x10240xf32>
    %reduce_sum3A_6 = arith.constant dense<0.000000e+00> : vector<10240xf32>
    %reduce_sum3A_7 = vector.multi_reduction <add>, %get3A_5, %reduce_sum3A_6 [0] : vector<32x10240xf32> to vector<10240xf32>
    %broadcast_in_dim3A_8 = vector.shape_cast %reduce_sum3A_7 : vector<10240xf32> to vector<1x10240xf32>
    %gt3A = arith.constant 0.000000e+00 : f32
    %gt3A_9 = vector.broadcast %gt3A : f32 to vector<1x10240xf32>
    %gt3A_10 = arith.cmpf ogt, %broadcast_in_dim3A, %gt3A_9 : vector<1x10240xf32>
    %max3A = arith.constant 1.000000e+00 : f32
    %max3A_11 = vector.broadcast %max3A : f32 to vector<1x10240xf32>
    %max3A_12 = arith.maximumf %broadcast_in_dim3A, %max3A_11 : vector<1x10240xf32>
    %rsqrt3A = math.rsqrt %max3A_12 : vector<1x10240xf32>
    %jit3A = arith.constant 0.000000e+00 : f64
    %convert_element_type3A = arith.truncf %jit3A : f64 to f32
    %broadcast_in_dim3A_13 = vector.broadcast %convert_element_type3A : f32 to vector<1x10240xf32>
    %select_n3A = arith.select %gt3A_10, %rsqrt3A, %broadcast_in_dim3A_13 : vector<1x10240xi1>, vector<1x10240xf32>
    %swap3A = arith.constant 0 : index
    %swap3A_14 = arith.constant 0 : index
    %swap3A_15 = vector.load %arg2[%swap3A, %swap3A_14] : memref<1x10240xf32, #tpu.memory_space<vmem>>, vector<1x10240xf32>
    tpu.vector_store %arg2[%swap3A, %swap3A_14], %select_n3A {strides = array<i32>} : memref<1x10240xf32, #tpu.memory_space<vmem>>, vector<1x10240xf32>,
    %gt3A_16 = arith.constant 0.000000e+00 : f32
    %gt3A_17 = vector.broadcast %gt3A_16 : f32 to vector<1x10240xf32>
    %gt3A_18 = arith.cmpf ogt, %broadcast_in_dim3A_8, %gt3A_17 : vector<1x10240xf32>
    %max3A_19 = arith.constant 1.000000e+00 : f32
    %max3A_20 = vector.broadcast %max3A_19 : f32 to vector<1x10240xf32>
    %max3A_21 = arith.maximumf %broadcast_in_dim3A_8, %max3A_20 : vector<1x10240xf32>
    %rsqrt3A_22 = math.rsqrt %max3A_21 : vector<1x10240xf32>
    %jit3A_23 = arith.constant 0.000000e+00 : f64
    %convert_element_type3A_24 = arith.truncf %jit3A_23 : f64 to f32
    %broadcast_in_dim3A_25 = vector.broadcast %convert_element_type3A_24 : f32 to vector<1x10240xf32>
    %select_n3A_26 = arith.select %gt3A_18, %rsqrt3A_22, %broadcast_in_dim3A_25 : vector<1x10240xi1>, vector<1x10240xf32>
    %swap3A_27 = arith.constant 0 : index
    %swap3A_28 = arith.constant 0 : index
    %swap3A_29 = vector.load %arg3[%swap3A_27, %swap3A_28] : memref<1x10240xf32, #tpu.memory_space<vmem>>, vector<1x10240xf32>
    tpu.vector_store %arg3[%swap3A_27, %swap3A_28], %select_n3A_26 {strides = array<i32>} : memref<1x10240xf32, #tpu.memory_space<vmem>>, vector<1x10240xf32>,
    return
  }
}

module attributes {stable_mosaic.version = 14 : i64} {
  func.func @_scale_body(%arg0: i32, %arg1: memref<2000x64xf32, #tpu.memory_space<vmem>>, %arg2: memref<2000x1xf32, #tpu.memory_space<vmem>>, %arg3: memref<2000x64xf32, #tpu.memory_space<vmem>>) attributes {dimension_semantics = [#tpu.dimension_semantics<arbitrary>], iteration_bounds = array<i64: 5>, scalar_prefetch = 0 : i64, scratch_operands = 0 : i64, tpu.core_type = #tpu.core_type<tc>, window_params = [{transform_indices = @transform_0, window_bounds = array<i64: 2000, 64>}, {transform_indices = @transform_1, window_bounds = array<i64: 2000, 1>}, {transform_indices = @transform_2, window_bounds = array<i64: 2000, 64>}]} {
    %get3A = arith.constant 0 : index
    %get3A_0 = arith.constant 0 : index
    %get3A_1 = vector.load %arg1[%get3A, %get3A_0] : memref<2000x64xf32, #tpu.memory_space<vmem>>, vector<2000x64xf32>
    %get3A_2 = arith.constant 0 : index
    %get3A_3 = arith.constant 0 : index
    %get3A_4 = vector.load %arg2[%get3A_2, %get3A_3] : memref<2000x1xf32, #tpu.memory_space<vmem>>, vector<2000x1xf32>
    %mul3A = vector.broadcast %get3A_4 : vector<2000x1xf32> to vector<2000x64xf32>
    %mul3A_5 = arith.mulf %get3A_1, %mul3A : vector<2000x64xf32>
    %swap3A = arith.constant 0 : index
    %swap3A_6 = arith.constant 0 : index
    %swap3A_7 = vector.load %arg3[%swap3A, %swap3A_6] : memref<2000x64xf32, #tpu.memory_space<vmem>>, vector<2000x64xf32>
    tpu.vector_store %arg3[%swap3A, %swap3A_6], %mul3A_5 {strides = array<i32>} : memref<2000x64xf32, #tpu.memory_space<vmem>>, vector<2000x64xf32>,
    return
  }
  func.func @transform_0(%arg0: i32) -> (i32, i32) {
    %c0_i32 = arith.constant 0 : i32
    %c0_i32_0 = arith.constant 0 : i32
    return %arg0, %c0_i32 : i32, i32
  }
  func.func @transform_1(%arg0: i32) -> (i32, i32) {
    %c0_i32 = arith.constant 0 : i32
    %c0_i32_0 = arith.constant 0 : i32
    return %arg0, %c0_i32 : i32, i32
  }
  func.func @transform_2(%arg0: i32) -> (i32, i32) {
    %c0_i32 = arith.constant 0 : i32
    %c0_i32_0 = arith.constant 0 : i32
    return %arg0, %c0_i32 : i32, i32
  }
}

module attributes {stable_mosaic.version = 14 : i64} {
  func.func @_mid_body(%arg0: i32, %arg1: memref<2x2000x64xf32, #tpu.memory_space<vmem>>, %arg2: memref<2000x1xf32, #tpu.memory_space<vmem>>, %arg3: memref<1x64xf32, #tpu.memory_space<vmem>>, %arg4: memref<64x64xf32, #tpu.memory_space<vmem>>, %arg5: memref<2000x1xf32, #tpu.memory_space<vmem>>, %arg6: memref<2000x64xf32, #tpu.memory_space<vmem>>) attributes {dimension_semantics = [#tpu.dimension_semantics<arbitrary>], iteration_bounds = array<i64: 5>, scalar_prefetch = 0 : i64, scratch_operands = 0 : i64, tpu.core_type = #tpu.core_type<tc>, window_params = [{transform_indices = @transform_0, window_bounds = array<i64: 2, 2000, 64>}, {transform_indices = @transform_1, window_bounds = array<i64: 2000, 1>}, {pipeline_mode = #tpu.pipeline_mode<synchronous>, transform_indices = @transform_2, window_bounds = array<i64: 1, 64>}, {pipeline_mode = #tpu.pipeline_mode<synchronous>, transform_indices = @transform_3, window_bounds = array<i64: 64, 64>}, {transform_indices = @transform_4, window_bounds = array<i64: 2000, 1>}, {transform_indices = @transform_5, window_bounds = array<i64: 2000, 64>}]} {
    %get3A = arith.constant 0 : index
    %get3A_0 = arith.constant 0 : index
    %get3A_1 = arith.constant 0 : index
    %get3A_2 = vector.load %arg1[%get3A, %get3A_0, %get3A_1] : memref<2x2000x64xf32, #tpu.memory_space<vmem>>, vector<1x2000x64xf32>
    %get3A_3 = vector.shape_cast %get3A_2 : vector<1x2000x64xf32> to vector<2000x64xf32>
    %get3A_4 = arith.constant 1 : index
    %get3A_5 = arith.constant 0 : index
    %get3A_6 = arith.constant 0 : index
    %get3A_7 = vector.load %arg1[%get3A_4, %get3A_5, %get3A_6] : memref<2x2000x64xf32, #tpu.memory_space<vmem>>, vector<1x2000x64xf32>
    %get3A_8 = vector.shape_cast %get3A_7 : vector<1x2000x64xf32> to vector<2000x64xf32>
    %add3A = arith.addf %get3A_3, %get3A_8 : vector<2000x64xf32>
    %get3A_9 = arith.constant 0 : index
    %get3A_10 = arith.constant 0 : index
    %get3A_11 = vector.load %arg2[%get3A_9, %get3A_10] : memref<2000x1xf32, #tpu.memory_space<vmem>>, vector<2000x1xf32>
    %mul3A = vector.broadcast %get3A_11 : vector<2000x1xf32> to vector<2000x64xf32>
    %mul3A_12 = arith.mulf %add3A, %mul3A : vector<2000x64xf32>
    %get3A_13 = arith.constant 0 : index
    %get3A_14 = arith.constant 0 : index
    %get3A_15 = vector.load %arg3[%get3A_13, %get3A_14] : memref<1x64xf32, #tpu.memory_space<vmem>>, vector<1x64xf32>
    %add3A_16 = vector.broadcast %get3A_15 : vector<1x64xf32> to vector<2000x64xf32>
    %add3A_17 = arith.addf %mul3A_12, %add3A_16 : vector<2000x64xf32>
    %tanh3A = math.tanh %add3A_17 : vector<2000x64xf32>
    %get3A_18 = arith.constant 0 : index
    %get3A_19 = arith.constant 0 : index
    %get3A_20 = vector.load %arg4[%get3A_18, %get3A_19] : memref<64x64xf32, #tpu.memory_space<vmem>>, vector<64x64xf32>
    %dot_general3A = arith.constant dense<0.000000e+00> : vector<2000x64xf32>
    %dot_general3A_21 = tpu.matmul %tanh3A, %get3A_20, %dot_general3A {dimension_numbers = #tpu.dot_dimension_numbers<[1], [0], [0], [1], [0, 0, 1, 1], [], []>, transpose_lhs_hint = false} : vector<2000x64xf32>, vector<64x64xf32>, vector<2000x64xf32> -> vector<2000x64xf32>
    %get3A_22 = arith.constant 0 : index
    %get3A_23 = arith.constant 0 : index
    %get3A_24 = vector.load %arg5[%get3A_22, %get3A_23] : memref<2000x1xf32, #tpu.memory_space<vmem>>, vector<2000x1xf32>
    %mul3A_25 = vector.broadcast %get3A_24 : vector<2000x1xf32> to vector<2000x64xf32>
    %mul3A_26 = arith.mulf %dot_general3A_21, %mul3A_25 : vector<2000x64xf32>
    %swap3A = arith.constant 0 : index
    %swap3A_27 = arith.constant 0 : index
    %swap3A_28 = vector.load %arg6[%swap3A, %swap3A_27] : memref<2000x64xf32, #tpu.memory_space<vmem>>, vector<2000x64xf32>
    tpu.vector_store %arg6[%swap3A, %swap3A_27], %mul3A_26 {strides = array<i32>} : memref<2000x64xf32, #tpu.memory_space<vmem>>, vector<2000x64xf32>,
    return
  }
  func.func @transform_0(%arg0: i32) -> (i32, i32, i32) {
    %c0_i32 = arith.constant 0 : i32
    %c0_i32_0 = arith.constant 0 : i32
    %c0_i32_1 = arith.constant 0 : i32
    return %c0_i32, %arg0, %c0_i32_0 : i32, i32, i32
  }
  func.func @transform_1(%arg0: i32) -> (i32, i32) {
    %c0_i32 = arith.constant 0 : i32
    %c0_i32_0 = arith.constant 0 : i32
    return %arg0, %c0_i32 : i32, i32
  }
  func.func @transform_2(%arg0: i32) -> (i32, i32) {
    %c0_i32 = arith.constant 0 : i32
    %c0_i32_0 = arith.constant 0 : i32
    %c0_i32_1 = arith.constant 0 : i32
    return %c0_i32, %c0_i32_0 : i32, i32
  }
  func.func @transform_3(%arg0: i32) -> (i32, i32) {
    %c0_i32 = arith.constant 0 : i32
    %c0_i32_0 = arith.constant 0 : i32
    %c0_i32_1 = arith.constant 0 : i32
    return %c0_i32, %c0_i32_0 : i32, i32
  }
  func.func @transform_4(%arg0: i32) -> (i32, i32) {
    %c0_i32 = arith.constant 0 : i32
    %c0_i32_0 = arith.constant 0 : i32
    return %arg0, %c0_i32 : i32, i32
  }
  func.func @transform_5(%arg0: i32) -> (i32, i32) {
    %c0_i32 = arith.constant 0 : i32
    %c0_i32_0 = arith.constant 0 : i32
    return %arg0, %c0_i32 : i32, i32
  }
}

module attributes {stable_mosaic.version = 14 : i64} {
  func.func @_head_body(%arg0: i32, %arg1: memref<2x2000x64xf32, #tpu.memory_space<vmem>>, %arg2: memref<2000x1xf32, #tpu.memory_space<vmem>>, %arg3: memref<1x64xf32, #tpu.memory_space<vmem>>, %arg4: memref<64x10xf32, #tpu.memory_space<vmem>>, %arg5: memref<1x10xf32, #tpu.memory_space<vmem>>, %arg6: memref<2000x10xi32, #tpu.memory_space<vmem>>, %arg7: memref<2000x10xi32, #tpu.memory_space<vmem>>) attributes {dimension_semantics = [#tpu.dimension_semantics<arbitrary>], iteration_bounds = array<i64: 5>, scalar_prefetch = 0 : i64, scratch_operands = 0 : i64, tpu.core_type = #tpu.core_type<tc>, window_params = [{transform_indices = @transform_0, window_bounds = array<i64: 2, 2000, 64>}, {transform_indices = @transform_1, window_bounds = array<i64: 2000, 1>}, {pipeline_mode = #tpu.pipeline_mode<synchronous>, transform_indices = @transform_2, window_bounds = array<i64: 1, 64>}, {pipeline_mode = #tpu.pipeline_mode<synchronous>, transform_indices = @transform_3, window_bounds = array<i64: 64, 10>}, {pipeline_mode = #tpu.pipeline_mode<synchronous>, transform_indices = @transform_4, window_bounds = array<i64: 1, 10>}, {transform_indices = @transform_5, window_bounds = array<i64: 2000, 10>}, {transform_indices = @transform_6, window_bounds = array<i64: 2000, 10>}]} {
    %get3A = arith.constant 0 : index
    %get3A_0 = arith.constant 0 : index
    %get3A_1 = arith.constant 0 : index
    %get3A_2 = vector.load %arg1[%get3A, %get3A_0, %get3A_1] : memref<2x2000x64xf32, #tpu.memory_space<vmem>>, vector<1x2000x64xf32>
    %get3A_3 = vector.shape_cast %get3A_2 : vector<1x2000x64xf32> to vector<2000x64xf32>
    %get3A_4 = arith.constant 1 : index
    %get3A_5 = arith.constant 0 : index
    %get3A_6 = arith.constant 0 : index
    %get3A_7 = vector.load %arg1[%get3A_4, %get3A_5, %get3A_6] : memref<2x2000x64xf32, #tpu.memory_space<vmem>>, vector<1x2000x64xf32>
    %get3A_8 = vector.shape_cast %get3A_7 : vector<1x2000x64xf32> to vector<2000x64xf32>
    %add3A = arith.addf %get3A_3, %get3A_8 : vector<2000x64xf32>
    %get3A_9 = arith.constant 0 : index
    %get3A_10 = arith.constant 0 : index
    %get3A_11 = vector.load %arg2[%get3A_9, %get3A_10] : memref<2000x1xf32, #tpu.memory_space<vmem>>, vector<2000x1xf32>
    %mul3A = vector.broadcast %get3A_11 : vector<2000x1xf32> to vector<2000x64xf32>
    %mul3A_12 = arith.mulf %add3A, %mul3A : vector<2000x64xf32>
    %get3A_13 = arith.constant 0 : index
    %get3A_14 = arith.constant 0 : index
    %get3A_15 = vector.load %arg3[%get3A_13, %get3A_14] : memref<1x64xf32, #tpu.memory_space<vmem>>, vector<1x64xf32>
    %add3A_16 = vector.broadcast %get3A_15 : vector<1x64xf32> to vector<2000x64xf32>
    %add3A_17 = arith.addf %mul3A_12, %add3A_16 : vector<2000x64xf32>
    %tanh3A = math.tanh %add3A_17 : vector<2000x64xf32>
    %get3A_18 = arith.constant 0 : index
    %get3A_19 = arith.constant 0 : index
    %get3A_20 = vector.load %arg4[%get3A_18, %get3A_19] : memref<64x10xf32, #tpu.memory_space<vmem>>, vector<64x10xf32>
    %dot_general3A = arith.constant dense<0.000000e+00> : vector<2000x10xf32>
    %dot_general3A_21 = tpu.matmul %tanh3A, %get3A_20, %dot_general3A {dimension_numbers = #tpu.dot_dimension_numbers<[1], [0], [0], [1], [0, 0, 1, 1], [], []>, transpose_lhs_hint = false} : vector<2000x64xf32>, vector<64x10xf32>, vector<2000x10xf32> -> vector<2000x10xf32>
    %get3A_22 = arith.constant 0 : index
    %get3A_23 = arith.constant 0 : index
    %get3A_24 = vector.load %arg5[%get3A_22, %get3A_23] : memref<1x10xf32, #tpu.memory_space<vmem>>, vector<1x10xf32>
    %add3A_25 = vector.broadcast %get3A_24 : vector<1x10xf32> to vector<2000x10xf32>
    %add3A_26 = arith.addf %dot_general3A_21, %add3A_25 : vector<2000x10xf32>
    %bitcast_convert_type3A = tpu.bitcast %add3A_26 : vector<2000x10xf32> -> vector<2000x10xi32>
    %and3A = arith.constant -2147483648 : i32
    %and3A_27 = vector.broadcast %and3A : i32 to vector<2000x10xi32>
    %and3A_28 = arith.andi %bitcast_convert_type3A, %and3A_27 : vector<2000x10xi32>
    %shift_right_logical3A = arith.constant 23 : i32
    %shift_right_logical3A_29 = vector.broadcast %shift_right_logical3A : i32 to vector<2000x10xi32>
    %shift_right_logical3A_30 = arith.shrui %bitcast_convert_type3A, %shift_right_logical3A_29 : vector<2000x10xi32>
    %and3A_31 = arith.constant 255 : i32
    %and3A_32 = vector.broadcast %and3A_31 : i32 to vector<2000x10xi32>
    %and3A_33 = arith.andi %shift_right_logical3A_30, %and3A_32 : vector<2000x10xi32>
    %and3A_34 = arith.constant 8388607 : i32
    %and3A_35 = vector.broadcast %and3A_34 : i32 to vector<2000x10xi32>
    %and3A_36 = arith.andi %bitcast_convert_type3A, %and3A_35 : vector<2000x10xi32>
    %add3A_37 = arith.constant 896 : i32
    %add3A_38 = vector.broadcast %add3A_37 : i32 to vector<2000x10xi32>
    %add3A_39 = arith.addi %and3A_33, %add3A_38 : vector<2000x10xi32>
    %shift_left3A = arith.constant 20 : i32
    %shift_left3A_40 = vector.broadcast %shift_left3A : i32 to vector<2000x10xi32>
    %shift_left3A_41 = arith.shli %add3A_39, %shift_left3A_40 : vector<2000x10xi32>
    %or3A = arith.ori %and3A_28, %shift_left3A_41 : vector<2000x10xi32>
    %shift_right_logical3A_42 = arith.constant 3 : i32
    %shift_right_logical3A_43 = vector.broadcast %shift_right_logical3A_42 : i32 to vector<2000x10xi32>
    %shift_right_logical3A_44 = arith.shrui %and3A_36, %shift_right_logical3A_43 : vector<2000x10xi32>
    %or3A_45 = arith.ori %or3A, %shift_right_logical3A_44 : vector<2000x10xi32>
    %ne3A = arith.constant 0 : i32
    %ne3A_46 = vector.broadcast %ne3A : i32 to vector<2000x10xi32>
    %ne3A_47 = arith.cmpi ne, %and3A_33, %ne3A_46 : vector<2000x10xi32>
    %select_n3A = arith.select %ne3A_47, %or3A_45, %and3A_28 : vector<2000x10xi1>, vector<2000x10xi32>
    %swap3A = arith.constant 0 : index
    %swap3A_48 = arith.constant 0 : index
    %swap3A_49 = vector.load %arg6[%swap3A, %swap3A_48] : memref<2000x10xi32, #tpu.memory_space<vmem>>, vector<2000x10xi32>
    tpu.vector_store %arg6[%swap3A, %swap3A_48], %select_n3A {strides = array<i32>} : memref<2000x10xi32, #tpu.memory_space<vmem>>, vector<2000x10xi32>,
    %shift_left3A_50 = arith.constant 29 : i32
    %shift_left3A_51 = vector.broadcast %shift_left3A_50 : i32 to vector<2000x10xi32>
    %shift_left3A_52 = arith.shli %and3A_36, %shift_left3A_51 : vector<2000x10xi32>
    %jit3A = arith.constant 0 : i32
    %broadcast_in_dim3A = vector.broadcast %jit3A : i32 to vector<2000x10xi32>
    %select_n3A_53 = arith.select %ne3A_47, %shift_left3A_52, %broadcast_in_dim3A : vector<2000x10xi1>, vector<2000x10xi32>
    %swap3A_54 = arith.constant 0 : index
    %swap3A_55 = arith.constant 0 : index
    %swap3A_56 = vector.load %arg7[%swap3A_54, %swap3A_55] : memref<2000x10xi32, #tpu.memory_space<vmem>>, vector<2000x10xi32>
    tpu.vector_store %arg7[%swap3A_54, %swap3A_55], %select_n3A_53 {strides = array<i32>} : memref<2000x10xi32, #tpu.memory_space<vmem>>, vector<2000x10xi32>,
    return
  }
  func.func @transform_0(%arg0: i32) -> (i32, i32, i32) {
    %c0_i32 = arith.constant 0 : i32
    %c0_i32_0 = arith.constant 0 : i32
    %c0_i32_1 = arith.constant 0 : i32
    return %c0_i32, %arg0, %c0_i32_0 : i32, i32, i32
  }
  func.func @transform_1(%arg0: i32) -> (i32, i32) {
    %c0_i32 = arith.constant 0 : i32
    %c0_i32_0 = arith.constant 0 : i32
    return %arg0, %c0_i32 : i32, i32
  }
  func.func @transform_2(%arg0: i32) -> (i32, i32) {
    %c0_i32 = arith.constant 0 : i32
    %c0_i32_0 = arith.constant 0 : i32
    %c0_i32_1 = arith.constant 0 : i32
    return %c0_i32, %c0_i32_0 : i32, i32
  }
  func.func @transform_3(%arg0: i32) -> (i32, i32) {
    %c0_i32 = arith.constant 0 : i32
    %c0_i32_0 = arith.constant 0 : i32
    %c0_i32_1 = arith.constant 0 : i32
    return %c0_i32, %c0_i32_0 : i32, i32
  }
  func.func @transform_4(%arg0: i32) -> (i32, i32) {
    %c0_i32 = arith.constant 0 : i32
    %c0_i32_0 = arith.constant 0 : i32
    %c0_i32_1 = arith.constant 0 : i32
    return %c0_i32, %c0_i32_0 : i32, i32
  }
  func.func @transform_5(%arg0: i32) -> (i32, i32) {
    %c0_i32 = arith.constant 0 : i32
    %c0_i32_0 = arith.constant 0 : i32
    return %arg0, %c0_i32 : i32, i32
  }
  func.func @transform_6(%arg0: i32) -> (i32, i32) {
    %c0_i32 = arith.constant 0 : i32
    %c0_i32_0 = arith.constant 0 : i32
    return %arg0, %c0_i32 : i32, i32
  }
}

</mosaic_0001>

<sc_bundles>
// kernel: kernel.12.cloned.1.call-start
scs
__scs_entry_jumppad:
0x0: {  	(pc) =	sbr.rel $0x88, $3  }
0x1: {  	(tag) =	ssettag $0x0;
	lr =	simm.s32 $0x1  }
0x2: {  	[smem:$0x3F97] =	sst lr;
	_ =	strace $0xD0000000  }
0x3: {  	_ = 	snop  }
0x4: {  	_ = 	snop  }
0x5: {  	_ = 	snop  }
0x6: {  	_ = 	snop  }
0x7: {  	_ = 	snop  }
__scs_overlays_trampoline_lowered:
0x8: {  	[smem:$0x3FA6] =	sst s0  }
0x9: {  	[smem:$0x3FA7] =	sst s1  }
0xa: {  	[smem:$0x3FA8] =	sst s2  }
0xb: {  	[smem:$0x3FA9] =	sst s3  }
0xc: {  	[smem:$0x3FAA] =	sst s4  }
0xd: {  	[smem:$0x3FAB] =	sst s5  }
0xe: {  	[smem:$0x3FAC] =	sst s6  }
0xf: {  	[smem:$0x3FAD] =	sst s7  }
0x10: {  	[smem:$0x3FAE] =	sst s8  }
0x11: {  	[smem:$0x3FAF] =	sst s9;
	s0 =	simm.s32 @!p0 $0x0  }
0x12: {  	s1 =	sld [smem:$0x3F95];
	s0 =	simm.s32 @p0 $0x1  }
0x13: {  	[smem:$0x3FB0] =	sst s0;
	s0 =	simm.s32 @!p1 $0x0  }
0x14: {  	s2 =	sld [smem:$0x3F94];
	s0 =	simm.s32 @p1 $0x1  }
0x15: {  	[smem:$0x3FB1] =	sst s0;
	s0 =	simm.s32 @!p2 $0x0  }
0x16: {  	s3 =	sld [smem:$0x3FDB];
	s0 =	simm.s32 @p2 $0x1  }
0x17: {  	s4 =	simm.s32 $0x1BF5;
	[smem:$0x3FB3] =	sst s0  }
0x18: {  	s0 =	sld [smem:$0x3F96];
	_ =	swait.ge [sflag:s4], $0x0  }
0x19: {  	s7 =	sld [smem:$0x3F97]  }
0x1a: {  	s8 =	sadd.s32 $0xFFFFE003, lr  }
0x1b: {  	s9 =	sadd.s32 $0xFFFFFEF7, lr;
	s5 =	simm.s32 $0xFFFFFFFF;
	p2 =	slt.u32 s8, $0xFFFFF086  }
0x1c: {  	p1 =	slt.u32 s9, $0xF7A;
	s5 =	simm.s32 @!p2 $0x0  }
0x1d: {  	s5 =	simm.s32 @p1 $0x1;
	p0 =	seq.s32 s7, s2  }
0x1e: {  	s7 =	smul.u32 @!p0 $0xF7A, s2;
	p2 =	seq.s32 @!p0 s5, $0x0  }
0x1f: {  	s9 =	smul.u32 $0xF7A, s1;
	s8 =	simm.s32 @!p0 $0x1BF5;
	p2 =	por !p2, p0  }
0x20: {  	[sflag:s8] =	ssyncset.s32 @!p0 $0xFFFFF086;
	s6 =	sadd.s32 @!p0 s3, s7;
	s7 =	simm.s32 @!p0 $0x108  }
0x21: {  	s3 =	sadd.s32 s3, s9;
	s6 =	sadd.s32 @!p0 $0x88, s6;
	s7 =	simm.s32 @p2 $0x1082  }
0x22: {  	[simem:s7], [sflag:s8] =	dma.local @!p0 [hbm:s6], $0xF7A  }
0x23: {  	s9 =	sor.u32 $0xD0000000, s2;
	s6 =	simm.s32 $0x108;
	_ =	swait.ge @!p0 [sflag:s8], $0x0  }
0x24: {  	s3 =	sadd.s32 $0x88, s3;
	s6 =	simm.s32 @!p1 $0x1082;
	[sflag:s4] =	ssyncset.s32 $0xFFFFF086  }
0x25: {  	[simem:s6], [sflag:s4] =	dma.local [hbm:s3], $0xF7A  }
0x26: {  	[smem:$0x3F97] =	sst s1;
	(tag) =	ssettag s2;
	_ =	strace s9  }
0x27: {  	s1 =	sld [smem:$0x3FA7]  }
0x28: {  	s2 =	sld [smem:$0x3FA8]  }
0x29: {  	s4 =	sld [smem:$0x3FAA]  }
0x2a: {  	p0 =	seq.s32 s5, $0x0;
	s5 =	sld [smem:$0x3FAB]  }
0x2b: {  	s6 =	sld [smem:$0x3FAC]  }
0x2c: {  	s7 =	sld [smem:$0x3FAD]  }
0x2d: {  	s3 =	simm.s32 $0x108;
	s8 =	sld [smem:$0x3FAE]  }
0x2e: {  	s3 =	simm.s32 @!p0 $0x1082;
	s9 =	sld [smem:$0x3FAF]  }
0x2f: {  	lr =	sadd.s32 s0, s3;
	s0 =	sld [smem:$0x3FA6]  }
0x30: {  	s3 =	sld [smem:$0x3FA9]  }
0x31: {  	[smem:$0x3FB2] =	sst s10  }
0x32: {  	s10 =	sld [smem:$0x3FB0];
	_ =	sdelay $0x3  }
0x33: {  	p0 =	seq.s32 s10, $0x1;
	s10 =	sld [smem:$0x3FB2];
	_ =	sdelay $0x3  }
0x34: {  	[smem:$0x3FB2] =	sst s10  }
0x35: {  	s10 =	sld [smem:$0x3FB1];
	_ =	sdelay $0x3  }
0x36: {  	p1 =	seq.s32 s10, $0x1;
	s10 =	sld [smem:$0x3FB2];
	_ =	sdelay $0x3  }
0x37: {  	[smem:$0x3FB2] =	sst s10  }
0x38: {  	s10 =	sld [smem:$0x3FB3]  }
0x39: {  	_ = 	snop;
	(pc) =	sbr.ind lr, $3  }
0x3a: {  	_ = 	snop  }
0x3b: {  	_ = 	snop  }
0x3c: {  	p2 =	seq.s32 s10, $0x1;
	s10 =	sld [smem:$0x3FB2]  }
0x3d: {  	_ =	shalt  }
0x3e: {  	_ =	shalt  }
0x3f: {  	_ =	shalt  }
0x40: {  	_ =	shalt  }
0x41: {  	_ =	shalt  }
0x42: {  	_ =	shalt  }
0x43: {  	_ =	shalt  }
0x44: {  	_ =	shalt  }
0x45: {  	_ =	shalt  }
0x46: {  	_ =	shalt  }
0x47: {  	_ =	shalt  }
0x48: {  	_ =	shalt  }
0x49: {  	_ =	shalt  }
0x4a: {  	_ =	shalt  }
0x4b: {  	_ =	shalt  }
0x4c: {  	_ =	shalt  }
0x4d: {  	_ =	shalt  }
0x4e: {  	_ =	shalt  }
0x4f: {  	_ =	shalt  }
0x50: {  	_ =	shalt  }
0x51: {  	_ =	shalt  }
0x52: {  	_ =	shalt  }
0x53: {  	_ =	shalt  }
0x54: {  	_ =	shalt  }
0x55: {  	_ =	shalt  }
0x56: {  	_ =	shalt  }
0x57: {  	_ =	shalt  }
0x58: {  	_ =	shalt  }
0x59: {  	_ =	shalt  }
0x5a: {  	_ =	shalt  }
0x5b: {  	_ =	shalt  }
0x5c: {  	_ =	shalt  }
0x5d: {  	_ =	shalt  }
0x5e: {  	_ =	shalt  }
0x5f: {  	_ =	shalt  }
0x60: {  	_ =	shalt  }
0x61: {  	_ =	shalt  }
0x62: {  	_ =	shalt  }
0x63: {  	_ =	shalt  }
0x64: {  	_ =	shalt  }
0x65: {  	_ =	shalt  }
0x66: {  	_ =	shalt  }
0x67: {  	_ =	shalt  }
0x68: {  	_ =	shalt  }
0x69: {  	_ =	shalt  }
0x6a: {  	_ =	shalt  }
0x6b: {  	_ =	shalt  }
0x6c: {  	_ =	shalt  }
0x6d: {  	_ =	shalt  }
0x6e: {  	_ =	shalt  }
0x6f: {  	_ =	shalt  }
0x70: {  	_ =	shalt  }
0x71: {  	_ =	shalt  }
0x72: {  	_ =	shalt  }
0x73: {  	_ =	shalt  }
0x74: {  	_ =	shalt  }
0x75: {  	_ =	shalt  }
0x76: {  	_ =	shalt  }
0x77: {  	_ =	shalt  }
0x78: {  	_ =	shalt  }
0x79: {  	_ =	shalt  }
0x7a: {  	_ =	shalt  }
0x7b: {  	_ =	shalt  }
0x7c: {  	_ =	shalt  }
0x7d: {  	_ =	shalt  }
0x7e: {  	_ =	shalt  }
0x7f: {  	_ =	shalt  }
0x80: {  	_ =	shalt  }
0x81: {  	_ =	shalt  }
0x82: {  	_ =	shalt  }
0x83: {  	_ =	shalt  }
0x84: {  	_ =	shalt  }
0x85: {  	_ =	shalt  }
0x86: {  	_ =	shalt  }
0x87: {  	_ =	shalt  }
.Lfunc_end0:
.L_simem_size_0:
called_computation_lowered:
.L_overlay_start_0:
0x88: {  	s2 =	sld [smem:$0x3FD9]  }
0x89: {  	s3 =	sld [smem:$0x3FFE];
	_ =	sdelay $0x1  }
0x8a: {  	s1 =	srdreg.scid  }
0x8b: {  	s0 =	sand.u32 $0x1, s1  }
0x8c: {  	s17 =	sshll.u32 s0, $0xA;
	s2 =	sadd.s32 s3, s2  }
0x8d: {  	s2 =	sadd.s32 s2, s17  }
0x8e: {  	[smem:$0x3FBE] =	sst s2  }
0x8f: {  	_ = 	snop  }
0x90: {  	s2 =	sld [smem:$0x3FD0];
	(tm) =	ssettm $0x1  }
0x91: {  	s18 =	sld [smem:$0x3FFB];
	_ =	sdelay $0x3  }
0x92: {  	_ =	strace s18  }
0x93: {  	s3 =	sld [smem:$0x3FFC];
	_ =	sdelay $0x3  }
0x94: {  	_ =	strace s3  }
0x95: {  	s3 =	sld [smem:$0x3FFD];
	_ =	sdelay $0x3  }
0x96: {  	_ =	strace s3  }
0x97: {  	_ =	strace $0x8FFFFFFF  }
0x98: {  	s19 =	sld [smem:$0x3FDB];
	_ =	sdelay $0x1  }
0x99: {  	s4 =	simm.s32 $_scs_section_size  }
0x9a: {  	s5 =	simm.s32 $_size__tile_overlayer_lowered;
	s6 =	simm.s32 $_tile_overlayer_lowered  }
0x9b: {  	s22 =	simm.s32 $0x1BFF;
	s21 =	sshll.u32 s6, $0x1;
	s3 =	sadd.s32 s4, s19  }
0x9c: {  	s7 =	simm.s32 $0x0;
	s20 =	sshll.u32 s5, $0x1;
	s5 =	sadd.s32 s21, s3  }
0x9d: {  	[timem:s7], [sflag:s22] =	dma.local [hbm:s5], s20  }
0x9e: {  	_ =	swait.ge [sflag:s22], s20  }
0x9f: {  	s4 =	ssub.s32 $0x0, s20;
	[sflag:s22] =	ssyncset.done $0x0  }
0xa0: {  	[sflag:s22] =	ssyncadd.s32 s4;
	_ =	sdelay $0x1  }
0xa1: {  	s23 =	simm.s32 $0x1B8B  }
0xa2: {  	_ =	swait.ge [sflag:s23], $0x1  }
0xa3: {  	[sflag:s23] =	ssyncset.done $0x0  }
0xa4: {  	s25 =	simm.s32 $0x1B8E;
	s24 =	sld [smem:$0x3FFE];
	[sflag:s23] =	ssyncadd.s32 $0xFFFFFFFF  }
0xa5: {  	s26 =	simm.s32 $execute0_lowered;
	[smem:$0x3FD2] =	sst s25  }
0xa6: {  	s5 =	sshll.u32 s26, $0x1;
	_ =	strace $0x80000046;
	[dreg:$0x1] =	wrdreg $0xFFFFFFFF  }
0xa7: {  	s28 =	simm.s32 $_size_execute0_lowered;
	s3 =	sadd.s32 s3, s5;
	[dreg:$0x0] =	wrdreg $0x0  }
0xa8: {  	s5 =	sshll.u32 s28, $0x1;
	[dreg:$0x2] =	wrdreg s3  }
0xa9: {  	[dreg:$0x3] =	wrdreg s5  }
0xaa: {  	[dreg:$0x4] =	wrdreg $0xC0  }
0xab: {  	_ =	task [dreg:s7], $0x5FFFF  }
0xac: {  	[dreg:$0x1] =	wrdreg $0xFFFFFFFF  }
0xad: {  	[dreg:$0x0] =	wrdreg $0x60  }
0xae: {  	[dreg:$0x2] =	wrdreg s24  }
0xaf: {  	[dreg:$0x3] =	wrdreg s2  }
0xb0: {  	[dreg:$0x4] =	wrdreg $0x9  }
0xb1: {  	_ =	task.clear_ibuf [dreg:s7], $0x5FFFF;
	_ =	strace $0x90000046  }
0xb2: {  	s29 =	simm.s32 $0x9;
	_ =	strace $0x80000048  }
0xb3: {  	_ =	swait.ge [sflag:s29], $0x1  }
0xb4: {  	[sflag:s29] =	ssyncadd.s32 $0xFFFFFFFF  }
0xb5: {  	_ =	strace $0x90000048  }
0xb6: {  	_ =	sfence  }
0xb7: {  	s30 =	sld [smem:$0x0];
	_ =	sdelay $0x2  }
0xb8: {  	s31 =	sshll.u32 s1, $0xD;
	s1 =	sshrl.u32 s1, $0x2  }
0xb9: {  	s3 =	sand.u32 $0x4000, s31;
	s1 =	sadd.s32 s1, s30  }
0xba: {  	s0 =	sor.u32 s3, s0;
	s1 =	sshll.u32 s1, $0x11  }
0xbb: {  	s0 =	sor.u32 s1, s0  }
0xbc: {  	s0 =	sadd.s32 $0x8F2B, s0  }
0xbd: {  	[sflag:s0] =	ssyncadd.remote.s32 $0x1  }
0xbe: {  	_ =	sfence.sel $0xFFFF  }
0xbf: {  	[dreg:$0x0] =	wrdreg $0xFFFFFFFF;
	(pc) =	sbr.abs _section_cstart, $3  }
0xc0: {  	[dreg:$0x1] =	wrdreg $0xFFFFFFFF  }
0xc1: {  	_ =	task.clear_ibuf [dreg:s7], $0x2FFFF;
	_ =	strace $0x9FFFFFFF  }
0xc2: {  	(tm) =	ssettm $0x7FFFFFFF  }
0xc3: {  	_ =	shalt  }
tec
execute0_lowered:
.L_overlay_start_1:
0x0: {  	(tag) =	ssettag $0x1  }
0x1: {  	s4 =	rddreg [dreg:$0x0]  }
0x2: {  	s1 =	srdreg.scid;
	s0 =	stileid.u32  }
0x3: {  	s5 =	rddreg [dreg:$0x1];
	s11 =	simm.s32 $0x7700;
	s12 =	simm.s32 $0x2780  }
0x4: {  	s13 =	simm.s32 $0x80;
	s14 =	simm.s32 $0x400;
	s15 =	simm.s32 $0x0  }
0x5: {  	s3 =	sand.u32 $0x1, s1;
	s2 =	sshll.u32 s0, $0x1;
	s1 =	rddreg [dreg:$0x2]  }
0x6: {  	s7 =	sshrl.u32 s0, $0x2;
	s6 =	sor.u32 s3, s2;
	s2 =	simm.s32 $0x0  }
0x7: {  	s7 =	smul.u32 $0x14000, s7;
	s31 =	ssub.s32 $0x2, s3;
	s3 =	sadd.s32 $0xBE00, s4  }
0x8: {  	s8 =	sshll.u32 s6, $0x7;
	[smem:$0x7FF] =	sst s2;
	s6 =	smul.u32 $0x4E2, s6  }
0x9: {  	s10 =	sshrl.u32 s31, $0x1;
	s8 =	sand.u32 $0x380, s8;
	_ =	strace $0x80000047  }
0xa: {  	s7 =	sor.u32 s7, s8;
	s9 =	sadd.s32 s6, s4;
	s8 =	ssub.s32 s31, s10  }
0xb: {  	s5 =	sadd.s32 s5, s6;
	s10 =	simm.s32 $0x1;
	s7 =	sshrl.u32 s7, $0x3  }
0xc: {  	s8 =	smax.u32 s8, $0x1;
	s7 =	sadd.s32 s7, s4;
	s4 =	sadd.s32 $0x2000, s9  }
0xd: {  	v0 =	vimm.f32 $1.000000000e+00;
	s9 =	simm.s32 $0x4F00;
	s6 =	sadd.s32 $0xC400, s7;
	s7 =	sadd.s32 $0x16400, s7  }
.LBB2_1:
0xe: {  	[tilespmem:s9], [sflag:$0x1] =	stream.linear.gather [hbm4b:s3+s2], $0x2800, $0x38;
	[tilespmem:$0x9F00] =	vst v63  }
0xf: {  	_ =	swait.ge [sflag:s10], $0x2800  }
0x10: {  	[sflag:s10] =	ssyncset.done $0x0  }
0x11: {  	[sflag:s10] =	ssyncadd.s32 $0xFFFFD800  }
0x12: {  	[tilespmem:s11], [sflag:$0x1] =	stream.linear.gather [hbm4b:s3+s2], $0x2800, $0x38;
	[tilespmem:$0x9F00] =	vst v63  }
0x13: {  	_ =	swait.ge [sflag:s10], $0x2800  }
0x14: {  	[sflag:s10] =	ssyncset.done $0x0  }
0x15: {  	[sflag:s10] =	ssyncadd.s32 $0xFFFFD800  }
0x16: {  	[tilespmem:s2], [sflag:$0x1] =	stream.linear.gather [hbm4b:s4+s2], $0x2710, $0x38;
	[tilespmem:$0x9F00] =	vst v63  }
0x17: {  	_ =	swait.ge [sflag:s10], $0x2710  }
0x18: {  	[sflag:s10] =	ssyncset.done $0x0  }
0x19: {  	[sflag:s10] =	ssyncadd.s32 $0xFFFFD8F0  }
0x1a: {  	[tilespmem:s12], [sflag:$0x1] =	stream.linear.gather [hbm4b:s5+s2], $0x2710, $0x38;
	[tilespmem:$0x9F00] =	vst v63  }
0x1b: {  	_ =	swait.ge [sflag:s10], $0x2710  }
0x1c: {  	[sflag:s10] =	ssyncset.done $0x0  }
0x1d: {  	s17 =	simm.s32 $0x0;
	[sflag:s10] =	ssyncadd.s32 $0xFFFFD8F0  }
0x1e: {  	s16 =	simm.s32 $0x40;
	v1 =	vld [tilespmem:s17+$0x0]  }
.LBB2_2:
0x1f: {  	p0 =	sne.s32 s16, $0x9C00;
	v2 =	vld [tilespmem:s17+$0x2780];
	_ =	sdelay $0x4  }
.Ltmp0:
0x20: {  	(pc) =	sbr.rel @p0 .LBB2_2-.Ltmp0, $4  }
0x21: {  	_ = 	snop  }
0x22: {  	[tilespmem:v1+s9+$0x0] =	vst.idx.add.f32.msk $0xffff, v0  }
0x23: {  	s17 =	sshra.s32 s16, $0x2;
	[tilespmem:v2+s11+$0x0] =	vst.idx.add.f32.msk $0xffff, v0  }
0x24: {  	s16 =	sadd.s32 $0x40, s16;
	v1 =	vld [tilespmem:s17+$0x0]  }
0x25: {  	_ = 	snop  }
0x26: {  	v2 =	vld [tilespmem:s17+$0x2780];
	_ =	sdelay $0x6  }
0x27: {  	[tilespmem:v1+s9+$0x0] =	vst.idx.add.f32.msk $0xffff, v0  }
0x28: {  	[tilespmem:v2+s11+$0x0] =	vst.idx.add.f32.msk $0xffff, v0  }
0x29: {  	[hbm4b:s6+s13] =	stream.strided.scatter [tilespmem:s9], [sflag:$0x1], $0x2800, s14, s13, $0x38;
	[tilespmem:$0x9F00] =	vst v63  }
0x2a: {  	s15 =	sadd.s32 $0x1, s15;
	_ =	swait.ge [sflag:s10], $0x2800  }
0x2b: {  	p0 =	sne.s32 s15, s8;
	[sflag:s10] =	ssyncset.done $0x0  }
.Ltmp1:
0x2c: {  	[sflag:s10] =	ssyncadd.s32 $0xFFFFD800;
	(pc) =	sbr.rel @p0 .LBB2_1-.Ltmp1, $4  }
0x2d: {  	[hbm4b:s7+s13] =	stream.strided.scatter [tilespmem:s11], [sflag:$0x1], $0x2800, s14, s13, $0x38;
	[tilespmem:$0x9F00] =	vst v63  }
0x2e: {  	_ =	swait.ge [sflag:s10], $0x2800  }
0x2f: {  	[sflag:s10] =	ssyncset.done $0x0  }
0x30: {  	[sflag:s10] =	ssyncadd.s32 $0xFFFFD800  }
0x31: {  	_ =	sfence.sel $0x180000  }
0x32: {  	[bflag:$0x0] =	sbarrier.arrive $0xFFFF  }
0x33: {  	p0 =	sne.s32 s0, $0x0;
	_ =	strace $0x90000047  }
0x34: {  	s0 =	sadd.s32 @!p0 $0x100000, s1;
	[bflag:$0x2] =	sbarrier.arrive $0xFFFF  }
0x35: {  	[sflag:s0] =	ssyncadd.tile.s32 @!p0 $0x1;
	_ =	shalt  }
.Lfunc_end2:
_tile_overlayer_lowered:
.L_overlay_start_2:
0x36: {  	(tag) =	ssettag $0x2  }
0x37: {  	s0 =	rddreg [dreg:$0x0];
	s2 =	stileid.u32  }
0x38: {  	s1 =	rddreg [dreg:$0x1];
	p0 =	sne.s32 s2, $0x0  }
0x39: {  	s3 =	rddreg [dreg:$0x2];
	[bflag:$0x3] =	sbarrier.arrive $0xFFFF;
	s2 =	simm.s32 @!p0 $0x1C01  }
0x3a: {  	[timem:s3], [sflag:s2] =	dma.local @!p0 [hbm:s0], s1  }
0x3b: {  	s0 =	simm.s32 @!p0 $0x1  }
0x3c: {  	_ =	swait.ge @!p0 [sflag:s0], s1  }
0x3d: {  	s1 =	ssub.s32 @!p0 $0x0, s1;
	[sflag:s0] =	ssyncset.done @!p0 $0x0  }
0x3e: {  	[sflag:s0] =	ssyncadd.s32 @!p0 s1  }
0x3f: {  	[bflag:$0x3] =	sbarrier.arrive $0xFFFF  }
0x40: {  	_ =	shalt  }

// kernel: kernel.15.cloned.1.call-start
scs
__scs_entry_jumppad:
0x0: {  	(pc) =	sbr.rel $0x88, $3  }
0x1: {  	(tag) =	ssettag $0x0;
	lr =	simm.s32 $0x1  }
0x2: {  	[smem:$0x3F97] =	sst lr;
	_ =	strace $0xD0000000  }
0x3: {  	_ = 	snop  }
0x4: {  	_ = 	snop  }
0x5: {  	_ = 	snop  }
0x6: {  	_ = 	snop  }
0x7: {  	_ = 	snop  }
__scs_overlays_trampoline_lowered:
0x8: {  	[smem:$0x3FA6] =	sst s0  }
0x9: {  	[smem:$0x3FA7] =	sst s1  }
0xa: {  	[smem:$0x3FA8] =	sst s2  }
0xb: {  	[smem:$0x3FA9] =	sst s3  }
0xc: {  	[smem:$0x3FAA] =	sst s4  }
0xd: {  	[smem:$0x3FAB] =	sst s5  }
0xe: {  	[smem:$0x3FAC] =	sst s6  }
0xf: {  	[smem:$0x3FAD] =	sst s7  }
0x10: {  	[smem:$0x3FAE] =	sst s8  }
0x11: {  	[smem:$0x3FAF] =	sst s9;
	s0 =	simm.s32 @!p0 $0x0  }
0x12: {  	s1 =	sld [smem:$0x3F95];
	s0 =	simm.s32 @p0 $0x1  }
0x13: {  	[smem:$0x3FB0] =	sst s0;
	s0 =	simm.s32 @!p1 $0x0  }
0x14: {  	s2 =	sld [smem:$0x3F94];
	s0 =	simm.s32 @p1 $0x1  }
0x15: {  	[smem:$0x3FB1] =	sst s0;
	s0 =	simm.s32 @!p2 $0x0  }
0x16: {  	s3 =	sld [smem:$0x3FDB];
	s0 =	simm.s32 @p2 $0x1  }
0x17: {  	s4 =	simm.s32 $0x1BF5;
	[smem:$0x3FB3] =	sst s0  }
0x18: {  	s0 =	sld [smem:$0x3F96];
	_ =	swait.ge [sflag:s4], $0x0  }
0x19: {  	s7 =	sld [smem:$0x3F97]  }
0x1a: {  	s8 =	sadd.s32 $0xFFFFE003, lr  }
0x1b: {  	s9 =	sadd.s32 $0xFFFFFEF7, lr;
	s5 =	simm.s32 $0xFFFFFFFF;
	p2 =	slt.u32 s8, $0xFFFFF086  }
0x1c: {  	p1 =	slt.u32 s9, $0xF7A;
	s5 =	simm.s32 @!p2 $0x0  }
0x1d: {  	s5 =	simm.s32 @p1 $0x1;
	p0 =	seq.s32 s7, s2  }
0x1e: {  	s7 =	smul.u32 @!p0 $0xF7A, s2;
	p2 =	seq.s32 @!p0 s5, $0x0  }
0x1f: {  	s9 =	smul.u32 $0xF7A, s1;
	s8 =	simm.s32 @!p0 $0x1BF5;
	p2 =	por !p2, p0  }
0x20: {  	[sflag:s8] =	ssyncset.s32 @!p0 $0xFFFFF086;
	s6 =	sadd.s32 @!p0 s3, s7;
	s7 =	simm.s32 @!p0 $0x108  }
0x21: {  	s3 =	sadd.s32 s3, s9;
	s6 =	sadd.s32 @!p0 $0x88, s6;
	s7 =	simm.s32 @p2 $0x1082  }
0x22: {  	[simem:s7], [sflag:s8] =	dma.local @!p0 [hbm:s6], $0xF7A  }
0x23: {  	s9 =	sor.u32 $0xD0000000, s2;
	s6 =	simm.s32 $0x108;
	_ =	swait.ge @!p0 [sflag:s8], $0x0  }
0x24: {  	s3 =	sadd.s32 $0x88, s3;
	s6 =	simm.s32 @!p1 $0x1082;
	[sflag:s4] =	ssyncset.s32 $0xFFFFF086  }
0x25: {  	[simem:s6], [sflag:s4] =	dma.local [hbm:s3], $0xF7A  }
0x26: {  	[smem:$0x3F97] =	sst s1;
	(tag) =	ssettag s2;
	_ =	strace s9  }
0x27: {  	s1 =	sld [smem:$0x3FA7]  }
0x28: {  	s2 =	sld [smem:$0x3FA8]  }
0x29: {  	s4 =	sld [smem:$0x3FAA]  }
0x2a: {  	p0 =	seq.s32 s5, $0x0;
	s5 =	sld [smem:$0x3FAB]  }
0x2b: {  	s6 =	sld [smem:$0x3FAC]  }
0x2c: {  	s7 =	sld [smem:$0x3FAD]  }
0x2d: {  	s3 =	simm.s32 $0x108;
	s8 =	sld [smem:$0x3FAE]  }
0x2e: {  	s3 =	simm.s32 @!p0 $0x1082;
	s9 =	sld [smem:$0x3FAF]  }
0x2f: {  	lr =	sadd.s32 s0, s3;
	s0 =	sld [smem:$0x3FA6]  }
0x30: {  	s3 =	sld [smem:$0x3FA9]  }
0x31: {  	[smem:$0x3FB2] =	sst s10  }
0x32: {  	s10 =	sld [smem:$0x3FB0];
	_ =	sdelay $0x3  }
0x33: {  	p0 =	seq.s32 s10, $0x1;
	s10 =	sld [smem:$0x3FB2];
	_ =	sdelay $0x3  }
0x34: {  	[smem:$0x3FB2] =	sst s10  }
0x35: {  	s10 =	sld [smem:$0x3FB1];
	_ =	sdelay $0x3  }
0x36: {  	p1 =	seq.s32 s10, $0x1;
	s10 =	sld [smem:$0x3FB2];
	_ =	sdelay $0x3  }
0x37: {  	[smem:$0x3FB2] =	sst s10  }
0x38: {  	s10 =	sld [smem:$0x3FB3]  }
0x39: {  	_ = 	snop;
	(pc) =	sbr.ind lr, $3  }
0x3a: {  	_ = 	snop  }
0x3b: {  	_ = 	snop  }
0x3c: {  	p2 =	seq.s32 s10, $0x1;
	s10 =	sld [smem:$0x3FB2]  }
0x3d: {  	_ =	shalt  }
0x3e: {  	_ =	shalt  }
0x3f: {  	_ =	shalt  }
0x40: {  	_ =	shalt  }
0x41: {  	_ =	shalt  }
0x42: {  	_ =	shalt  }
0x43: {  	_ =	shalt  }
0x44: {  	_ =	shalt  }
0x45: {  	_ =	shalt  }
0x46: {  	_ =	shalt  }
0x47: {  	_ =	shalt  }
0x48: {  	_ =	shalt  }
0x49: {  	_ =	shalt  }
0x4a: {  	_ =	shalt  }
0x4b: {  	_ =	shalt  }
0x4c: {  	_ =	shalt  }
0x4d: {  	_ =	shalt  }
0x4e: {  	_ =	shalt  }
0x4f: {  	_ =	shalt  }
0x50: {  	_ =	shalt  }
0x51: {  	_ =	shalt  }
0x52: {  	_ =	shalt  }
0x53: {  	_ =	shalt  }
0x54: {  	_ =	shalt  }
0x55: {  	_ =	shalt  }
0x56: {  	_ =	shalt  }
0x57: {  	_ =	shalt  }
0x58: {  	_ =	shalt  }
0x59: {  	_ =	shalt  }
0x5a: {  	_ =	shalt  }
0x5b: {  	_ =	shalt  }
0x5c: {  	_ =	shalt  }
0x5d: {  	_ =	shalt  }
0x5e: {  	_ =	shalt  }
0x5f: {  	_ =	shalt  }
0x60: {  	_ =	shalt  }
0x61: {  	_ =	shalt  }
0x62: {  	_ =	shalt  }
0x63: {  	_ =	shalt  }
0x64: {  	_ =	shalt  }
0x65: {  	_ =	shalt  }
0x66: {  	_ =	shalt  }
0x67: {  	_ =	shalt  }
0x68: {  	_ =	shalt  }
0x69: {  	_ =	shalt  }
0x6a: {  	_ =	shalt  }
0x6b: {  	_ =	shalt  }
0x6c: {  	_ =	shalt  }
0x6d: {  	_ =	shalt  }
0x6e: {  	_ =	shalt  }
0x6f: {  	_ =	shalt  }
0x70: {  	_ =	shalt  }
0x71: {  	_ =	shalt  }
0x72: {  	_ =	shalt  }
0x73: {  	_ =	shalt  }
0x74: {  	_ =	shalt  }
0x75: {  	_ =	shalt  }
0x76: {  	_ =	shalt  }
0x77: {  	_ =	shalt  }
0x78: {  	_ =	shalt  }
0x79: {  	_ =	shalt  }
0x7a: {  	_ =	shalt  }
0x7b: {  	_ =	shalt  }
0x7c: {  	_ =	shalt  }
0x7d: {  	_ =	shalt  }
0x7e: {  	_ =	shalt  }
0x7f: {  	_ =	shalt  }
0x80: {  	_ =	shalt  }
0x81: {  	_ =	shalt  }
0x82: {  	_ =	shalt  }
0x83: {  	_ =	shalt  }
0x84: {  	_ =	shalt  }
0x85: {  	_ =	shalt  }
0x86: {  	_ =	shalt  }
0x87: {  	_ =	shalt  }
.Lfunc_end0:
.L_simem_size_0:
called_computation.1_lowered:
.L_overlay_start_0:
0x88: {  	s2 =	sld [smem:$0x3FD9]  }
0x89: {  	s3 =	sld [smem:$0x3FFE];
	_ =	sdelay $0x1  }
0x8a: {  	s1 =	srdreg.scid  }
0x8b: {  	s0 =	sand.u32 $0x1, s1  }
0x8c: {  	s17 =	sshll.u32 s0, $0xA;
	s2 =	sadd.s32 s3, s2  }
0x8d: {  	s2 =	sadd.s32 s2, s17  }
0x8e: {  	[smem:$0x3FBE] =	sst s2  }
0x8f: {  	_ = 	snop  }
0x90: {  	s2 =	sld [smem:$0x3FD0];
	(tm) =	ssettm $0x1  }
0x91: {  	s18 =	sld [smem:$0x3FFB];
	_ =	sdelay $0x3  }
0x92: {  	_ =	strace s18  }
0x93: {  	s3 =	sld [smem:$0x3FFC];
	_ =	sdelay $0x3  }
0x94: {  	_ =	strace s3  }
0x95: {  	s3 =	sld [smem:$0x3FFD];
	_ =	sdelay $0x3  }
0x96: {  	_ =	strace s3  }
0x97: {  	_ =	strace $0x8FFFFFFF  }
0x98: {  	s19 =	sld [smem:$0x3FDB];
	_ =	sdelay $0x1  }
0x99: {  	s4 =	simm.s32 $_scs_section_size  }
0x9a: {  	s5 =	simm.s32 $_size__tile_overlayer_lowered;
	s6 =	simm.s32 $_tile_overlayer_lowered  }
0x9b: {  	s22 =	simm.s32 $0x1BFF;
	s21 =	sshll.u32 s6, $0x1;
	s3 =	sadd.s32 s4, s19  }
0x9c: {  	s7 =	simm.s32 $0x0;
	s20 =	sshll.u32 s5, $0x1;
	s5 =	sadd.s32 s21, s3  }
0x9d: {  	[timem:s7], [sflag:s22] =	dma.local [hbm:s5], s20  }
0x9e: {  	_ =	swait.ge [sflag:s22], s20  }
0x9f: {  	s4 =	ssub.s32 $0x0, s20;
	[sflag:s22] =	ssyncset.done $0x0  }
0xa0: {  	[sflag:s22] =	ssyncadd.s32 s4;
	_ =	sdelay $0x1  }
0xa1: {  	s23 =	simm.s32 $0x1B8B  }
0xa2: {  	_ =	swait.ge [sflag:s23], $0x1  }
0xa3: {  	[sflag:s23] =	ssyncset.done $0x0  }
0xa4: {  	s25 =	simm.s32 $0x1B8E;
	s24 =	sld [smem:$0x3FFE];
	[sflag:s23] =	ssyncadd.s32 $0xFFFFFFFF  }
0xa5: {  	s26 =	simm.s32 $execute0_lowered;
	[smem:$0x3FD2] =	sst s25  }
0xa6: {  	s5 =	sshll.u32 s26, $0x1;
	_ =	strace $0x80000049;
	[dreg:$0x1] =	wrdreg $0xFFFFFFFF  }
0xa7: {  	s28 =	simm.s32 $_size_execute0_lowered;
	s3 =	sadd.s32 s3, s5;
	[dreg:$0x0] =	wrdreg $0x0  }
0xa8: {  	s5 =	sshll.u32 s28, $0x1;
	[dreg:$0x2] =	wrdreg s3  }
0xa9: {  	[dreg:$0x3] =	wrdreg s5  }
0xaa: {  	[dreg:$0x4] =	wrdreg $0xC0  }
0xab: {  	_ =	task [dreg:s7], $0x5FFFF  }
0xac: {  	[dreg:$0x1] =	wrdreg $0xFFFFFFFF  }
0xad: {  	[dreg:$0x0] =	wrdreg $0x60  }
0xae: {  	[dreg:$0x2] =	wrdreg s24  }
0xaf: {  	[dreg:$0x3] =	wrdreg s2  }
0xb0: {  	[dreg:$0x4] =	wrdreg $0x12E200  }
0xb1: {  	[dreg:$0x5] =	wrdreg $0x8E200  }
0xb2: {  	[dreg:$0x6] =	wrdreg $0x9  }
0xb3: {  	_ =	task.clear_ibuf [dreg:s7], $0x7FFFF;
	_ =	strace $0x90000049  }
0xb4: {  	s29 =	simm.s32 $0x9;
	_ =	strace $0x8000004B  }
0xb5: {  	_ =	swait.ge [sflag:s29], $0x1  }
0xb6: {  	[sflag:s29] =	ssyncadd.s32 $0xFFFFFFFF  }
0xb7: {  	_ =	strace $0x9000004B  }
0xb8: {  	_ =	sfence  }
0xb9: {  	s30 =	sld [smem:$0x0];
	_ =	sdelay $0x2  }
0xba: {  	s31 =	sshll.u32 s1, $0xD;
	s1 =	sshrl.u32 s1, $0x2  }
0xbb: {  	s3 =	sand.u32 $0x4000, s31;
	s1 =	sadd.s32 s1, s30  }
0xbc: {  	s0 =	sor.u32 s3, s0;
	s1 =	sshll.u32 s1, $0x11  }
0xbd: {  	s0 =	sor.u32 s1, s0  }
0xbe: {  	s0 =	sadd.s32 $0x8F2B, s0  }
0xbf: {  	[sflag:s0] =	ssyncadd.remote.s32 $0x1  }
0xc0: {  	_ =	sfence.sel $0xFFFF  }
0xc1: {  	[dreg:$0x0] =	wrdreg $0xFFFFFFFF;
	(pc) =	sbr.abs _section_cstart, $3  }
0xc2: {  	[dreg:$0x1] =	wrdreg $0xFFFFFFFF  }
0xc3: {  	_ =	task.clear_ibuf [dreg:s7], $0x2FFFF;
	_ =	strace $0x9FFFFFFF  }
0xc4: {  	(tm) =	ssettm $0x7FFFFFFF  }
0xc5: {  	_ =	shalt  }
tec
execute0_lowered:
.L_overlay_start_1:
0x0: {  	(tag) =	ssettag $0x1  }
0x1: {  	s0 =	rddreg [dreg:$0x0]  }
0x2: {  	s1 =	rddreg [dreg:$0x1]  }
0x3: {  	s2 =	rddreg [dreg:$0x2]  }
0x4: {  	s3 =	rddreg [dreg:$0x3]  }
0x5: {  	s13 =	stileid.u32;
	s4 =	simm.s32 $0x0;
	s6 =	srdreg.scid  }
0x6: {  	s19 =	simm.s32 $0x4E20;
	s20 =	simm.s32 $0x1;
	s21 =	simm.s32 $0x2  }
0x7: {  	s22 =	simm.s32 $0x80;
	s23 =	simm.s32 $0x6E20;
	s29 =	simm.s32 $0x10  }
0x8: {  	s30 =	simm.s32 $0x2700;
	s31 =	simm.s32 $0x4E10;
	s5 =	smul.u32 $0x9C40, s13  }
0x9: {  	s6 =	sand.u32 $0x1, s6;
	s7 =	sshll.u32 s13, $0x1;
	s10 =	smul.u32 $0xA000, s13  }
0xa: {  	[smem:$0x7FF] =	sst s4;
	s26 =	smul.u32 $0x28000, s13;
	s7 =	sor.u32 s6, s7  }
0xb: {  	s8 =	smul.u32 $0xA0000, s6;
	_ =	strace $0x8000004A;
	s6 =	ssub.s32 $0x2, s6  }
0xc: {  	s9 =	sshrl.u32 s5, $0x3;
	s11 =	smul.u32 $0x4E2, s7;
	s12 =	sshrl.u32 s6, $0x1  }
0xd: {  	s17 =	sadd.s32 s5, s2;
	s24 =	sadd.s32 s9, s0;
	s8 =	sadd.s32 s10, s8  }
0xe: {  	s16 =	ssub.s32 s6, s12;
	s6 =	sshll.u32 s13, $0x6;
	s12 =	sshrl.u32 s26, $0x2  }
0xf: {  	s10 =	sadd.s32 s10, s3;
	s17 =	sshrl.u32 s17, $0x3;
	s25 =	sadd.s32 s11, s0  }
0x10: {  	s8 =	sshrl.u32 s8, $0x3;
	s5 =	sadd.s32 $0xBE00, s24;
	s7 =	sor.u32 $0x1C02, s6  }
0x11: {  	s9 =	sadd.s32 s1, s11;
	s28 =	sadd.s32 s12, s3;
	s16 =	smax.u32 s16, $0x1  }
0x12: {  	s24 =	simm.s32 $0x3;
	s0 =	sadd.s32 s8, s0;
	s8 =	sadd.s32 $0x2000, s25  }
0x13: {  	s11 =	sadd.s32 $0x2000, s28;
	s12 =	sadd.s32 $0x4000, s28;
	s13 =	sadd.s32 $0x6000, s28  }
0x14: {  	v0 =	vimm.f32 $0.0e+00;
	s14 =	sadd.s32 $0x8000, s28;
	s15 =	sadd.s32 $0x1F800, s0;
	s0 =	simm.s32 $0x0  }
.LBB2_1:
0x15: {  	[spmem:s17], [sflag:s7] =	dma.local [hbm:s5], $0x1388  }
0x16: {  	[tilespmem:s4], [sflag:$0x1] =	stream.linear.gather [hbm4b:s8+s4], $0x2710, $0x38;
	[tilespmem:$0x1CA60] =	vst v63  }
0x17: {  	s1 =	simm.s32 $0x2710  }
0x18: {  	[tilespmem:s1], [sflag:$0x1] =	stream.linear.gather [hbm4b:s9+s4], $0x2710, $0x38;
	[tilespmem:$0x1CA60] =	vst v63  }
0x19: {  	s18 =	simm.s32 $0x100;
	s1 =	simm.s32 $0x0  }
.LBB2_2:
0x1a: {  	p0 =	sne.s32 s18, $0x7F00;
	[tilespmem:s1+$0x4E50] =	vst v0;
	s25 =	smov.u32 s18;
	s18 =	sadd.s32 $0x100, s18  }
.Ltmp0:
0x1b: {  	[tilespmem:s1+$0x4E40] =	vst v0;
	(pc) =	sbr.rel @p0 .LBB2_2-.Ltmp0, $3  }
0x1c: {  	[tilespmem:s1+$0x4E20] =	vst v0  }
0x1d: {  	[tilespmem:s1+$0x4E30] =	vst v0;
	_ =	sdelay $0x1  }
0x1e: {  	s1 =	sshra.s32 s25, $0x2  }
0x1f: {  	[tilespmem:s1+$0x4E50] =	vst v0  }
0x20: {  	[tilespmem:s1+$0x4E40] =	vst v0  }
0x21: {  	[tilespmem:s1+$0x4E20] =	vst v0  }
0x22: {  	[tilespmem:s1+$0x4E30] =	vst v0  }
0x23: {  	[spmem:s10] =	stream.linear.scatter [tilespmem:s19], [sflag:$0x2], $0x2000, $0x38;
	[tilespmem:$0x1CA60] =	vst v63  }
0x24: {  	_ = 	snop  }
0x25: {  	[spmem:s11] =	stream.linear.scatter [tilespmem:s19], [sflag:$0x2], $0x2000, $0x38;
	[tilespmem:$0x1CA60] =	vst v63  }
0x26: {  	_ = 	snop  }
0x27: {  	[spmem:s12] =	stream.linear.scatter [tilespmem:s19], [sflag:$0x2], $0x2000, $0x38;
	[tilespmem:$0x1CA60] =	vst v63  }
0x28: {  	_ = 	snop  }
0x29: {  	[spmem:s13] =	stream.linear.scatter [tilespmem:s19], [sflag:$0x2], $0x2000, $0x38;
	[tilespmem:$0x1CA60] =	vst v63  }
0x2a: {  	_ = 	snop  }
0x2b: {  	[spmem:s14] =	stream.linear.scatter [tilespmem:s19], [sflag:$0x2], $0x2000, $0x38;
	[tilespmem:$0x1CA60] =	vst v63  }
0x2c: {  	_ =	swait.ge [sflag:s20], $0x2710  }
0x2d: {  	[sflag:s20] =	ssyncset.done $0x0  }
0x2e: {  	[sflag:s20] =	ssyncadd.s32 $0xFFFFD8F0  }
0x2f: {  	_ =	swait.ge [sflag:s20], $0x2710  }
0x30: {  	[sflag:s20] =	ssyncset.done $0x0  }
0x31: {  	[sflag:s20] =	ssyncadd.s32 $0xFFFFD8F0  }
0x32: {  	_ =	swait.ge [sflag:s21], $0x1388  }
0x33: {  	[sflag:s21] =	ssyncset.done $0x0  }
0x34: {  	[sflag:s21] =	ssyncadd.s32 $0xFFFFEC78  }
0x35: {  	_ =	swait.ge [sflag:s21], $0x2000  }
0x36: {  	[sflag:s21] =	ssyncset.done $0x0  }
0x37: {  	[sflag:s21] =	ssyncadd.s32 $0xFFFFE000  }
0x38: {  	_ =	swait.ge [sflag:s21], $0x2000  }
0x39: {  	[sflag:s21] =	ssyncset.done $0x0  }
0x3a: {  	[sflag:s21] =	ssyncadd.s32 $0xFFFFE000  }
0x3b: {  	_ =	swait.ge [sflag:s21], $0x2000  }
0x3c: {  	[sflag:s21] =	ssyncset.done $0x0  }
0x3d: {  	[sflag:s21] =	ssyncadd.s32 $0xFFFFE000  }
0x3e: {  	_ =	swait.ge [sflag:s21], $0x2000  }
0x3f: {  	[sflag:s21] =	ssyncset.done $0x0  }
0x40: {  	[sflag:s21] =	ssyncadd.s32 $0xFFFFE000  }
0x41: {  	_ =	swait.ge [sflag:s21], $0x2000  }
0x42: {  	[sflag:s21] =	ssyncset.done $0x0  }
0x43: {  	[sflag:s21] =	ssyncadd.s32 $0xFFFFE000  }
0x44: {  	s28 =	simm.s32 $0x0;
	[bflag:$0x0] =	sbarrier.arrive $0xFFFF  }
0x45: {  	[tilespmem:s19], [sflag:$0x1] =	stream.indirect.gather [spmem:s2], $0x40, s28, s22, $0xb8;
	[tilespmem:$0x1CA60] =	vst v63  }
0x46: {  	s18 =	simm.s32 $0x80  }
0x47: {  	[tilespmem:s23], [sflag:$0x2] =	stream.indirect.gather [spmem:s2], $0x40, s18, s22, $0xb8;
	[tilespmem:$0x1CA60] =	vst v63  }
0x48: {  	_ =	swait.ge [sflag:s20], $0x2000  }
0x49: {  	[sflag:s20] =	ssyncset.done $0x0  }
0x4a: {  	s25 =	simm.s32 $0x2710;
	[sflag:s20] =	ssyncadd.s32 $0xFFFFE000  }
0x4b: {  	[spmem:s3] =	stream.indirect.scatter.add.f32 [tilespmem:s19], [sflag:$0x3], $0x40, s25, s22, $0xb8;
	[tilespmem:$0x1CA60] =	vst v63  }
0x4c: {  	_ =	swait.ge [sflag:s24], $0x2000  }
0x4d: {  	[sflag:s24] =	ssyncset.done $0x0  }
0x4e: {  	s26 =	simm.s32 $0x100;
	[sflag:s24] =	ssyncadd.s32 $0xFFFFE000  }
0x4f: {  	[tilespmem:s19], [sflag:$0x1] =	stream.indirect.gather [spmem:s2], $0x40, s26, s22, $0xb8;
	[tilespmem:$0x1CA60] =	vst v63  }
0x50: {  	_ =	swait.ge [sflag:s21], $0x2000  }
0x51: {  	[sflag:s21] =	ssyncset.done $0x0  }
0x52: {  	s28 =	simm.s32 $0x2790;
	[sflag:s21] =	ssyncadd.s32 $0xFFFFE000  }
0x53: {  	[spmem:s3] =	stream.indirect.scatter.add.f32 [tilespmem:s23], [sflag:$0x3], $0x40, s28, s22, $0xb8;
	[tilespmem:$0x1CA60] =	vst v63  }
0x54: {  	_ =	swait.ge [sflag:s24], $0x2000  }
0x55: {  	s1 =	simm.s32 $0x100;
	s18 =	simm.s32 $0x800;
	[sflag:s24] =	ssyncset.done $0x0  }
.LBB2_4:
0x56: {  	s25 =	sadd.s32 $0x80, s1  }
0x57: {  	[sflag:s24] =	ssyncadd.s32 $0xFFFFE000;
	s26 =	smov.u32 s18;
	s28 =	sadd.s32 $0x400, s18  }
0x58: {  	[tilespmem:s23], [sflag:$0x2] =	stream.indirect.gather [spmem:s2], $0x40, s25, s22, $0xb8;
	[tilespmem:$0x1CA60] =	vst v63  }
0x59: {  	p0 =	sne.s32 s18, $0x9400;
	_ =	swait.ge [sflag:s20], $0x2000  }
0x5a: {  	[sflag:s20] =	ssyncset.done $0x0  }
0x5b: {  	s18 =	sadd.s32 $0x2710, s1;
	[sflag:s20] =	ssyncadd.s32 $0xFFFFE000  }
0x5c: {  	[spmem:s3] =	stream.indirect.scatter.add.f32 [tilespmem:s19], [sflag:$0x3], $0x40, s18, s22, $0xb8;
	[tilespmem:$0x1CA60] =	vst v63  }
0x5d: {  	_ =	swait.ge [sflag:s24], $0x2000  }
0x5e: {  	[sflag:s24] =	ssyncset.done $0x0  }
0x5f: {  	s18 =	sadd.s32 $0x100, s1;
	[sflag:s24] =	ssyncadd.s32 $0xFFFFE000  }
0x60: {  	[tilespmem:s19], [sflag:$0x1] =	stream.indirect.gather [spmem:s2], $0x40, s18, s22, $0xb8;
	[tilespmem:$0x1CA60] =	vst v63  }
0x61: {  	_ =	swait.ge [sflag:s21], $0x2000  }
.Ltmp1:
0x62: {  	[sflag:s21] =	ssyncset.done $0x0;
	(pc) =	sbr.rel @p0 .LBB2_4-.Ltmp1, $4  }
0x63: {  	s1 =	sadd.s32 $0x2790, s1;
	[sflag:s21] =	ssyncadd.s32 $0xFFFFE000  }
0x64: {  	[spmem:s3] =	stream.indirect.scatter.add.f32 [tilespmem:s23], [sflag:$0x3], $0x40, s1, s22, $0xb8;
	[tilespmem:$0x1CA60] =	vst v63  }
0x65: {  	_ =	swait.ge [sflag:s24], $0x2000  }
0x66: {  	s18 =	smov.u32 s28;
	s1 =	sshra.s32 s26, $0x2;
	[sflag:s24] =	ssyncset.done $0x0  }
0x67: {  	s18 =	sadd.s32 $0x80, s1;
	[sflag:s24] =	ssyncadd.s32 $0xFFFFE000  }
0x68: {  	[tilespmem:s23], [sflag:$0x2] =	stream.indirect.gather [spmem:s2], $0x40, s18, s22, $0xb8;
	[tilespmem:$0x1CA60] =	vst v63  }
0x69: {  	_ =	swait.ge [sflag:s20], $0x2000  }
0x6a: {  	[sflag:s20] =	ssyncset.done $0x0  }
0x6b: {  	s28 =	sadd.s32 $0x2710, s1;
	[sflag:s20] =	ssyncadd.s32 $0xFFFFE000  }
0x6c: {  	[spmem:s3] =	stream.indirect.scatter.add.f32 [tilespmem:s19], [sflag:$0x3], $0x40, s28, s22, $0xb8;
	[tilespmem:$0x1CA60] =	vst v63  }
0x6d: {  	_ =	swait.ge [sflag:s24], $0x2000  }
0x6e: {  	[sflag:s24] =	ssyncset.done $0x0  }
0x6f: {  	s25 =	sadd.s32 $0x100, s1;
	[sflag:s24] =	ssyncadd.s32 $0xFFFFE000  }
0x70: {  	[tilespmem:s19], [sflag:$0x1] =	stream.indirect.gather [spmem:s2], $0x40, s25, s22, $0xb8;
	[tilespmem:$0x1CA60] =	vst v63  }
0x71: {  	_ =	swait.ge [sflag:s21], $0x2000  }
0x72: {  	[sflag:s21] =	ssyncset.done $0x0  }
0x73: {  	s26 =	sadd.s32 $0x2790, s1;
	[sflag:s21] =	ssyncadd.s32 $0xFFFFE000  }
0x74: {  	[spmem:s3] =	stream.indirect.scatter.add.f32 [tilespmem:s23], [sflag:$0x3], $0x40, s26, s22, $0xb8;
	[tilespmem:$0x1CA60] =	vst v63  }
0x75: {  	_ =	swait.ge [sflag:s24], $0x2000  }
0x76: {  	[sflag:s24] =	ssyncset.done $0x0  }
0x77: {  	s28 =	simm.s32 $0x2680;
	[sflag:s24] =	ssyncadd.s32 $0xFFFFE000  }
0x78: {  	[tilespmem:s23], [sflag:$0x2] =	stream.indirect.gather [spmem:s2], $0x40, s28, s22, $0xb8;
	[tilespmem:$0x1CA60] =	vst v63  }
0x79: {  	_ =	swait.ge [sflag:s20], $0x2000  }
0x7a: {  	[sflag:s20] =	ssyncset.done $0x0  }
0x7b: {  	s18 =	simm.s32 $0x4D10;
	[sflag:s20] =	ssyncadd.s32 $0xFFFFE000  }
0x7c: {  	[spmem:s3] =	stream.indirect.scatter.add.f32 [tilespmem:s19], [sflag:$0x3], $0x40, s18, s22, $0xb8;
	[tilespmem:$0x1CA60] =	vst v63  }
0x7d: {  	_ =	swait.ge [sflag:s24], $0x2000  }
0x7e: {  	[sflag:s24] =	ssyncset.done $0x0  }
0x7f: {  	[sflag:s24] =	ssyncadd.s32 $0xFFFFE000  }
0x80: {  	_ =	swait.ge [sflag:s21], $0x2000  }
0x81: {  	[sflag:s21] =	ssyncset.done $0x0  }
0x82: {  	s25 =	simm.s32 $0x4D90;
	[sflag:s21] =	ssyncadd.s32 $0xFFFFE000  }
0x83: {  	[spmem:s3] =	stream.indirect.scatter.add.f32 [tilespmem:s23], [sflag:$0x3], $0x40, s25, s22, $0xb8;
	[tilespmem:$0x1CA60] =	vst v63  }
0x84: {  	_ =	swait.ge [sflag:s24], $0x2000  }
0x85: {  	[sflag:s24] =	ssyncset.done $0x0  }
0x86: {  	[sflag:s24] =	ssyncadd.s32 $0xFFFFE000  }
0x87: {  	[tilespmem:s19], [sflag:$0x3] =	stream.indirect.gather [spmem:s2], $0x40, s30, s29, $0xb8;
	[tilespmem:$0x1CA60] =	vst v63  }
0x88: {  	_ =	swait.ge [sflag:s24], $0x400  }
0x89: {  	[sflag:s24] =	ssyncset.done $0x0  }
0x8a: {  	[sflag:s24] =	ssyncadd.s32 $0xFFFFFC00  }
0x8b: {  	[spmem:s3] =	stream.indirect.scatter.add.f32 [tilespmem:s19], [sflag:$0x3], $0x40, s31, s29, $0xb8;
	[tilespmem:$0x1CA60] =	vst v63  }
0x8c: {  	_ =	swait.ge [sflag:s24], $0x400  }
0x8d: {  	s0 =	sadd.s32 $0x1, s0;
	[sflag:s24] =	ssyncset.done $0x0  }
0x8e: {  	p0 =	sne.s32 s0, s16;
	s26 =	sor.u32 $0x1C03, s6;
	[sflag:s24] =	ssyncadd.s32 $0xFFFFFC00  }
.Ltmp2:
0x8f: {  	s28 =	sshrl.u32 s10, $0x3;
	[bflag:$0x0] =	sbarrier.arrive $0xFFFF;
	(pc) =	sbr.rel @p0 .LBB2_1-.Ltmp2, $4  }
0x90: {  	[hbm:s15], [sflag:s26] =	dma.local [spmem:s28], $0x1400  }
0x91: {  	_ =	swait.ge [sflag:s24], $0x1400  }
0x92: {  	[sflag:s24] =	ssyncset.done $0x0  }
0x93: {  	[sflag:s24] =	ssyncadd.s32 $0xFFFFEC00  }
0x94: {  	_ =	sfence.sel $0x180000  }
0x95: {  	[bflag:$0x0] =	sbarrier.arrive $0xFFFF  }
0x96: {  	_ =	strace $0x9000004A  }
0x97: {  	s0 =	stileid.u32;
	[bflag:$0x2] =	sbarrier.arrive $0xFFFF  }
0x98: {  	p0 =	sne.s32 s0, $0x0;
	s0 =	rddreg [dreg:$0x4]  }
0x99: {  	s0 =	sadd.s32 @!p0 $0x100000, s0  }
0x9a: {  	[sflag:s0] =	ssyncadd.tile.s32 @!p0 $0x1;
	_ =	shalt  }
.Lfunc_end2:
_tile_overlayer_lowered:
.L_overlay_start_2:
0x9b: {  	(tag) =	ssettag $0x2  }
0x9c: {  	s0 =	rddreg [dreg:$0x0];
	s2 =	stileid.u32  }
0x9d: {  	s1 =	rddreg [dreg:$0x1];
	p0 =	sne.s32 s2, $0x0  }
0x9e: {  	s3 =	rddreg [dreg:$0x2];
	[bflag:$0x3] =	sbarrier.arrive $0xFFFF;
	s2 =	simm.s32 @!p0 $0x1C03  }
0x9f: {  	[timem:s3], [sflag:s2] =	dma.local @!p0 [hbm:s0], s1  }
0xa0: {  	s0 =	simm.s32 @!p0 $0x3  }
0xa1: {  	_ =	swait.ge @!p0 [sflag:s0], s1  }
0xa2: {  	s1 =	ssub.s32 @!p0 $0x0, s1;
	[sflag:s0] =	ssyncset.done @!p0 $0x0  }
0xa3: {  	[sflag:s0] =	ssyncadd.s32 @!p0 s1  }
0xa4: {  	[bflag:$0x3] =	sbarrier.arrive $0xFFFF  }
0xa5: {  	_ =	shalt  }

// kernel: kernel.18.cloned.1.call-start
scs
__scs_entry_jumppad:
0x0: {  	(pc) =	sbr.rel $0x88, $3  }
0x1: {  	(tag) =	ssettag $0x0;
	lr =	simm.s32 $0x1  }
0x2: {  	[smem:$0x3F97] =	sst lr;
	_ =	strace $0xD0000000  }
0x3: {  	_ = 	snop  }
0x4: {  	_ = 	snop  }
0x5: {  	_ = 	snop  }
0x6: {  	_ = 	snop  }
0x7: {  	_ = 	snop  }
__scs_overlays_trampoline_lowered:
0x8: {  	[smem:$0x3FA6] =	sst s0  }
0x9: {  	[smem:$0x3FA7] =	sst s1  }
0xa: {  	[smem:$0x3FA8] =	sst s2  }
0xb: {  	[smem:$0x3FA9] =	sst s3  }
0xc: {  	[smem:$0x3FAA] =	sst s4  }
0xd: {  	[smem:$0x3FAB] =	sst s5  }
0xe: {  	[smem:$0x3FAC] =	sst s6  }
0xf: {  	[smem:$0x3FAD] =	sst s7  }
0x10: {  	[smem:$0x3FAE] =	sst s8  }
0x11: {  	[smem:$0x3FAF] =	sst s9;
	s0 =	simm.s32 @!p0 $0x0  }
0x12: {  	s1 =	sld [smem:$0x3F95];
	s0 =	simm.s32 @p0 $0x1  }
0x13: {  	[smem:$0x3FB0] =	sst s0;
	s0 =	simm.s32 @!p1 $0x0  }
0x14: {  	s2 =	sld [smem:$0x3F94];
	s0 =	simm.s32 @p1 $0x1  }
0x15: {  	[smem:$0x3FB1] =	sst s0;
	s0 =	simm.s32 @!p2 $0x0  }
0x16: {  	s3 =	sld [smem:$0x3FDB];
	s0 =	simm.s32 @p2 $0x1  }
0x17: {  	s4 =	simm.s32 $0x1BF5;
	[smem:$0x3FB3] =	sst s0  }
0x18: {  	s0 =	sld [smem:$0x3F96];
	_ =	swait.ge [sflag:s4], $0x0  }
0x19: {  	s7 =	sld [smem:$0x3F97]  }
0x1a: {  	s8 =	sadd.s32 $0xFFFFE003, lr  }
0x1b: {  	s9 =	sadd.s32 $0xFFFFFEF7, lr;
	s5 =	simm.s32 $0xFFFFFFFF;
	p2 =	slt.u32 s8, $0xFFFFF086  }
0x1c: {  	p1 =	slt.u32 s9, $0xF7A;
	s5 =	simm.s32 @!p2 $0x0  }
0x1d: {  	s5 =	simm.s32 @p1 $0x1;
	p0 =	seq.s32 s7, s2  }
0x1e: {  	s7 =	smul.u32 @!p0 $0xF7A, s2;
	p2 =	seq.s32 @!p0 s5, $0x0  }
0x1f: {  	s9 =	smul.u32 $0xF7A, s1;
	s8 =	simm.s32 @!p0 $0x1BF5;
	p2 =	por !p2, p0  }
0x20: {  	[sflag:s8] =	ssyncset.s32 @!p0 $0xFFFFF086;
	s6 =	sadd.s32 @!p0 s3, s7;
	s7 =	simm.s32 @!p0 $0x108  }
0x21: {  	s3 =	sadd.s32 s3, s9;
	s6 =	sadd.s32 @!p0 $0x88, s6;
	s7 =	simm.s32 @p2 $0x1082  }
0x22: {  	[simem:s7], [sflag:s8] =	dma.local @!p0 [hbm:s6], $0xF7A  }
0x23: {  	s9 =	sor.u32 $0xD0000000, s2;
	s6 =	simm.s32 $0x108;
	_ =	swait.ge @!p0 [sflag:s8], $0x0  }
0x24: {  	s3 =	sadd.s32 $0x88, s3;
	s6 =	simm.s32 @!p1 $0x1082;
	[sflag:s4] =	ssyncset.s32 $0xFFFFF086  }
0x25: {  	[simem:s6], [sflag:s4] =	dma.local [hbm:s3], $0xF7A  }
0x26: {  	[smem:$0x3F97] =	sst s1;
	(tag) =	ssettag s2;
	_ =	strace s9  }
0x27: {  	s1 =	sld [smem:$0x3FA7]  }
0x28: {  	s2 =	sld [smem:$0x3FA8]  }
0x29: {  	s4 =	sld [smem:$0x3FAA]  }
0x2a: {  	p0 =	seq.s32 s5, $0x0;
	s5 =	sld [smem:$0x3FAB]  }
0x2b: {  	s6 =	sld [smem:$0x3FAC]  }
0x2c: {  	s7 =	sld [smem:$0x3FAD]  }
0x2d: {  	s3 =	simm.s32 $0x108;
	s8 =	sld [smem:$0x3FAE]  }
0x2e: {  	s3 =	simm.s32 @!p0 $0x1082;
	s9 =	sld [smem:$0x3FAF]  }
0x2f: {  	lr =	sadd.s32 s0, s3;
	s0 =	sld [smem:$0x3FA6]  }
0x30: {  	s3 =	sld [smem:$0x3FA9]  }
0x31: {  	[smem:$0x3FB2] =	sst s10  }
0x32: {  	s10 =	sld [smem:$0x3FB0];
	_ =	sdelay $0x3  }
0x33: {  	p0 =	seq.s32 s10, $0x1;
	s10 =	sld [smem:$0x3FB2];
	_ =	sdelay $0x3  }
0x34: {  	[smem:$0x3FB2] =	sst s10  }
0x35: {  	s10 =	sld [smem:$0x3FB1];
	_ =	sdelay $0x3  }
0x36: {  	p1 =	seq.s32 s10, $0x1;
	s10 =	sld [smem:$0x3FB2];
	_ =	sdelay $0x3  }
0x37: {  	[smem:$0x3FB2] =	sst s10  }
0x38: {  	s10 =	sld [smem:$0x3FB3]  }
0x39: {  	_ = 	snop;
	(pc) =	sbr.ind lr, $3  }
0x3a: {  	_ = 	snop  }
0x3b: {  	_ = 	snop  }
0x3c: {  	p2 =	seq.s32 s10, $0x1;
	s10 =	sld [smem:$0x3FB2]  }
0x3d: {  	_ =	shalt  }
0x3e: {  	_ =	shalt  }
0x3f: {  	_ =	shalt  }
0x40: {  	_ =	shalt  }
0x41: {  	_ =	shalt  }
0x42: {  	_ =	shalt  }
0x43: {  	_ =	shalt  }
0x44: {  	_ =	shalt  }
0x45: {  	_ =	shalt  }
0x46: {  	_ =	shalt  }
0x47: {  	_ =	shalt  }
0x48: {  	_ =	shalt  }
0x49: {  	_ =	shalt  }
0x4a: {  	_ =	shalt  }
0x4b: {  	_ =	shalt  }
0x4c: {  	_ =	shalt  }
0x4d: {  	_ =	shalt  }
0x4e: {  	_ =	shalt  }
0x4f: {  	_ =	shalt  }
0x50: {  	_ =	shalt  }
0x51: {  	_ =	shalt  }
0x52: {  	_ =	shalt  }
0x53: {  	_ =	shalt  }
0x54: {  	_ =	shalt  }
0x55: {  	_ =	shalt  }
0x56: {  	_ =	shalt  }
0x57: {  	_ =	shalt  }
0x58: {  	_ =	shalt  }
0x59: {  	_ =	shalt  }
0x5a: {  	_ =	shalt  }
0x5b: {  	_ =	shalt  }
0x5c: {  	_ =	shalt  }
0x5d: {  	_ =	shalt  }
0x5e: {  	_ =	shalt  }
0x5f: {  	_ =	shalt  }
0x60: {  	_ =	shalt  }
0x61: {  	_ =	shalt  }
0x62: {  	_ =	shalt  }
0x63: {  	_ =	shalt  }
0x64: {  	_ =	shalt  }
0x65: {  	_ =	shalt  }
0x66: {  	_ =	shalt  }
0x67: {  	_ =	shalt  }
0x68: {  	_ =	shalt  }
0x69: {  	_ =	shalt  }
0x6a: {  	_ =	shalt  }
0x6b: {  	_ =	shalt  }
0x6c: {  	_ =	shalt  }
0x6d: {  	_ =	shalt  }
0x6e: {  	_ =	shalt  }
0x6f: {  	_ =	shalt  }
0x70: {  	_ =	shalt  }
0x71: {  	_ =	shalt  }
0x72: {  	_ =	shalt  }
0x73: {  	_ =	shalt  }
0x74: {  	_ =	shalt  }
0x75: {  	_ =	shalt  }
0x76: {  	_ =	shalt  }
0x77: {  	_ =	shalt  }
0x78: {  	_ =	shalt  }
0x79: {  	_ =	shalt  }
0x7a: {  	_ =	shalt  }
0x7b: {  	_ =	shalt  }
0x7c: {  	_ =	shalt  }
0x7d: {  	_ =	shalt  }
0x7e: {  	_ =	shalt  }
0x7f: {  	_ =	shalt  }
0x80: {  	_ =	shalt  }
0x81: {  	_ =	shalt  }
0x82: {  	_ =	shalt  }
0x83: {  	_ =	shalt  }
0x84: {  	_ =	shalt  }
0x85: {  	_ =	shalt  }
0x86: {  	_ =	shalt  }
0x87: {  	_ =	shalt  }
.Lfunc_end0:
.L_simem_size_0:
called_computation.2_lowered:
.L_overlay_start_0:
0x88: {  	s2 =	sld [smem:$0x3FD9]  }
0x89: {  	s3 =	sld [smem:$0x3FFE];
	_ =	sdelay $0x1  }
0x8a: {  	s1 =	srdreg.scid  }
0x8b: {  	s0 =	sand.u32 $0x1, s1  }
0x8c: {  	s17 =	sshll.u32 s0, $0xA;
	s2 =	sadd.s32 s3, s2  }
0x8d: {  	s2 =	sadd.s32 s2, s17  }
0x8e: {  	[smem:$0x3FBE] =	sst s2  }
0x8f: {  	_ = 	snop  }
0x90: {  	s2 =	sld [smem:$0x3FD0];
	(tm) =	ssettm $0x1  }
0x91: {  	s18 =	sld [smem:$0x3FFB];
	_ =	sdelay $0x3  }
0x92: {  	_ =	strace s18  }
0x93: {  	s3 =	sld [smem:$0x3FFC];
	_ =	sdelay $0x3  }
0x94: {  	_ =	strace s3  }
0x95: {  	s3 =	sld [smem:$0x3FFD];
	_ =	sdelay $0x3  }
0x96: {  	_ =	strace s3  }
0x97: {  	_ =	strace $0x8FFFFFFF  }
0x98: {  	s19 =	sld [smem:$0x3FDB];
	_ =	sdelay $0x1  }
0x99: {  	s4 =	simm.s32 $_scs_section_size  }
0x9a: {  	s5 =	simm.s32 $_size__tile_overlayer_lowered;
	s6 =	simm.s32 $_tile_overlayer_lowered  }
0x9b: {  	s22 =	simm.s32 $0x1BFF;
	s21 =	sshll.u32 s6, $0x1;
	s3 =	sadd.s32 s4, s19  }
0x9c: {  	s7 =	simm.s32 $0x0;
	s20 =	sshll.u32 s5, $0x1;
	s5 =	sadd.s32 s21, s3  }
0x9d: {  	[timem:s7], [sflag:s22] =	dma.local [hbm:s5], s20  }
0x9e: {  	_ =	swait.ge [sflag:s22], s20  }
0x9f: {  	s4 =	ssub.s32 $0x0, s20;
	[sflag:s22] =	ssyncset.done $0x0  }
0xa0: {  	[sflag:s22] =	ssyncadd.s32 s4;
	_ =	sdelay $0x1  }
0xa1: {  	s23 =	simm.s32 $0x1B8B  }
0xa2: {  	_ =	swait.ge [sflag:s23], $0x1  }
0xa3: {  	[sflag:s23] =	ssyncset.done $0x0  }
0xa4: {  	s25 =	simm.s32 $0x1B8E;
	s24 =	sld [smem:$0x3FFE];
	[sflag:s23] =	ssyncadd.s32 $0xFFFFFFFF  }
0xa5: {  	s26 =	simm.s32 $execute0_lowered;
	[smem:$0x3FD2] =	sst s25  }
0xa6: {  	s5 =	sshll.u32 s26, $0x1;
	_ =	strace $0x8000004C;
	[dreg:$0x1] =	wrdreg $0xFFFFFFFF  }
0xa7: {  	s28 =	simm.s32 $_size_execute0_lowered;
	s3 =	sadd.s32 s3, s5;
	[dreg:$0x0] =	wrdreg $0x0  }
0xa8: {  	s5 =	sshll.u32 s28, $0x1;
	[dreg:$0x2] =	wrdreg s3  }
0xa9: {  	[dreg:$0x3] =	wrdreg s5  }
0xaa: {  	[dreg:$0x4] =	wrdreg $0xC0  }
0xab: {  	_ =	task [dreg:s7], $0x5FFFF  }
0xac: {  	[dreg:$0x1] =	wrdreg $0xFFFFFFFF  }
0xad: {  	[dreg:$0x0] =	wrdreg $0x60  }
0xae: {  	[dreg:$0x2] =	wrdreg s24  }
0xaf: {  	[dreg:$0x3] =	wrdreg s2  }
0xb0: {  	[dreg:$0x4] =	wrdreg $0x12E200  }
0xb1: {  	[dreg:$0x5] =	wrdreg $0x8E200  }
0xb2: {  	[dreg:$0x6] =	wrdreg $0x9  }
0xb3: {  	_ =	task.clear_ibuf [dreg:s7], $0x7FFFF;
	_ =	strace $0x9000004C  }
0xb4: {  	s29 =	simm.s32 $0x9;
	_ =	strace $0x8000004E  }
0xb5: {  	_ =	swait.ge [sflag:s29], $0x1  }
0xb6: {  	[sflag:s29] =	ssyncadd.s32 $0xFFFFFFFF  }
0xb7: {  	_ =	strace $0x9000004E  }
0xb8: {  	_ =	sfence  }
0xb9: {  	s30 =	sld [smem:$0x0];
	_ =	sdelay $0x2  }
0xba: {  	s31 =	sshll.u32 s1, $0xD;
	s1 =	sshrl.u32 s1, $0x2  }
0xbb: {  	s3 =	sand.u32 $0x4000, s31;
	s1 =	sadd.s32 s1, s30  }
0xbc: {  	s0 =	sor.u32 s3, s0;
	s1 =	sshll.u32 s1, $0x11  }
0xbd: {  	s0 =	sor.u32 s1, s0  }
0xbe: {  	s0 =	sadd.s32 $0x8F2B, s0  }
0xbf: {  	[sflag:s0] =	ssyncadd.remote.s32 $0x1  }
0xc0: {  	_ =	sfence.sel $0xFFFF  }
0xc1: {  	[dreg:$0x0] =	wrdreg $0xFFFFFFFF;
	(pc) =	sbr.abs _section_cstart, $3  }
0xc2: {  	[dreg:$0x1] =	wrdreg $0xFFFFFFFF  }
0xc3: {  	_ =	task.clear_ibuf [dreg:s7], $0x2FFFF;
	_ =	strace $0x9FFFFFFF  }
0xc4: {  	(tm) =	ssettm $0x7FFFFFFF  }
0xc5: {  	_ =	shalt  }
tec
execute0_lowered:
.L_overlay_start_1:
0x0: {  	(tag) =	ssettag $0x1  }
0x1: {  	s0 =	rddreg [dreg:$0x0]  }
0x2: {  	s1 =	rddreg [dreg:$0x1]  }
0x3: {  	s2 =	rddreg [dreg:$0x2]  }
0x4: {  	s3 =	rddreg [dreg:$0x3]  }
0x5: {  	s13 =	stileid.u32;
	s4 =	simm.s32 $0x0;
	s6 =	srdreg.scid  }
0x6: {  	s19 =	simm.s32 $0x4E20;
	s20 =	simm.s32 $0x1;
	s21 =	simm.s32 $0x2  }
0x7: {  	s22 =	simm.s32 $0x80;
	s23 =	simm.s32 $0x6E20;
	s29 =	simm.s32 $0x10  }
0x8: {  	s30 =	simm.s32 $0x2700;
	s31 =	simm.s32 $0x4E10;
	s5 =	smul.u32 $0x9C40, s13  }
0x9: {  	s6 =	sand.u32 $0x1, s6;
	s7 =	sshll.u32 s13, $0x1;
	s10 =	smul.u32 $0xA000, s13  }
0xa: {  	[smem:$0x7FF] =	sst s4;
	s26 =	smul.u32 $0x28000, s13;
	s7 =	sor.u32 s6, s7  }
0xb: {  	s8 =	smul.u32 $0xA0000, s6;
	_ =	strace $0x8000004D;
	s6 =	ssub.s32 $0x2, s6  }
0xc: {  	s9 =	sshrl.u32 s5, $0x3;
	s11 =	smul.u32 $0x4E2, s7;
	s12 =	sshrl.u32 s6, $0x1  }
0xd: {  	s17 =	sadd.s32 s5, s2;
	s24 =	sadd.s32 s9, s0;
	s8 =	sadd.s32 s10, s8  }
0xe: {  	s16 =	ssub.s32 s6, s12;
	s6 =	sshll.u32 s13, $0x6;
	s12 =	sshrl.u32 s26, $0x2  }
0xf: {  	s10 =	sadd.s32 s10, s3;
	s17 =	sshrl.u32 s17, $0x3;
	s25 =	sadd.s32 s11, s0  }
0x10: {  	s8 =	sshrl.u32 s8, $0x3;
	s5 =	sadd.s32 $0xBE00, s24;
	s7 =	sor.u32 $0x1C02, s6  }
0x11: {  	s9 =	sadd.s32 s1, s11;
	s28 =	sadd.s32 s12, s3;
	s16 =	smax.u32 s16, $0x1  }
0x12: {  	s24 =	simm.s32 $0x3;
	s0 =	sadd.s32 s8, s0;
	s8 =	sadd.s32 $0x2000, s25  }
0x13: {  	s11 =	sadd.s32 $0x2000, s28;
	s12 =	sadd.s32 $0x4000, s28;
	s13 =	sadd.s32 $0x6000, s28  }
0x14: {  	v0 =	vimm.f32 $0.0e+00;
	s14 =	sadd.s32 $0x8000, s28;
	s15 =	sadd.s32 $0x1F800, s0;
	s0 =	simm.s32 $0x0  }
.LBB2_1:
0x15: {  	[spmem:s17], [sflag:s7] =	dma.local [hbm:s5], $0x1388  }
0x16: {  	[tilespmem:s4], [sflag:$0x1] =	stream.linear.gather [hbm4b:s8+s4], $0x2710, $0x38;
	[tilespmem:$0x1CA60] =	vst v63  }
0x17: {  	s1 =	simm.s32 $0x2710  }
0x18: {  	[tilespmem:s1], [sflag:$0x1] =	stream.linear.gather [hbm4b:s9+s4], $0x2710, $0x38;
	[tilespmem:$0x1CA60] =	vst v63  }
0x19: {  	s18 =	simm.s32 $0x100;
	s1 =	simm.s32 $0x0  }
.LBB2_2:
0x1a: {  	p0 =	sne.s32 s18, $0x7F00;
	[tilespmem:s1+$0x4E50] =	vst v0;
	s25 =	smov.u32 s18;
	s18 =	sadd.s32 $0x100, s18  }
.Ltmp0:
0x1b: {  	[tilespmem:s1+$0x4E40] =	vst v0;
	(pc) =	sbr.rel @p0 .LBB2_2-.Ltmp0, $3  }
0x1c: {  	[tilespmem:s1+$0x4E20] =	vst v0  }
0x1d: {  	[tilespmem:s1+$0x4E30] =	vst v0;
	_ =	sdelay $0x1  }
0x1e: {  	s1 =	sshra.s32 s25, $0x2  }
0x1f: {  	[tilespmem:s1+$0x4E50] =	vst v0  }
0x20: {  	[tilespmem:s1+$0x4E40] =	vst v0  }
0x21: {  	[tilespmem:s1+$0x4E20] =	vst v0  }
0x22: {  	[tilespmem:s1+$0x4E30] =	vst v0  }
0x23: {  	[spmem:s10] =	stream.linear.scatter [tilespmem:s19], [sflag:$0x2], $0x2000, $0x38;
	[tilespmem:$0x1CA60] =	vst v63  }
0x24: {  	_ = 	snop  }
0x25: {  	[spmem:s11] =	stream.linear.scatter [tilespmem:s19], [sflag:$0x2], $0x2000, $0x38;
	[tilespmem:$0x1CA60] =	vst v63  }
0x26: {  	_ = 	snop  }
0x27: {  	[spmem:s12] =	stream.linear.scatter [tilespmem:s19], [sflag:$0x2], $0x2000, $0x38;
	[tilespmem:$0x1CA60] =	vst v63  }
0x28: {  	_ = 	snop  }
0x29: {  	[spmem:s13] =	stream.linear.scatter [tilespmem:s19], [sflag:$0x2], $0x2000, $0x38;
	[tilespmem:$0x1CA60] =	vst v63  }
0x2a: {  	_ = 	snop  }
0x2b: {  	[spmem:s14] =	stream.linear.scatter [tilespmem:s19], [sflag:$0x2], $0x2000, $0x38;
	[tilespmem:$0x1CA60] =	vst v63  }
0x2c: {  	_ =	swait.ge [sflag:s20], $0x2710  }
0x2d: {  	[sflag:s20] =	ssyncset.done $0x0  }
0x2e: {  	[sflag:s20] =	ssyncadd.s32 $0xFFFFD8F0  }
0x2f: {  	_ =	swait.ge [sflag:s20], $0x2710  }
0x30: {  	[sflag:s20] =	ssyncset.done $0x0  }
0x31: {  	[sflag:s20] =	ssyncadd.s32 $0xFFFFD8F0  }
0x32: {  	_ =	swait.ge [sflag:s21], $0x1388  }
0x33: {  	[sflag:s21] =	ssyncset.done $0x0  }
0x34: {  	[sflag:s21] =	ssyncadd.s32 $0xFFFFEC78  }
0x35: {  	_ =	swait.ge [sflag:s21], $0x2000  }
0x36: {  	[sflag:s21] =	ssyncset.done $0x0  }
0x37: {  	[sflag:s21] =	ssyncadd.s32 $0xFFFFE000  }
0x38: {  	_ =	swait.ge [sflag:s21], $0x2000  }
0x39: {  	[sflag:s21] =	ssyncset.done $0x0  }
0x3a: {  	[sflag:s21] =	ssyncadd.s32 $0xFFFFE000  }
0x3b: {  	_ =	swait.ge [sflag:s21], $0x2000  }
0x3c: {  	[sflag:s21] =	ssyncset.done $0x0  }
0x3d: {  	[sflag:s21] =	ssyncadd.s32 $0xFFFFE000  }
0x3e: {  	_ =	swait.ge [sflag:s21], $0x2000  }
0x3f: {  	[sflag:s21] =	ssyncset.done $0x0  }
0x40: {  	[sflag:s21] =	ssyncadd.s32 $0xFFFFE000  }
0x41: {  	_ =	swait.ge [sflag:s21], $0x2000  }
0x42: {  	[sflag:s21] =	ssyncset.done $0x0  }
0x43: {  	[sflag:s21] =	ssyncadd.s32 $0xFFFFE000  }
0x44: {  	s28 =	simm.s32 $0x0;
	[bflag:$0x0] =	sbarrier.arrive $0xFFFF  }
0x45: {  	[tilespmem:s19], [sflag:$0x1] =	stream.indirect.gather [spmem:s2], $0x40, s28, s22, $0xb8;
	[tilespmem:$0x1CA60] =	vst v63  }
0x46: {  	s18 =	simm.s32 $0x80  }
0x47: {  	[tilespmem:s23], [sflag:$0x2] =	stream.indirect.gather [spmem:s2], $0x40, s18, s22, $0xb8;
	[tilespmem:$0x1CA60] =	vst v63  }
0x48: {  	_ =	swait.ge [sflag:s20], $0x2000  }
0x49: {  	[sflag:s20] =	ssyncset.done $0x0  }
0x4a: {  	s25 =	simm.s32 $0x2710;
	[sflag:s20] =	ssyncadd.s32 $0xFFFFE000  }
0x4b: {  	[spmem:s3] =	stream.indirect.scatter.add.f32 [tilespmem:s19], [sflag:$0x3], $0x40, s25, s22, $0xb8;
	[tilespmem:$0x1CA60] =	vst v63  }
0x4c: {  	_ =	swait.ge [sflag:s24], $0x2000  }
0x4d: {  	[sflag:s24] =	ssyncset.done $0x0  }
0x4e: {  	s26 =	simm.s32 $0x100;
	[sflag:s24] =	ssyncadd.s32 $0xFFFFE000  }
0x4f: {  	[tilespmem:s19], [sflag:$0x1] =	stream.indirect.gather [spmem:s2], $0x40, s26, s22, $0xb8;
	[tilespmem:$0x1CA60] =	vst v63  }
0x50: {  	_ =	swait.ge [sflag:s21], $0x2000  }
0x51: {  	[sflag:s21] =	ssyncset.done $0x0  }
0x52: {  	s28 =	simm.s32 $0x2790;
	[sflag:s21] =	ssyncadd.s32 $0xFFFFE000  }
0x53: {  	[spmem:s3] =	stream.indirect.scatter.add.f32 [tilespmem:s23], [sflag:$0x3], $0x40, s28, s22, $0xb8;
	[tilespmem:$0x1CA60] =	vst v63  }
0x54: {  	_ =	swait.ge [sflag:s24], $0x2000  }
0x55: {  	s1 =	simm.s32 $0x100;
	s18 =	simm.s32 $0x800;
	[sflag:s24] =	ssyncset.done $0x0  }
.LBB2_4:
0x56: {  	s25 =	sadd.s32 $0x80, s1  }
0x57: {  	[sflag:s24] =	ssyncadd.s32 $0xFFFFE000;
	s26 =	smov.u32 s18;
	s28 =	sadd.s32 $0x400, s18  }
0x58: {  	[tilespmem:s23], [sflag:$0x2] =	stream.indirect.gather [spmem:s2], $0x40, s25, s22, $0xb8;
	[tilespmem:$0x1CA60] =	vst v63  }
0x59: {  	p0 =	sne.s32 s18, $0x9400;
	_ =	swait.ge [sflag:s20], $0x2000  }
0x5a: {  	[sflag:s20] =	ssyncset.done $0x0  }
0x5b: {  	s18 =	sadd.s32 $0x2710, s1;
	[sflag:s20] =	ssyncadd.s32 $0xFFFFE000  }
0x5c: {  	[spmem:s3] =	stream.indirect.scatter.add.f32 [tilespmem:s19], [sflag:$0x3], $0x40, s18, s22, $0xb8;
	[tilespmem:$0x1CA60] =	vst v63  }
0x5d: {  	_ =	swait.ge [sflag:s24], $0x2000  }
0x5e: {  	[sflag:s24] =	ssyncset.done $0x0  }
0x5f: {  	s18 =	sadd.s32 $0x100, s1;
	[sflag:s24] =	ssyncadd.s32 $0xFFFFE000  }
0x60: {  	[tilespmem:s19], [sflag:$0x1] =	stream.indirect.gather [spmem:s2], $0x40, s18, s22, $0xb8;
	[tilespmem:$0x1CA60] =	vst v63  }
0x61: {  	_ =	swait.ge [sflag:s21], $0x2000  }
.Ltmp1:
0x62: {  	[sflag:s21] =	ssyncset.done $0x0;
	(pc) =	sbr.rel @p0 .LBB2_4-.Ltmp1, $4  }
0x63: {  	s1 =	sadd.s32 $0x2790, s1;
	[sflag:s21] =	ssyncadd.s32 $0xFFFFE000  }
0x64: {  	[spmem:s3] =	stream.indirect.scatter.add.f32 [tilespmem:s23], [sflag:$0x3], $0x40, s1, s22, $0xb8;
	[tilespmem:$0x1CA60] =	vst v63  }
0x65: {  	_ =	swait.ge [sflag:s24], $0x2000  }
0x66: {  	s18 =	smov.u32 s28;
	s1 =	sshra.s32 s26, $0x2;
	[sflag:s24] =	ssyncset.done $0x0  }
0x67: {  	s18 =	sadd.s32 $0x80, s1;
	[sflag:s24] =	ssyncadd.s32 $0xFFFFE000  }
0x68: {  	[tilespmem:s23], [sflag:$0x2] =	stream.indirect.gather [spmem:s2], $0x40, s18, s22, $0xb8;
	[tilespmem:$0x1CA60] =	vst v63  }
0x69: {  	_ =	swait.ge [sflag:s20], $0x2000  }
0x6a: {  	[sflag:s20] =	ssyncset.done $0x0  }
0x6b: {  	s28 =	sadd.s32 $0x2710, s1;
	[sflag:s20] =	ssyncadd.s32 $0xFFFFE000  }
0x6c: {  	[spmem:s3] =	stream.indirect.scatter.add.f32 [tilespmem:s19], [sflag:$0x3], $0x40, s28, s22, $0xb8;
	[tilespmem:$0x1CA60] =	vst v63  }
0x6d: {  	_ =	swait.ge [sflag:s24], $0x2000  }
0x6e: {  	[sflag:s24] =	ssyncset.done $0x0  }
0x6f: {  	s25 =	sadd.s32 $0x100, s1;
	[sflag:s24] =	ssyncadd.s32 $0xFFFFE000  }
0x70: {  	[tilespmem:s19], [sflag:$0x1] =	stream.indirect.gather [spmem:s2], $0x40, s25, s22, $0xb8;
	[tilespmem:$0x1CA60] =	vst v63  }
0x71: {  	_ =	swait.ge [sflag:s21], $0x2000  }
0x72: {  	[sflag:s21] =	ssyncset.done $0x0  }
0x73: {  	s26 =	sadd.s32 $0x2790, s1;
	[sflag:s21] =	ssyncadd.s32 $0xFFFFE000  }
0x74: {  	[spmem:s3] =	stream.indirect.scatter.add.f32 [tilespmem:s23], [sflag:$0x3], $0x40, s26, s22, $0xb8;
	[tilespmem:$0x1CA60] =	vst v63  }
0x75: {  	_ =	swait.ge [sflag:s24], $0x2000  }
0x76: {  	[sflag:s24] =	ssyncset.done $0x0  }
0x77: {  	s28 =	simm.s32 $0x2680;
	[sflag:s24] =	ssyncadd.s32 $0xFFFFE000  }
0x78: {  	[tilespmem:s23], [sflag:$0x2] =	stream.indirect.gather [spmem:s2], $0x40, s28, s22, $0xb8;
	[tilespmem:$0x1CA60] =	vst v63  }
0x79: {  	_ =	swait.ge [sflag:s20], $0x2000  }
0x7a: {  	[sflag:s20] =	ssyncset.done $0x0  }
0x7b: {  	s18 =	simm.s32 $0x4D10;
	[sflag:s20] =	ssyncadd.s32 $0xFFFFE000  }
0x7c: {  	[spmem:s3] =	stream.indirect.scatter.add.f32 [tilespmem:s19], [sflag:$0x3], $0x40, s18, s22, $0xb8;
	[tilespmem:$0x1CA60] =	vst v63  }
0x7d: {  	_ =	swait.ge [sflag:s24], $0x2000  }
0x7e: {  	[sflag:s24] =	ssyncset.done $0x0  }
0x7f: {  	[sflag:s24] =	ssyncadd.s32 $0xFFFFE000  }
0x80: {  	_ =	swait.ge [sflag:s21], $0x2000  }
0x81: {  	[sflag:s21] =	ssyncset.done $0x0  }
0x82: {  	s25 =	simm.s32 $0x4D90;
	[sflag:s21] =	ssyncadd.s32 $0xFFFFE000  }
0x83: {  	[spmem:s3] =	stream.indirect.scatter.add.f32 [tilespmem:s23], [sflag:$0x3], $0x40, s25, s22, $0xb8;
	[tilespmem:$0x1CA60] =	vst v63  }
0x84: {  	_ =	swait.ge [sflag:s24], $0x2000  }
0x85: {  	[sflag:s24] =	ssyncset.done $0x0  }
0x86: {  	[sflag:s24] =	ssyncadd.s32 $0xFFFFE000  }
0x87: {  	[tilespmem:s19], [sflag:$0x3] =	stream.indirect.gather [spmem:s2], $0x40, s30, s29, $0xb8;
	[tilespmem:$0x1CA60] =	vst v63  }
0x88: {  	_ =	swait.ge [sflag:s24], $0x400  }
0x89: {  	[sflag:s24] =	ssyncset.done $0x0  }
0x8a: {  	[sflag:s24] =	ssyncadd.s32 $0xFFFFFC00  }
0x8b: {  	[spmem:s3] =	stream.indirect.scatter.add.f32 [tilespmem:s19], [sflag:$0x3], $0x40, s31, s29, $0xb8;
	[tilespmem:$0x1CA60] =	vst v63  }
0x8c: {  	_ =	swait.ge [sflag:s24], $0x400  }
0x8d: {  	s0 =	sadd.s32 $0x1, s0;
	[sflag:s24] =	ssyncset.done $0x0  }
0x8e: {  	p0 =	sne.s32 s0, s16;
	s26 =	sor.u32 $0x1C03, s6;
	[sflag:s24] =	ssyncadd.s32 $0xFFFFFC00  }
.Ltmp2:
0x8f: {  	s28 =	sshrl.u32 s10, $0x3;
	[bflag:$0x0] =	sbarrier.arrive $0xFFFF;
	(pc) =	sbr.rel @p0 .LBB2_1-.Ltmp2, $4  }
0x90: {  	[hbm:s15], [sflag:s26] =	dma.local [spmem:s28], $0x1400  }
0x91: {  	_ =	swait.ge [sflag:s24], $0x1400  }
0x92: {  	[sflag:s24] =	ssyncset.done $0x0  }
0x93: {  	[sflag:s24] =	ssyncadd.s32 $0xFFFFEC00  }
0x94: {  	_ =	sfence.sel $0x180000  }
0x95: {  	[bflag:$0x0] =	sbarrier.arrive $0xFFFF  }
0x96: {  	_ =	strace $0x9000004D  }
0x97: {  	s0 =	stileid.u32;
	[bflag:$0x2] =	sbarrier.arrive $0xFFFF  }
0x98: {  	p0 =	sne.s32 s0, $0x0;
	s0 =	rddreg [dreg:$0x4]  }
0x99: {  	s0 =	sadd.s32 @!p0 $0x100000, s0  }
0x9a: {  	[sflag:s0] =	ssyncadd.tile.s32 @!p0 $0x1;
	_ =	shalt  }
.Lfunc_end2:
_tile_overlayer_lowered:
.L_overlay_start_2:
0x9b: {  	(tag) =	ssettag $0x2  }
0x9c: {  	s0 =	rddreg [dreg:$0x0];
	s2 =	stileid.u32  }
0x9d: {  	s1 =	rddreg [dreg:$0x1];
	p0 =	sne.s32 s2, $0x0  }
0x9e: {  	s3 =	rddreg [dreg:$0x2];
	[bflag:$0x3] =	sbarrier.arrive $0xFFFF;
	s2 =	simm.s32 @!p0 $0x1C03  }
0x9f: {  	[timem:s3], [sflag:s2] =	dma.local @!p0 [hbm:s0], s1  }
0xa0: {  	s0 =	simm.s32 @!p0 $0x3  }
0xa1: {  	_ =	swait.ge @!p0 [sflag:s0], s1  }
0xa2: {  	s1 =	ssub.s32 @!p0 $0x0, s1;
	[sflag:s0] =	ssyncset.done @!p0 $0x0  }
0xa3: {  	[sflag:s0] =	ssyncadd.s32 @!p0 s1  }
0xa4: {  	[bflag:$0x3] =	sbarrier.arrive $0xFFFF  }
0xa5: {  	_ =	shalt  }

// kernel: kernel.21.cloned.1.call-start
scs
__scs_entry_jumppad:
0x0: {  	(pc) =	sbr.rel $0x88, $3  }
0x1: {  	(tag) =	ssettag $0x0;
	lr =	simm.s32 $0x1  }
0x2: {  	[smem:$0x3F97] =	sst lr;
	_ =	strace $0xD0000000  }
0x3: {  	_ = 	snop  }
0x4: {  	_ = 	snop  }
0x5: {  	_ = 	snop  }
0x6: {  	_ = 	snop  }
0x7: {  	_ = 	snop  }
__scs_overlays_trampoline_lowered:
0x8: {  	[smem:$0x3FA6] =	sst s0  }
0x9: {  	[smem:$0x3FA7] =	sst s1  }
0xa: {  	[smem:$0x3FA8] =	sst s2  }
0xb: {  	[smem:$0x3FA9] =	sst s3  }
0xc: {  	[smem:$0x3FAA] =	sst s4  }
0xd: {  	[smem:$0x3FAB] =	sst s5  }
0xe: {  	[smem:$0x3FAC] =	sst s6  }
0xf: {  	[smem:$0x3FAD] =	sst s7  }
0x10: {  	[smem:$0x3FAE] =	sst s8  }
0x11: {  	[smem:$0x3FAF] =	sst s9;
	s0 =	simm.s32 @!p0 $0x0  }
0x12: {  	s1 =	sld [smem:$0x3F95];
	s0 =	simm.s32 @p0 $0x1  }
0x13: {  	[smem:$0x3FB0] =	sst s0;
	s0 =	simm.s32 @!p1 $0x0  }
0x14: {  	s2 =	sld [smem:$0x3F94];
	s0 =	simm.s32 @p1 $0x1  }
0x15: {  	[smem:$0x3FB1] =	sst s0;
	s0 =	simm.s32 @!p2 $0x0  }
0x16: {  	s3 =	sld [smem:$0x3FDB];
	s0 =	simm.s32 @p2 $0x1  }
0x17: {  	s4 =	simm.s32 $0x1BF5;
	[smem:$0x3FB3] =	sst s0  }
0x18: {  	s0 =	sld [smem:$0x3F96];
	_ =	swait.ge [sflag:s4], $0x0  }
0x19: {  	s7 =	sld [smem:$0x3F97]  }
0x1a: {  	s8 =	sadd.s32 $0xFFFFE003, lr  }
0x1b: {  	s9 =	sadd.s32 $0xFFFFFEF7, lr;
	s5 =	simm.s32 $0xFFFFFFFF;
	p2 =	slt.u32 s8, $0xFFFFF086  }
0x1c: {  	p1 =	slt.u32 s9, $0xF7A;
	s5 =	simm.s32 @!p2 $0x0  }
0x1d: {  	s5 =	simm.s32 @p1 $0x1;
	p0 =	seq.s32 s7, s2  }
0x1e: {  	s7 =	smul.u32 @!p0 $0xF7A, s2;
	p2 =	seq.s32 @!p0 s5, $0x0  }
0x1f: {  	s9 =	smul.u32 $0xF7A, s1;
	s8 =	simm.s32 @!p0 $0x1BF5;
	p2 =	por !p2, p0  }
0x20: {  	[sflag:s8] =	ssyncset.s32 @!p0 $0xFFFFF086;
	s6 =	sadd.s32 @!p0 s3, s7;
	s7 =	simm.s32 @!p0 $0x108  }
0x21: {  	s3 =	sadd.s32 s3, s9;
	s6 =	sadd.s32 @!p0 $0x88, s6;
	s7 =	simm.s32 @p2 $0x1082  }
0x22: {  	[simem:s7], [sflag:s8] =	dma.local @!p0 [hbm:s6], $0xF7A  }
0x23: {  	s9 =	sor.u32 $0xD0000000, s2;
	s6 =	simm.s32 $0x108;
	_ =	swait.ge @!p0 [sflag:s8], $0x0  }
0x24: {  	s3 =	sadd.s32 $0x88, s3;
	s6 =	simm.s32 @!p1 $0x1082;
	[sflag:s4] =	ssyncset.s32 $0xFFFFF086  }
0x25: {  	[simem:s6], [sflag:s4] =	dma.local [hbm:s3], $0xF7A  }
0x26: {  	[smem:$0x3F97] =	sst s1;
	(tag) =	ssettag s2;
	_ =	strace s9  }
0x27: {  	s1 =	sld [smem:$0x3FA7]  }
0x28: {  	s2 =	sld [smem:$0x3FA8]  }
0x29: {  	s4 =	sld [smem:$0x3FAA]  }
0x2a: {  	p0 =	seq.s32 s5, $0x0;
	s5 =	sld [smem:$0x3FAB]  }
0x2b: {  	s6 =	sld [smem:$0x3FAC]  }
0x2c: {  	s7 =	sld [smem:$0x3FAD]  }
0x2d: {  	s3 =	simm.s32 $0x108;
	s8 =	sld [smem:$0x3FAE]  }
0x2e: {  	s3 =	simm.s32 @!p0 $0x1082;
	s9 =	sld [smem:$0x3FAF]  }
0x2f: {  	lr =	sadd.s32 s0, s3;
	s0 =	sld [smem:$0x3FA6]  }
0x30: {  	s3 =	sld [smem:$0x3FA9]  }
0x31: {  	[smem:$0x3FB2] =	sst s10  }
0x32: {  	s10 =	sld [smem:$0x3FB0];
	_ =	sdelay $0x3  }
0x33: {  	p0 =	seq.s32 s10, $0x1;
	s10 =	sld [smem:$0x3FB2];
	_ =	sdelay $0x3  }
0x34: {  	[smem:$0x3FB2] =	sst s10  }
0x35: {  	s10 =	sld [smem:$0x3FB1];
	_ =	sdelay $0x3  }
0x36: {  	p1 =	seq.s32 s10, $0x1;
	s10 =	sld [smem:$0x3FB2];
	_ =	sdelay $0x3  }
0x37: {  	[smem:$0x3FB2] =	sst s10  }
0x38: {  	s10 =	sld [smem:$0x3FB3]  }
0x39: {  	_ = 	snop;
	(pc) =	sbr.ind lr, $3  }
0x3a: {  	_ = 	snop  }
0x3b: {  	_ = 	snop  }
0x3c: {  	p2 =	seq.s32 s10, $0x1;
	s10 =	sld [smem:$0x3FB2]  }
0x3d: {  	_ =	shalt  }
0x3e: {  	_ =	shalt  }
0x3f: {  	_ =	shalt  }
0x40: {  	_ =	shalt  }
0x41: {  	_ =	shalt  }
0x42: {  	_ =	shalt  }
0x43: {  	_ =	shalt  }
0x44: {  	_ =	shalt  }
0x45: {  	_ =	shalt  }
0x46: {  	_ =	shalt  }
0x47: {  	_ =	shalt  }
0x48: {  	_ =	shalt  }
0x49: {  	_ =	shalt  }
0x4a: {  	_ =	shalt  }
0x4b: {  	_ =	shalt  }
0x4c: {  	_ =	shalt  }
0x4d: {  	_ =	shalt  }
0x4e: {  	_ =	shalt  }
0x4f: {  	_ =	shalt  }
0x50: {  	_ =	shalt  }
0x51: {  	_ =	shalt  }
0x52: {  	_ =	shalt  }
0x53: {  	_ =	shalt  }
0x54: {  	_ =	shalt  }
0x55: {  	_ =	shalt  }
0x56: {  	_ =	shalt  }
0x57: {  	_ =	shalt  }
0x58: {  	_ =	shalt  }
0x59: {  	_ =	shalt  }
0x5a: {  	_ =	shalt  }
0x5b: {  	_ =	shalt  }
0x5c: {  	_ =	shalt  }
0x5d: {  	_ =	shalt  }
0x5e: {  	_ =	shalt  }
0x5f: {  	_ =	shalt  }
0x60: {  	_ =	shalt  }
0x61: {  	_ =	shalt  }
0x62: {  	_ =	shalt  }
0x63: {  	_ =	shalt  }
0x64: {  	_ =	shalt  }
0x65: {  	_ =	shalt  }
0x66: {  	_ =	shalt  }
0x67: {  	_ =	shalt  }
0x68: {  	_ =	shalt  }
0x69: {  	_ =	shalt  }
0x6a: {  	_ =	shalt  }
0x6b: {  	_ =	shalt  }
0x6c: {  	_ =	shalt  }
0x6d: {  	_ =	shalt  }
0x6e: {  	_ =	shalt  }
0x6f: {  	_ =	shalt  }
0x70: {  	_ =	shalt  }
0x71: {  	_ =	shalt  }
0x72: {  	_ =	shalt  }
0x73: {  	_ =	shalt  }
0x74: {  	_ =	shalt  }
0x75: {  	_ =	shalt  }
0x76: {  	_ =	shalt  }
0x77: {  	_ =	shalt  }
0x78: {  	_ =	shalt  }
0x79: {  	_ =	shalt  }
0x7a: {  	_ =	shalt  }
0x7b: {  	_ =	shalt  }
0x7c: {  	_ =	shalt  }
0x7d: {  	_ =	shalt  }
0x7e: {  	_ =	shalt  }
0x7f: {  	_ =	shalt  }
0x80: {  	_ =	shalt  }
0x81: {  	_ =	shalt  }
0x82: {  	_ =	shalt  }
0x83: {  	_ =	shalt  }
0x84: {  	_ =	shalt  }
0x85: {  	_ =	shalt  }
0x86: {  	_ =	shalt  }
0x87: {  	_ =	shalt  }
.Lfunc_end0:
.L_simem_size_0:
called_computation.3_lowered:
.L_overlay_start_0:
0x88: {  	s2 =	sld [smem:$0x3FD9]  }
0x89: {  	s3 =	sld [smem:$0x3FFE];
	_ =	sdelay $0x1  }
0x8a: {  	s1 =	srdreg.scid  }
0x8b: {  	s0 =	sand.u32 $0x1, s1  }
0x8c: {  	s17 =	sshll.u32 s0, $0xA;
	s2 =	sadd.s32 s3, s2  }
0x8d: {  	s2 =	sadd.s32 s2, s17  }
0x8e: {  	[smem:$0x3FBE] =	sst s2  }
0x8f: {  	_ = 	snop  }
0x90: {  	s2 =	sld [smem:$0x3FD0];
	(tm) =	ssettm $0x1  }
0x91: {  	s18 =	sld [smem:$0x3FFB];
	_ =	sdelay $0x3  }
0x92: {  	_ =	strace s18  }
0x93: {  	s3 =	sld [smem:$0x3FFC];
	_ =	sdelay $0x3  }
0x94: {  	_ =	strace s3  }
0x95: {  	s3 =	sld [smem:$0x3FFD];
	_ =	sdelay $0x3  }
0x96: {  	_ =	strace s3  }
0x97: {  	_ =	strace $0x8FFFFFFF  }
0x98: {  	s19 =	sld [smem:$0x3FDB];
	_ =	sdelay $0x1  }
0x99: {  	s4 =	simm.s32 $_scs_section_size  }
0x9a: {  	s5 =	simm.s32 $_size__tile_overlayer_lowered;
	s6 =	simm.s32 $_tile_overlayer_lowered  }
0x9b: {  	s22 =	simm.s32 $0x1BFF;
	s21 =	sshll.u32 s6, $0x1;
	s3 =	sadd.s32 s4, s19  }
0x9c: {  	s7 =	simm.s32 $0x0;
	s20 =	sshll.u32 s5, $0x1;
	s5 =	sadd.s32 s21, s3  }
0x9d: {  	[timem:s7], [sflag:s22] =	dma.local [hbm:s5], s20  }
0x9e: {  	_ =	swait.ge [sflag:s22], s20  }
0x9f: {  	s4 =	ssub.s32 $0x0, s20;
	[sflag:s22] =	ssyncset.done $0x0  }
0xa0: {  	[sflag:s22] =	ssyncadd.s32 s4;
	_ =	sdelay $0x1  }
0xa1: {  	s23 =	simm.s32 $0x1B8B  }
0xa2: {  	_ =	swait.ge [sflag:s23], $0x1  }
0xa3: {  	[sflag:s23] =	ssyncset.done $0x0  }
0xa4: {  	s25 =	simm.s32 $0x1B8E;
	s24 =	sld [smem:$0x3FFE];
	[sflag:s23] =	ssyncadd.s32 $0xFFFFFFFF  }
0xa5: {  	s26 =	simm.s32 $execute0_lowered;
	[smem:$0x3FD2] =	sst s25  }
0xa6: {  	s5 =	sshll.u32 s26, $0x1;
	_ =	strace $0x8000004F;
	[dreg:$0x1] =	wrdreg $0xFFFFFFFF  }
0xa7: {  	s28 =	simm.s32 $_size_execute0_lowered;
	s3 =	sadd.s32 s3, s5;
	[dreg:$0x0] =	wrdreg $0x0  }
0xa8: {  	s5 =	sshll.u32 s28, $0x1;
	[dreg:$0x2] =	wrdreg s3  }
0xa9: {  	[dreg:$0x3] =	wrdreg s5  }
0xaa: {  	[dreg:$0x4] =	wrdreg $0xC0  }
0xab: {  	_ =	task [dreg:s7], $0x5FFFF  }
0xac: {  	[dreg:$0x1] =	wrdreg $0xFFFFFFFF  }
0xad: {  	[dreg:$0x0] =	wrdreg $0x60  }
0xae: {  	[dreg:$0x2] =	wrdreg s24  }
0xaf: {  	[dreg:$0x3] =	wrdreg s2  }
0xb0: {  	[dreg:$0x4] =	wrdreg $0x12E200  }
0xb1: {  	[dreg:$0x5] =	wrdreg $0x8E200  }
0xb2: {  	[dreg:$0x6] =	wrdreg $0x9  }
0xb3: {  	_ =	task.clear_ibuf [dreg:s7], $0x7FFFF;
	_ =	strace $0x9000004F  }
0xb4: {  	s29 =	simm.s32 $0x9;
	_ =	strace $0x80000051  }
0xb5: {  	_ =	swait.ge [sflag:s29], $0x1  }
0xb6: {  	[sflag:s29] =	ssyncadd.s32 $0xFFFFFFFF  }
0xb7: {  	_ =	strace $0x90000051  }
0xb8: {  	_ =	sfence  }
0xb9: {  	s30 =	sld [smem:$0x0];
	_ =	sdelay $0x2  }
0xba: {  	s31 =	sshll.u32 s1, $0xD;
	s1 =	sshrl.u32 s1, $0x2  }
0xbb: {  	s3 =	sand.u32 $0x4000, s31;
	s1 =	sadd.s32 s1, s30  }
0xbc: {  	s0 =	sor.u32 s3, s0;
	s1 =	sshll.u32 s1, $0x11  }
0xbd: {  	s0 =	sor.u32 s1, s0  }
0xbe: {  	s0 =	sadd.s32 $0x8F2B, s0  }
0xbf: {  	[sflag:s0] =	ssyncadd.remote.s32 $0x1  }
0xc0: {  	_ =	sfence.sel $0xFFFF  }
0xc1: {  	[dreg:$0x0] =	wrdreg $0xFFFFFFFF;
	(pc) =	sbr.abs _section_cstart, $3  }
0xc2: {  	[dreg:$0x1] =	wrdreg $0xFFFFFFFF  }
0xc3: {  	_ =	task.clear_ibuf [dreg:s7], $0x2FFFF;
	_ =	strace $0x9FFFFFFF  }
0xc4: {  	(tm) =	ssettm $0x7FFFFFFF  }
0xc5: {  	_ =	shalt  }
tec
execute0_lowered:
.L_overlay_start_1:
0x0: {  	(tag) =	ssettag $0x1  }
0x1: {  	s0 =	rddreg [dreg:$0x0]  }
0x2: {  	s1 =	rddreg [dreg:$0x1]  }
0x3: {  	s2 =	rddreg [dreg:$0x2]  }
0x4: {  	s3 =	rddreg [dreg:$0x3]  }
0x5: {  	s13 =	stileid.u32;
	s4 =	simm.s32 $0x0;
	s6 =	srdreg.scid  }
0x6: {  	s19 =	simm.s32 $0x4E20;
	s20 =	simm.s32 $0x1;
	s21 =	simm.s32 $0x2  }
0x7: {  	s22 =	simm.s32 $0x80;
	s23 =	simm.s32 $0x6E20;
	s29 =	simm.s32 $0x10  }
0x8: {  	s30 =	simm.s32 $0x2700;
	s31 =	simm.s32 $0x4E10;
	s5 =	smul.u32 $0x9C40, s13  }
0x9: {  	s6 =	sand.u32 $0x1, s6;
	s7 =	sshll.u32 s13, $0x1;
	s10 =	smul.u32 $0xA000, s13  }
0xa: {  	[smem:$0x7FF] =	sst s4;
	s26 =	smul.u32 $0x28000, s13;
	s7 =	sor.u32 s6, s7  }
0xb: {  	s8 =	smul.u32 $0xA0000, s6;
	_ =	strace $0x80000050;
	s6 =	ssub.s32 $0x2, s6  }
0xc: {  	s9 =	sshrl.u32 s5, $0x3;
	s11 =	smul.u32 $0x4E2, s7;
	s12 =	sshrl.u32 s6, $0x1  }
0xd: {  	s17 =	sadd.s32 s5, s2;
	s24 =	sadd.s32 s9, s0;
	s8 =	sadd.s32 s10, s8  }
0xe: {  	s16 =	ssub.s32 s6, s12;
	s6 =	sshll.u32 s13, $0x6;
	s12 =	sshrl.u32 s26, $0x2  }
0xf: {  	s10 =	sadd.s32 s10, s3;
	s17 =	sshrl.u32 s17, $0x3;
	s25 =	sadd.s32 s11, s0  }
0x10: {  	s8 =	sshrl.u32 s8, $0x3;
	s5 =	sadd.s32 $0xBE00, s24;
	s7 =	sor.u32 $0x1C02, s6  }
0x11: {  	s9 =	sadd.s32 s1, s11;
	s28 =	sadd.s32 s12, s3;
	s16 =	smax.u32 s16, $0x1  }
0x12: {  	s24 =	simm.s32 $0x3;
	s0 =	sadd.s32 s8, s0;
	s8 =	sadd.s32 $0x2000, s25  }
0x13: {  	s11 =	sadd.s32 $0x2000, s28;
	s12 =	sadd.s32 $0x4000, s28;
	s13 =	sadd.s32 $0x6000, s28  }
0x14: {  	v0 =	vimm.f32 $0.0e+00;
	s14 =	sadd.s32 $0x8000, s28;
	s15 =	sadd.s32 $0x1F800, s0;
	s0 =	simm.s32 $0x0  }
.LBB2_1:
0x15: {  	[spmem:s17], [sflag:s7] =	dma.local [hbm:s5], $0x1388  }
0x16: {  	[tilespmem:s4], [sflag:$0x1] =	stream.linear.gather [hbm4b:s8+s4], $0x2710, $0x38;
	[tilespmem:$0x1CA60] =	vst v63  }
0x17: {  	s1 =	simm.s32 $0x2710  }
0x18: {  	[tilespmem:s1], [sflag:$0x1] =	stream.linear.gather [hbm4b:s9+s4], $0x2710, $0x38;
	[tilespmem:$0x1CA60] =	vst v63  }
0x19: {  	s18 =	simm.s32 $0x100;
	s1 =	simm.s32 $0x0  }
.LBB2_2:
0x1a: {  	p0 =	sne.s32 s18, $0x7F00;
	[tilespmem:s1+$0x4E50] =	vst v0;
	s25 =	smov.u32 s18;
	s18 =	sadd.s32 $0x100, s18  }
.Ltmp0:
0x1b: {  	[tilespmem:s1+$0x4E40] =	vst v0;
	(pc) =	sbr.rel @p0 .LBB2_2-.Ltmp0, $3  }
0x1c: {  	[tilespmem:s1+$0x4E20] =	vst v0  }
0x1d: {  	[tilespmem:s1+$0x4E30] =	vst v0;
	_ =	sdelay $0x1  }
0x1e: {  	s1 =	sshra.s32 s25, $0x2  }
0x1f: {  	[tilespmem:s1+$0x4E50] =	vst v0  }
0x20: {  	[tilespmem:s1+$0x4E40] =	vst v0  }
0x21: {  	[tilespmem:s1+$0x4E20] =	vst v0  }
0x22: {  	[tilespmem:s1+$0x4E30] =	vst v0  }
0x23: {  	[spmem:s10] =	stream.linear.scatter [tilespmem:s19], [sflag:$0x2], $0x2000, $0x38;
	[tilespmem:$0x1CA60] =	vst v63  }
0x24: {  	_ = 	snop  }
0x25: {  	[spmem:s11] =	stream.linear.scatter [tilespmem:s19], [sflag:$0x2], $0x2000, $0x38;
	[tilespmem:$0x1CA60] =	vst v63  }
0x26: {  	_ = 	snop  }
0x27: {  	[spmem:s12] =	stream.linear.scatter [tilespmem:s19], [sflag:$0x2], $0x2000, $0x38;
	[tilespmem:$0x1CA60] =	vst v63  }
0x28: {  	_ = 	snop  }
0x29: {  	[spmem:s13] =	stream.linear.scatter [tilespmem:s19], [sflag:$0x2], $0x2000, $0x38;
	[tilespmem:$0x1CA60] =	vst v63  }
0x2a: {  	_ = 	snop  }
0x2b: {  	[spmem:s14] =	stream.linear.scatter [tilespmem:s19], [sflag:$0x2], $0x2000, $0x38;
	[tilespmem:$0x1CA60] =	vst v63  }
0x2c: {  	_ =	swait.ge [sflag:s20], $0x2710  }
0x2d: {  	[sflag:s20] =	ssyncset.done $0x0  }
0x2e: {  	[sflag:s20] =	ssyncadd.s32 $0xFFFFD8F0  }
0x2f: {  	_ =	swait.ge [sflag:s20], $0x2710  }
0x30: {  	[sflag:s20] =	ssyncset.done $0x0  }
0x31: {  	[sflag:s20] =	ssyncadd.s32 $0xFFFFD8F0  }
0x32: {  	_ =	swait.ge [sflag:s21], $0x1388  }
0x33: {  	[sflag:s21] =	ssyncset.done $0x0  }
0x34: {  	[sflag:s21] =	ssyncadd.s32 $0xFFFFEC78  }
0x35: {  	_ =	swait.ge [sflag:s21], $0x2000  }
0x36: {  	[sflag:s21] =	ssyncset.done $0x0  }
0x37: {  	[sflag:s21] =	ssyncadd.s32 $0xFFFFE000  }
0x38: {  	_ =	swait.ge [sflag:s21], $0x2000  }
0x39: {  	[sflag:s21] =	ssyncset.done $0x0  }
0x3a: {  	[sflag:s21] =	ssyncadd.s32 $0xFFFFE000  }
0x3b: {  	_ =	swait.ge [sflag:s21], $0x2000  }
0x3c: {  	[sflag:s21] =	ssyncset.done $0x0  }
0x3d: {  	[sflag:s21] =	ssyncadd.s32 $0xFFFFE000  }
0x3e: {  	_ =	swait.ge [sflag:s21], $0x2000  }
0x3f: {  	[sflag:s21] =	ssyncset.done $0x0  }
0x40: {  	[sflag:s21] =	ssyncadd.s32 $0xFFFFE000  }
0x41: {  	_ =	swait.ge [sflag:s21], $0x2000  }
0x42: {  	[sflag:s21] =	ssyncset.done $0x0  }
0x43: {  	[sflag:s21] =	ssyncadd.s32 $0xFFFFE000  }
0x44: {  	s28 =	simm.s32 $0x0;
	[bflag:$0x0] =	sbarrier.arrive $0xFFFF  }
0x45: {  	[tilespmem:s19], [sflag:$0x1] =	stream.indirect.gather [spmem:s2], $0x40, s28, s22, $0xb8;
	[tilespmem:$0x1CA60] =	vst v63  }
0x46: {  	s18 =	simm.s32 $0x80  }
0x47: {  	[tilespmem:s23], [sflag:$0x2] =	stream.indirect.gather [spmem:s2], $0x40, s18, s22, $0xb8;
	[tilespmem:$0x1CA60] =	vst v63  }
0x48: {  	_ =	swait.ge [sflag:s20], $0x2000  }
0x49: {  	[sflag:s20] =	ssyncset.done $0x0  }
0x4a: {  	s25 =	simm.s32 $0x2710;
	[sflag:s20] =	ssyncadd.s32 $0xFFFFE000  }
0x4b: {  	[spmem:s3] =	stream.indirect.scatter.add.f32 [tilespmem:s19], [sflag:$0x3], $0x40, s25, s22, $0xb8;
	[tilespmem:$0x1CA60] =	vst v63  }
0x4c: {  	_ =	swait.ge [sflag:s24], $0x2000  }
0x4d: {  	[sflag:s24] =	ssyncset.done $0x0  }
0x4e: {  	s26 =	simm.s32 $0x100;
	[sflag:s24] =	ssyncadd.s32 $0xFFFFE000  }
0x4f: {  	[tilespmem:s19], [sflag:$0x1] =	stream.indirect.gather [spmem:s2], $0x40, s26, s22, $0xb8;
	[tilespmem:$0x1CA60] =	vst v63  }
0x50: {  	_ =	swait.ge [sflag:s21], $0x2000  }
0x51: {  	[sflag:s21] =	ssyncset.done $0x0  }
0x52: {  	s28 =	simm.s32 $0x2790;
	[sflag:s21] =	ssyncadd.s32 $0xFFFFE000  }
0x53: {  	[spmem:s3] =	stream.indirect.scatter.add.f32 [tilespmem:s23], [sflag:$0x3], $0x40, s28, s22, $0xb8;
	[tilespmem:$0x1CA60] =	vst v63  }
0x54: {  	_ =	swait.ge [sflag:s24], $0x2000  }
0x55: {  	s1 =	simm.s32 $0x100;
	s18 =	simm.s32 $0x800;
	[sflag:s24] =	ssyncset.done $0x0  }
.LBB2_4:
0x56: {  	s25 =	sadd.s32 $0x80, s1  }
0x57: {  	[sflag:s24] =	ssyncadd.s32 $0xFFFFE000;
	s26 =	smov.u32 s18;
	s28 =	sadd.s32 $0x400, s18  }
0x58: {  	[tilespmem:s23], [sflag:$0x2] =	stream.indirect.gather [spmem:s2], $0x40, s25, s22, $0xb8;
	[tilespmem:$0x1CA60] =	vst v63  }
0x59: {  	p0 =	sne.s32 s18, $0x9400;
	_ =	swait.ge [sflag:s20], $0x2000  }
0x5a: {  	[sflag:s20] =	ssyncset.done $0x0  }
0x5b: {  	s18 =	sadd.s32 $0x2710, s1;
	[sflag:s20] =	ssyncadd.s32 $0xFFFFE000  }
0x5c: {  	[spmem:s3] =	stream.indirect.scatter.add.f32 [tilespmem:s19], [sflag:$0x3], $0x40, s18, s22, $0xb8;
	[tilespmem:$0x1CA60] =	vst v63  }
0x5d: {  	_ =	swait.ge [sflag:s24], $0x2000  }
0x5e: {  	[sflag:s24] =	ssyncset.done $0x0  }
0x5f: {  	s18 =	sadd.s32 $0x100, s1;
	[sflag:s24] =	ssyncadd.s32 $0xFFFFE000  }
0x60: {  	[tilespmem:s19], [sflag:$0x1] =	stream.indirect.gather [spmem:s2], $0x40, s18, s22, $0xb8;
	[tilespmem:$0x1CA60] =	vst v63  }
0x61: {  	_ =	swait.ge [sflag:s21], $0x2000  }
.Ltmp1:
0x62: {  	[sflag:s21] =	ssyncset.done $0x0;
	(pc) =	sbr.rel @p0 .LBB2_4-.Ltmp1, $4  }
0x63: {  	s1 =	sadd.s32 $0x2790, s1;
	[sflag:s21] =	ssyncadd.s32 $0xFFFFE000  }
0x64: {  	[spmem:s3] =	stream.indirect.scatter.add.f32 [tilespmem:s23], [sflag:$0x3], $0x40, s1, s22, $0xb8;
	[tilespmem:$0x1CA60] =	vst v63  }
0x65: {  	_ =	swait.ge [sflag:s24], $0x2000  }
0x66: {  	s18 =	smov.u32 s28;
	s1 =	sshra.s32 s26, $0x2;
	[sflag:s24] =	ssyncset.done $0x0  }
0x67: {  	s18 =	sadd.s32 $0x80, s1;
	[sflag:s24] =	ssyncadd.s32 $0xFFFFE000  }
0x68: {  	[tilespmem:s23], [sflag:$0x2] =	stream.indirect.gather [spmem:s2], $0x40, s18, s22, $0xb8;
	[tilespmem:$0x1CA60] =	vst v63  }
0x69: {  	_ =	swait.ge [sflag:s20], $0x2000  }
0x6a: {  	[sflag:s20] =	ssyncset.done $0x0  }
0x6b: {  	s28 =	sadd.s32 $0x2710, s1;
	[sflag:s20] =	ssyncadd.s32 $0xFFFFE000  }
0x6c: {  	[spmem:s3] =	stream.indirect.scatter.add.f32 [tilespmem:s19], [sflag:$0x3], $0x40, s28, s22, $0xb8;
	[tilespmem:$0x1CA60] =	vst v63  }
0x6d: {  	_ =	swait.ge [sflag:s24], $0x2000  }
0x6e: {  	[sflag:s24] =	ssyncset.done $0x0  }
0x6f: {  	s25 =	sadd.s32 $0x100, s1;
	[sflag:s24] =	ssyncadd.s32 $0xFFFFE000  }
0x70: {  	[tilespmem:s19], [sflag:$0x1] =	stream.indirect.gather [spmem:s2], $0x40, s25, s22, $0xb8;
	[tilespmem:$0x1CA60] =	vst v63  }
0x71: {  	_ =	swait.ge [sflag:s21], $0x2000  }
0x72: {  	[sflag:s21] =	ssyncset.done $0x0  }
0x73: {  	s26 =	sadd.s32 $0x2790, s1;
	[sflag:s21] =	ssyncadd.s32 $0xFFFFE000  }
0x74: {  	[spmem:s3] =	stream.indirect.scatter.add.f32 [tilespmem:s23], [sflag:$0x3], $0x40, s26, s22, $0xb8;
	[tilespmem:$0x1CA60] =	vst v63  }
0x75: {  	_ =	swait.ge [sflag:s24], $0x2000  }
0x76: {  	[sflag:s24] =	ssyncset.done $0x0  }
0x77: {  	s28 =	simm.s32 $0x2680;
	[sflag:s24] =	ssyncadd.s32 $0xFFFFE000  }
0x78: {  	[tilespmem:s23], [sflag:$0x2] =	stream.indirect.gather [spmem:s2], $0x40, s28, s22, $0xb8;
	[tilespmem:$0x1CA60] =	vst v63  }
0x79: {  	_ =	swait.ge [sflag:s20], $0x2000  }
0x7a: {  	[sflag:s20] =	ssyncset.done $0x0  }
0x7b: {  	s18 =	simm.s32 $0x4D10;
	[sflag:s20] =	ssyncadd.s32 $0xFFFFE000  }
0x7c: {  	[spmem:s3] =	stream.indirect.scatter.add.f32 [tilespmem:s19], [sflag:$0x3], $0x40, s18, s22, $0xb8;
	[tilespmem:$0x1CA60] =	vst v63  }
0x7d: {  	_ =	swait.ge [sflag:s24], $0x2000  }
0x7e: {  	[sflag:s24] =	ssyncset.done $0x0  }
0x7f: {  	[sflag:s24] =	ssyncadd.s32 $0xFFFFE000  }
0x80: {  	_ =	swait.ge [sflag:s21], $0x2000  }
0x81: {  	[sflag:s21] =	ssyncset.done $0x0  }
0x82: {  	s25 =	simm.s32 $0x4D90;
	[sflag:s21] =	ssyncadd.s32 $0xFFFFE000  }
0x83: {  	[spmem:s3] =	stream.indirect.scatter.add.f32 [tilespmem:s23], [sflag:$0x3], $0x40, s25, s22, $0xb8;
	[tilespmem:$0x1CA60] =	vst v63  }
0x84: {  	_ =	swait.ge [sflag:s24], $0x2000  }
0x85: {  	[sflag:s24] =	ssyncset.done $0x0  }
0x86: {  	[sflag:s24] =	ssyncadd.s32 $0xFFFFE000  }
0x87: {  	[tilespmem:s19], [sflag:$0x3] =	stream.indirect.gather [spmem:s2], $0x40, s30, s29, $0xb8;
	[tilespmem:$0x1CA60] =	vst v63  }
0x88: {  	_ =	swait.ge [sflag:s24], $0x400  }
0x89: {  	[sflag:s24] =	ssyncset.done $0x0  }
0x8a: {  	[sflag:s24] =	ssyncadd.s32 $0xFFFFFC00  }
0x8b: {  	[spmem:s3] =	stream.indirect.scatter.add.f32 [tilespmem:s19], [sflag:$0x3], $0x40, s31, s29, $0xb8;
	[tilespmem:$0x1CA60] =	vst v63  }
0x8c: {  	_ =	swait.ge [sflag:s24], $0x400  }
0x8d: {  	s0 =	sadd.s32 $0x1, s0;
	[sflag:s24] =	ssyncset.done $0x0  }
0x8e: {  	p0 =	sne.s32 s0, s16;
	s26 =	sor.u32 $0x1C03, s6;
	[sflag:s24] =	ssyncadd.s32 $0xFFFFFC00  }
.Ltmp2:
0x8f: {  	s28 =	sshrl.u32 s10, $0x3;
	[bflag:$0x0] =	sbarrier.arrive $0xFFFF;
	(pc) =	sbr.rel @p0 .LBB2_1-.Ltmp2, $4  }
0x90: {  	[hbm:s15], [sflag:s26] =	dma.local [spmem:s28], $0x1400  }
0x91: {  	_ =	swait.ge [sflag:s24], $0x1400  }
0x92: {  	[sflag:s24] =	ssyncset.done $0x0  }
0x93: {  	[sflag:s24] =	ssyncadd.s32 $0xFFFFEC00  }
0x94: {  	_ =	sfence.sel $0x180000  }
0x95: {  	[bflag:$0x0] =	sbarrier.arrive $0xFFFF  }
0x96: {  	_ =	strace $0x90000050  }
0x97: {  	s0 =	stileid.u32;
	[bflag:$0x2] =	sbarrier.arrive $0xFFFF  }
0x98: {  	p0 =	sne.s32 s0, $0x0;
	s0 =	rddreg [dreg:$0x4]  }
0x99: {  	s0 =	sadd.s32 @!p0 $0x100000, s0  }
0x9a: {  	[sflag:s0] =	ssyncadd.tile.s32 @!p0 $0x1;
	_ =	shalt  }
.Lfunc_end2:
_tile_overlayer_lowered:
.L_overlay_start_2:
0x9b: {  	(tag) =	ssettag $0x2  }
0x9c: {  	s0 =	rddreg [dreg:$0x0];
	s2 =	stileid.u32  }
0x9d: {  	s1 =	rddreg [dreg:$0x1];
	p0 =	sne.s32 s2, $0x0  }
0x9e: {  	s3 =	rddreg [dreg:$0x2];
	[bflag:$0x3] =	sbarrier.arrive $0xFFFF;
	s2 =	simm.s32 @!p0 $0x1C03  }
0x9f: {  	[timem:s3], [sflag:s2] =	dma.local @!p0 [hbm:s0], s1  }
0xa0: {  	s0 =	simm.s32 @!p0 $0x3  }
0xa1: {  	_ =	swait.ge @!p0 [sflag:s0], s1  }
0xa2: {  	s1 =	ssub.s32 @!p0 $0x0, s1;
	[sflag:s0] =	ssyncset.done @!p0 $0x0  }
0xa3: {  	[sflag:s0] =	ssyncadd.s32 @!p0 s1  }
0xa4: {  	[bflag:$0x3] =	sbarrier.arrive $0xFFFF  }
0xa5: {  	_ =	shalt  }

</sc_bundles>
